<compile_context>
chip_gen: v7x
topology: tpu7x:2x2x1
jax: 0.10.2.dev20260603
libtpu: 0.0.44.dev20260713+nightly
codegen_flags: <defaults>
</compile_context>

<pallas_src>
import functools

import jax
import jax.numpy as jnp
import numpy as np
from jax import lax
from jax.experimental import pallas as pl
from jax.experimental.pallas import tpu as pltpu
from jax.experimental.pallas import tpu_sc as plsc

B = 8
C, H, W = 96, 224, 224
N = C * H * W
K = N // 2
NC, NS = 2, 16
NW = NC * NS
CPT = C // NW
HR = H // 2
NCHK = CPT * 2
VROW = W // 16

PASS_BITS = (11, 11, 10)
PASS_SHIFT = (21, 10, 0)

_MESH = plsc.VectorSubcoreMesh(core_axis_name="c", subcore_axis_name="s")


def _make_hist_pass(pass_idx: int):
    nbits = PASS_BITS[pass_idx]
    shift = PASS_SHIFT[pass_idx]
    nb = 1 << nbits
    have_prefix = pass_idx > 0
    pshift = shift + nbits

    @functools.partial(
        pl.kernel,
        out_type=jax.ShapeDtypeStruct((NW * B * nb,), jnp.int32),
        mesh=_MESH,
        scratch_types=[
            pltpu.VMEM((2, HR, W), jnp.float32),
            pltpu.VMEM((16,), jnp.uint32),
            pltpu.VMEM((nb,), jnp.int32),
            pltpu.VMEM((nb * 16,), jnp.int32),
            pltpu.SemaphoreType.DMA((2,)),
        ],
        compiler_params=pltpu.CompilerParams(
            needs_layout_passes=False, disable_bounds_checks=True),
    )
    def hist_kernel(x_hbm, pref_hbm, out_hbm, buf, pv, rh, hist, sem):
        wid = lax.axis_index("c") * NS + lax.axis_index("s")
        lanes = lax.iota(jnp.int32, 16)
        lvec = lanes * nb
        ones = jnp.full((16,), 1, jnp.int32)
        zv = jnp.zeros((16,), jnp.int32)
        ch0 = wid * CPT

        def issue(row, k):
            slot = k & 1
            pltpu.async_copy(
                x_hbm.at[row, ch0 + (k >> 1), pl.ds((k & 1) * HR, HR)],
                buf.at[slot], sem.at[slot])

        issue(0, 0)

        def zero_body(i, _):
            hist[pl.ds(i * 16, 16)] = zv
            return 0
        lax.fori_loop(0, nb, zero_body, 0)

        def row_body(row, _):
            if have_prefix:
                pltpu.sync_copy(pref_hbm.at[pl.ds(row * 16, 16)], pv)
                pvv = pv[...]

            def chunk_body(k, _):
                slot = k & 1
                pltpu.make_async_copy(
                    x_hbm.at[0, 0, pl.ds(0, HR)], buf.at[slot], sem.at[slot]
                ).wait()

                @pl.when(k + 1 < NCHK)
                def _():
                    issue(row, k + 1)

                @pl.when((k + 1 >= NCHK) & (row + 1 < B))
                def _():
                    issue(row + 1, 0)

                @plsc.parallel_loop(0, HR)
                def vec_body(r):
                    xs = [buf[slot, r, pl.ds(vv * 16, 16)] for vv in range(VROW)]
                    ms = []
                    for xv in xs:
                        u = lax.bitcast_convert_type(xv, jnp.uint32)
                        s = lax.shift_right_logical(u, jnp.uint32(31))
                        ms.append(u ^ ((jnp.uint32(0) - s) | jnp.uint32(0x80000000)))
                    def binof(m):
                        if shift + nbits == 32:
                            return lax.shift_right_logical(m, jnp.uint32(shift))
                        hi = lax.shift_left(m, jnp.uint32(32 - shift - nbits))
                        return lax.shift_right_logical(hi, jnp.uint32(32 - nbits))

                    addrs = [
                        lvec | lax.bitcast_convert_type(binof(m), jnp.int32)
                        for m in ms
                    ]
                    if have_prefix:
                        acts = [lax.shift_right_logical(m, jnp.uint32(pshift)) == pvv
                                for m in ms]
                        for addr, act in zip(addrs, acts):
                            plsc.addupdate_scatter(hist, [addr], ones, mask=act)
                    else:
                        for addr in addrs:
                            plsc.addupdate_scatter(hist, [addr], ones)

                return 0

            lax.fori_loop(0, NCHK, chunk_body, 0)

            def red_body(g, _):
                acc = zv
                for l in range(16):
                    off = l * nb + g * 16
                    acc = acc + hist[pl.ds(off, 16)]
                    hist[pl.ds(off, 16)] = zv
                rh[pl.ds(g * 16, 16)] = acc
                return 0

            lax.fori_loop(0, nb // 16, red_body, 0)
            pltpu.sync_copy(rh, out_hbm.at[pl.ds((wid * B + row) * nb, nb)])
            return 0

        lax.fori_loop(0, B, row_body, 0)

    return hist_kernel, nb


_HIST_PASSES = tuple(_make_hist_pass(i) for i in range(len(PASS_BITS)))

CB = 8
NG = C // CB


def _mask_body(thr_ref, x_ref, o_ref):
    t = thr_ref[0, 0, 0, 0]
    xb = x_ref[...]
    o_ref[...] = jnp.where(xb >= t, xb, jnp.float32(0.0))


_mask_call = pl.pallas_call(
    _mask_body,
    grid=(B, NG),
    in_specs=[
        pl.BlockSpec((1, 1, 1, 1), lambda i, j: (i, 0, 0, 0),
                     memory_space=pltpu.SMEM),
        pl.BlockSpec((1, CB, H, W), lambda i, j: (i, j, 0, 0)),
    ],
    out_specs=pl.BlockSpec((1, CB, H, W), lambda i, j: (i, j, 0, 0)),
    out_shape=jax.ShapeDtypeStruct((B, C, H, W), jnp.float32),
    compiler_params=pltpu.CompilerParams(
        dimension_semantics=("parallel", "parallel")),
)


def _select_bin(hist_rows, kk, nb):
    rc = jnp.cumsum(hist_rows[:, ::-1], axis=1)[:, ::-1]
    ge = rc >= kk[:, None]
    binidx = jnp.argmax(jnp.where(ge, jnp.arange(nb)[None, :], -1), axis=1)
    rc_b = jnp.take_along_axis(rc, binidx[:, None], axis=1)[:, 0]
    h_b = jnp.take_along_axis(hist_rows, binidx[:, None], axis=1)[:, 0]
    k_next = kk - (rc_b - h_b)
    return binidx, k_next


@jax.jit
def kernel(x):
    prefix = jnp.zeros((B,), jnp.uint32)
    kk = jnp.full((B,), K, jnp.int32)

    for pidx, (hist_pass, nb) in enumerate(_HIST_PASSES):
        pref_splat = jnp.broadcast_to(prefix[:, None], (B, 16)).reshape(-1)
        hist_flat = hist_pass(x, pref_splat)
        hist_rows = hist_flat.reshape(NW, B, nb).sum(axis=0)
        binidx, kk = _select_bin(hist_rows, kk, nb)
        prefix = (prefix << PASS_BITS[pidx]) | binidx.astype(jnp.uint32)

    sgn = prefix >> 31
    u = jnp.where(sgn == 1, prefix ^ jnp.uint32(0x80000000), ~prefix)
    topval = lax.bitcast_convert_type(u, jnp.float32)

    return _mask_call(topval[:, None, None, None], x)

# --- scband reference (transcript-rebuilt; emitter-appended) ---
"""Pipeline reference for scband-sparsify2-d-vol-987842478199 (READ-ONLY COPY).

The authoritative reference and input builder live on the scoring server;
editing this copy changes nothing except your own understanding.
"""

import jax, jax.numpy as jnp
import numpy as np


def setup_inputs(seed: int = 0) -> dict:
    key = jax.random.key(seed)
    x = jax.random.normal(key, (8, 96, 224, 224), dtype=jnp.float32)
    return {"x": x}


def reference(x):
    # Sparsify2D_vol: cross-channel sparsify.
    # k = int(sr * C*H*W); threshold each sample at its k-th largest value.
    sr = 0.5
    B = x.shape[0]
    size = x.shape[1] * x.shape[2] * x.shape[3]
    k = int(sr * size)
    tmpx = x.reshape(B, -1)
    # torch: tmpx.topk(k, dim=1)[0][:, -1] == k-th largest value per row.
    # Equivalent: ascending sort, take index (size - k).
    sorted_asc = jnp.sort(tmpx, axis=1)
    topval = sorted_asc[:, size - k]
    topval_b = topval[:, None, None, None]
    comp = (x >= topval_b).astype(x.dtype)
    return comp * x

if __name__ == "__main__":
    import jax
    _d = setup_inputs()
    print(jax.jit(kernel)(*tuple(_d.values())))

</pallas_src>

<mosaic_0001>
#map = affine_map<(d0, d1) -> (0, 0, 0, 0)>
#map1 = affine_map<(d0, d1) -> (0)>
module attributes {stable_mosaic.version = 14 : i64} {
  func.func @hist_kernel(%arg0: i32, %arg1: i32, %arg2: memref<8x96x224x224xf32, #tpu.memory_space<hbm>>, %arg3: memref<128xi32, #tpu.memory_space<hbm>>, %arg4: memref<524288xi32, #tpu.memory_space<hbm>>, %arg5: memref<2x112x224xf32, #tpu.memory_space<vmem>>, %arg6: memref<16xi32, #tpu.memory_space<vmem>>, %arg7: memref<2048xi32, #tpu.memory_space<vmem>>, %arg8: memref<32768xi32, #tpu.memory_space<vmem>>, %arg9: memref<2x!tpu.dma_semaphore, #tpu.memory_space<semaphore_mem>>) attributes {dimension_semantics = [#tpu.dimension_semantics<core_parallel>, #tpu.dimension_semantics<subcore_parallel>], iteration_bounds = array<i64: 2, 16>, scalar_prefetch = 0 : i64, scratch_operands = 5 : i64, tpu.core_type = #tpu.core_type<sc_vector_subcore>, window_params = [{transform_indices = #map}, {transform_indices = #map1}, {transform_indices = #map1}]} {
    %mul3A = arith.constant 16 : i32
    %mul3A_0 = arith.muli %arg0, %mul3A : i32
    %add3A = arith.addi %mul3A_0, %arg1 : i32
    %iota3A = tpu.iota {dimensions = array<i32: 0>} : vector<16xi32>
    %mul3A_1 = arith.constant 2048 : i32
    %mul3A_2 = vector.broadcast %mul3A_1 : i32 to vector<16xi32>
    %mul3A_3 = arith.muli %iota3A, %mul3A_2 : vector<16xi32>
    %broadcast_in_dim3A = arith.constant 1 : i32
    %broadcast_in_dim3A_4 = vector.broadcast %broadcast_in_dim3A : i32 to vector<16xi32>
    %broadcast_in_dim3A_5 = arith.constant 0 : i32
    %broadcast_in_dim3A_6 = vector.broadcast %broadcast_in_dim3A_5 : i32 to vector<16xi32>
    %mul3A_7 = arith.constant 3 : i32
    %mul3A_8 = arith.muli %add3A, %mul3A_7 : i32
    %add3A_9 = arith.constant 0 : i32
    %add3A_10 = arith.addi %mul3A_8, %add3A_9 : i32
    %dma_start3A = arith.constant 0 : i32
    %dma_start3A_11 = arith.constant 0 : i32
    %dma_start3A_12 = arith.constant 0 : i32
    %dma_start3A_13 = arith.constant 0 : i32
    %dma_start3A_14 = arith.constant 0 : i32
    %dma_start3A_15 = tpu.memref_slice %arg5[%dma_start3A_11, %dma_start3A_13, %dma_start3A_14] : memref<2x112x224xf32, #tpu.memory_space<vmem>> -> memref<1x112x224xf32, #tpu.memory_space<vmem>>
    %dma_start3A_16 = tpu.memref_squeeze %dma_start3A_15 : memref<1x112x224xf32, #tpu.memory_space<vmem>> -> memref<112x224xf32, #tpu.memory_space<vmem>>
    %dma_start3A_17 = arith.constant 0 : i32
    %dma_start3A_18 = arith.constant 0 : i32
    %dma_start3A_19 = tpu.memref_slice %arg2[%dma_start3A, %add3A_10, %dma_start3A_17, %dma_start3A_18] : memref<8x96x224x224xf32, #tpu.memory_space<hbm>> -> memref<1x1x112x224xf32, #tpu.memory_space<hbm>>
    %dma_start3A_20 = tpu.memref_squeeze %dma_start3A_19 : memref<1x1x112x224xf32, #tpu.memory_space<hbm>> -> memref<112x224xf32, #tpu.memory_space<hbm>>
    %dma_start3A_21 = tpu.memref_slice %arg9[%dma_start3A_12] : memref<2x!tpu.dma_semaphore, #tpu.memory_space<semaphore_mem>> -> memref<1x!tpu.dma_semaphore, #tpu.memory_space<semaphore_mem>>
    %dma_start3A_22 = tpu.memref_squeeze %dma_start3A_21 : memref<1x!tpu.dma_semaphore, #tpu.memory_space<semaphore_mem>> -> memref<!tpu.dma_semaphore, #tpu.memory_space<semaphore_mem>>
    %dma_start3A_23 = arith.constant 0 : i32
    %dma_start3A_24 = arith.constant 0 : i32
    %dma_start3A_25 = tpu.memref_slice %arg5[%dma_start3A_11, %dma_start3A_23, %dma_start3A_24] : memref<2x112x224xf32, #tpu.memory_space<vmem>> -> memref<1x112x224xf32, #tpu.memory_space<vmem>>
    %dma_start3A_26 = tpu.memref_squeeze %dma_start3A_25 : memref<1x112x224xf32, #tpu.memory_space<vmem>> -> memref<112x224xf32, #tpu.memory_space<vmem>>
    %dma_start3A_27 = arith.constant 0 : i32
    %dma_start3A_28 = arith.constant 0 : i32
    %dma_start3A_29 = tpu.memref_slice %arg2[%dma_start3A, %add3A_10, %dma_start3A_27, %dma_start3A_28] : memref<8x96x224x224xf32, #tpu.memory_space<hbm>> -> memref<1x1x112x224xf32, #tpu.memory_space<hbm>>
    %dma_start3A_30 = tpu.memref_squeeze %dma_start3A_29 : memref<1x1x112x224xf32, #tpu.memory_space<hbm>> -> memref<112x224xf32, #tpu.memory_space<hbm>>
    tpu.enqueue_dma source(%dma_start3A_30 : memref<112x224xf32, #tpu.memory_space<hbm>>) target(%dma_start3A_26 : memref<112x224xf32, #tpu.memory_space<vmem>>) target_semaphore(%dma_start3A_22 : memref<!tpu.dma_semaphore, #tpu.memory_space<semaphore_mem>>)
    %scan3A = arith.constant 0 : i32
    %scan3A_31 = arith.constant 0 : i32
    %scan3A_32 = arith.constant 2048 : i32
    %scan3A_33 = arith.addi %scan3A_31, %scan3A_32 : i32
    %scan3A_34 = arith.constant 1 : i32
    %scan3A_35 = scf.for %scan3A_44 = %scan3A_31 to %scan3A_33 step %scan3A_34 iter_args(%scan3A_45 = %scan3A) -> (i32)  : i32 {
      %mul3A_46 = arith.constant 16 : i32
      %mul3A_47 = arith.muli %scan3A_44, %mul3A_46 : i32
      %swap3A = arith.index_cast %mul3A_47 : i32 to index
      %swap3A_48 = tpu.vector_load %arg8[%swap3A] {strides = array<i32>} : memref<32768xi32, #tpu.memory_space<vmem>>, vector<16xi32>,
      tpu.vector_store %arg8[%swap3A], %broadcast_in_dim3A_6 {strides = array<i32>} : memref<32768xi32, #tpu.memory_space<vmem>>, vector<16xi32>,
      %scan3A_49 = arith.constant 0 : i32
      scf.yield %scan3A_49 : i32
    }
    %scan3A_36 = arith.constant 2048 : i32
    %scan3A_37 = arith.constant 0 : i32
    %scan3A_38 = arith.constant 0 : i32
    %scan3A_39 = arith.constant 8 : i32
    %scan3A_40 = arith.addi %scan3A_38, %scan3A_39 : i32
    %scan3A_41 = arith.constant 1 : i32
    %scan3A_42 = scf.for %scan3A_44 = %scan3A_38 to %scan3A_40 step %scan3A_41 iter_args(%scan3A_45 = %scan3A_37) -> (i32)  : i32 {
      %scan3A_46 = arith.constant 0 : i32
      %scan3A_47 = arith.constant 0 : i32
      %scan3A_48 = arith.constant 6 : i32
      %scan3A_49 = arith.addi %scan3A_47, %scan3A_48 : i32
      %scan3A_50 = arith.constant 1 : i32
      %scan3A_51 = scf.for %scan3A_66 = %scan3A_47 to %scan3A_49 step %scan3A_50 iter_args(%scan3A_67 = %scan3A_46) -> (i32)  : i32 {
        %and3A = arith.constant 1 : i32
        %and3A_68 = arith.andi %scan3A_66, %and3A : i32
        %dma_wait3A = arith.constant 0 : i32
        %dma_wait3A_69 = arith.constant 0 : i32
        %dma_wait3A_70 = arith.constant 0 : i32
        %dma_wait3A_71 = arith.constant 0 : i32
        %dma_wait3A_72 = tpu.memref_slice %arg5[%and3A_68, %dma_wait3A_70, %dma_wait3A_71] : memref<2x112x224xf32, #tpu.memory_space<vmem>> -> memref<1x112x224xf32, #tpu.memory_space<vmem>>
        %dma_wait3A_73 = tpu.memref_squeeze %dma_wait3A_72 : memref<1x112x224xf32, #tpu.memory_space<vmem>> -> memref<112x224xf32, #tpu.memory_space<vmem>>
        %dma_wait3A_74 = arith.constant 0 : i32
        %dma_wait3A_75 = arith.constant 0 : i32
        %dma_wait3A_76 = tpu.memref_slice %arg2[%dma_wait3A, %dma_wait3A_69, %dma_wait3A_74, %dma_wait3A_75] : memref<8x96x224x224xf32, #tpu.memory_space<hbm>> -> memref<1x1x112x224xf32, #tpu.memory_space<hbm>>
        %dma_wait3A_77 = tpu.memref_squeeze %dma_wait3A_76 : memref<1x1x112x224xf32, #tpu.memory_space<hbm>> -> memref<112x224xf32, #tpu.memory_space<hbm>>
        %dma_wait3A_78 = tpu.memref_slice %arg9[%and3A_68] : memref<2x!tpu.dma_semaphore, #tpu.memory_space<semaphore_mem>> -> memref<1x!tpu.dma_semaphore, #tpu.memory_space<semaphore_mem>>
        %dma_wait3A_79 = tpu.memref_squeeze %dma_wait3A_78 : memref<1x!tpu.dma_semaphore, #tpu.memory_space<semaphore_mem>> -> memref<!tpu.dma_semaphore, #tpu.memory_space<semaphore_mem>>
        %dma_wait3A_80 = arith.constant 0 : i32
        %dma_wait3A_81 = arith.constant 0 : i32
        %dma_wait3A_82 = tpu.memref_slice %arg5[%and3A_68, %dma_wait3A_80, %dma_wait3A_81] : memref<2x112x224xf32, #tpu.memory_space<vmem>> -> memref<1x112x224xf32, #tpu.memory_space<vmem>>
        %dma_wait3A_83 = tpu.memref_squeeze %dma_wait3A_82 : memref<1x112x224xf32, #tpu.memory_space<vmem>> -> memref<112x224xf32, #tpu.memory_space<vmem>>
        %dma_wait3A_84 = arith.constant 0 : i32
        %dma_wait3A_85 = arith.constant 0 : i32
        %dma_wait3A_86 = tpu.memref_slice %arg2[%dma_wait3A, %dma_wait3A_69, %dma_wait3A_84, %dma_wait3A_85] : memref<8x96x224x224xf32, #tpu.memory_space<hbm>> -> memref<1x1x112x224xf32, #tpu.memory_space<hbm>>
        %dma_wait3A_87 = tpu.memref_squeeze %dma_wait3A_86 : memref<1x1x112x224xf32, #tpu.memory_space<hbm>> -> memref<112x224xf32, #tpu.memory_space<hbm>>
        tpu.wait_dma2 semaphore(%dma_wait3A_79 : memref<!tpu.dma_semaphore, #tpu.memory_space<semaphore_mem>>) src(%dma_wait3A_87 : memref<112x224xf32, #tpu.memory_space<hbm>>) dst(%dma_wait3A_83 : memref<112x224xf32, #tpu.memory_space<vmem>>)
        %add3A_88 = arith.constant 1 : i32
        %add3A_89 = arith.addi %scan3A_66, %add3A_88 : i32
        %lt3A = arith.constant 6 : i32
        %lt3A_90 = arith.cmpi slt, %add3A_89, %lt3A : i32
        %convert_element_type3A = arith.extui %lt3A_90 : i1 to i32
        %cond3A = arith.constant 0 : i32
        %cond3A_91 = arith.cmpi ne, %convert_element_type3A, %cond3A : i32
        scf.if %cond3A_91 {
          %add3A_106 = arith.constant 1 : i32
          %add3A_107 = arith.addi %scan3A_66, %add3A_106 : i32
          %and3A_108 = arith.constant 1 : i32
          %and3A_109 = arith.andi %add3A_107, %and3A_108 : i32
          %shift_right_arithmetic3A = arith.constant 1 : i32
          %shift_right_arithmetic3A_110 = arith.shrsi %add3A_107, %shift_right_arithmetic3A : i32
          %add3A_111 = arith.addi %mul3A_8, %shift_right_arithmetic3A_110 : i32
          %and3A_112 = arith.constant 1 : i32
          %and3A_113 = arith.andi %add3A_107, %and3A_112 : i32
          %mul3A_114 = arith.constant 112 : i32
          %mul3A_115 = arith.muli %and3A_113, %mul3A_114 : i32
          %dma_start3A_116 = arith.constant 0 : i32
          %dma_start3A_117 = arith.constant 0 : i32
          %dma_start3A_118 = tpu.memref_slice %arg5[%and3A_109, %dma_start3A_116, %dma_start3A_117] : memref<2x112x224xf32, #tpu.memory_space<vmem>> -> memref<1x112x224xf32, #tpu.memory_space<vmem>>
          %dma_start3A_119 = tpu.memref_squeeze %dma_start3A_118 : memref<1x112x224xf32, #tpu.memory_space<vmem>> -> memref<112x224xf32, #tpu.memory_space<vmem>>
          %dma_start3A_120 = arith.constant 0 : i32
          %dma_start3A_121 = tpu.memref_slice %arg2[%scan3A_44, %add3A_111, %mul3A_115, %dma_start3A_120] : memref<8x96x224x224xf32, #tpu.memory_space<hbm>> -> memref<1x1x112x224xf32, #tpu.memory_space<hbm>>
          %dma_start3A_122 = tpu.memref_squeeze %dma_start3A_121 : memref<1x1x112x224xf32, #tpu.memory_space<hbm>> -> memref<112x224xf32, #tpu.memory_space<hbm>>
          %dma_start3A_123 = tpu.memref_slice %arg9[%and3A_109] : memref<2x!tpu.dma_semaphore, #tpu.memory_space<semaphore_mem>> -> memref<1x!tpu.dma_semaphore, #tpu.memory_space<semaphore_mem>>
          %dma_start3A_124 = tpu.memref_squeeze %dma_start3A_123 : memref<1x!tpu.dma_semaphore, #tpu.memory_space<semaphore_mem>> -> memref<!tpu.dma_semaphore, #tpu.memory_space<semaphore_mem>>
          %dma_start3A_125 = arith.constant 0 : i32
          %dma_start3A_126 = arith.constant 0 : i32
          %dma_start3A_127 = tpu.memref_slice %arg5[%and3A_109, %dma_start3A_125, %dma_start3A_126] : memref<2x112x224xf32, #tpu.memory_space<vmem>> -> memref<1x112x224xf32, #tpu.memory_space<vmem>>
          %dma_start3A_128 = tpu.memref_squeeze %dma_start3A_127 : memref<1x112x224xf32, #tpu.memory_space<vmem>> -> memref<112x224xf32, #tpu.memory_space<vmem>>
          %dma_start3A_129 = arith.constant 0 : i32
          %dma_start3A_130 = tpu.memref_slice %arg2[%scan3A_44, %add3A_111, %mul3A_115, %dma_start3A_129] : memref<8x96x224x224xf32, #tpu.memory_space<hbm>> -> memref<1x1x112x224xf32, #tpu.memory_space<hbm>>
          %dma_start3A_131 = tpu.memref_squeeze %dma_start3A_130 : memref<1x1x112x224xf32, #tpu.memory_space<hbm>> -> memref<112x224xf32, #tpu.memory_space<hbm>>
          tpu.enqueue_dma source(%dma_start3A_131 : memref<112x224xf32, #tpu.memory_space<hbm>>) target(%dma_start3A_128 : memref<112x224xf32, #tpu.memory_space<vmem>>) target_semaphore(%dma_start3A_124 : memref<!tpu.dma_semaphore, #tpu.memory_space<semaphore_mem>>)
        } else {
        }
        %add3A_92 = arith.constant 1 : i32
        %add3A_93 = arith.addi %scan3A_66, %add3A_92 : i32
        %ge3A = arith.constant 6 : i32
        %ge3A_94 = arith.cmpi sge, %add3A_93, %ge3A : i32
        %add3A_95 = arith.constant 1 : i32
        %add3A_96 = arith.addi %scan3A_44, %add3A_95 : i32
        %lt3A_97 = arith.constant 8 : i32
        %lt3A_98 = arith.cmpi slt, %add3A_96, %lt3A_97 : i32
        %and3A_99 = arith.andi %ge3A_94, %lt3A_98 : i1
        %convert_element_type3A_100 = arith.extui %and3A_99 : i1 to i32
        %cond3A_101 = arith.constant 0 : i32
        %cond3A_102 = arith.cmpi ne, %convert_element_type3A_100, %cond3A_101 : i32
        scf.if %cond3A_102 {
          %add3A_106 = arith.constant 1 : i32
          %add3A_107 = arith.addi %scan3A_44, %add3A_106 : i32
          %add3A_108 = arith.constant 0 : i32
          %add3A_109 = arith.addi %mul3A_8, %add3A_108 : i32
          %dma_start3A_110 = arith.constant 0 : i32
          %dma_start3A_111 = arith.constant 0 : i32
          %dma_start3A_112 = arith.constant 0 : i32
          %dma_start3A_113 = arith.constant 0 : i32
          %dma_start3A_114 = tpu.memref_slice %arg5[%dma_start3A_110, %dma_start3A_112, %dma_start3A_113] : memref<2x112x224xf32, #tpu.memory_space<vmem>> -> memref<1x112x224xf32, #tpu.memory_space<vmem>>
          %dma_start3A_115 = tpu.memref_squeeze %dma_start3A_114 : memref<1x112x224xf32, #tpu.memory_space<vmem>> -> memref<112x224xf32, #tpu.memory_space<vmem>>
          %dma_start3A_116 = arith.constant 0 : i32
          %dma_start3A_117 = arith.constant 0 : i32
          %dma_start3A_118 = tpu.memref_slice %arg2[%add3A_107, %add3A_109, %dma_start3A_116, %dma_start3A_117] : memref<8x96x224x224xf32, #tpu.memory_space<hbm>> -> memref<1x1x112x224xf32, #tpu.memory_space<hbm>>
          %dma_start3A_119 = tpu.memref_squeeze %dma_start3A_118 : memref<1x1x112x224xf32, #tpu.memory_space<hbm>> -> memref<112x224xf32, #tpu.memory_space<hbm>>
          %dma_start3A_120 = tpu.memref_slice %arg9[%dma_start3A_111] : memref<2x!tpu.dma_semaphore, #tpu.memory_space<semaphore_mem>> -> memref<1x!tpu.dma_semaphore, #tpu.memory_space<semaphore_mem>>
          %dma_start3A_121 = tpu.memref_squeeze %dma_start3A_120 : memref<1x!tpu.dma_semaphore, #tpu.memory_space<semaphore_mem>> -> memref<!tpu.dma_semaphore, #tpu.memory_space<semaphore_mem>>
          %dma_start3A_122 = arith.constant 0 : i32
          %dma_start3A_123 = arith.constant 0 : i32
          %dma_start3A_124 = tpu.memref_slice %arg5[%dma_start3A_110, %dma_start3A_122, %dma_start3A_123] : memref<2x112x224xf32, #tpu.memory_space<vmem>> -> memref<1x112x224xf32, #tpu.memory_space<vmem>>
          %dma_start3A_125 = tpu.memref_squeeze %dma_start3A_124 : memref<1x112x224xf32, #tpu.memory_space<vmem>> -> memref<112x224xf32, #tpu.memory_space<vmem>>
          %dma_start3A_126 = arith.constant 0 : i32
          %dma_start3A_127 = arith.constant 0 : i32
          %dma_start3A_128 = tpu.memref_slice %arg2[%add3A_107, %add3A_109, %dma_start3A_126, %dma_start3A_127] : memref<8x96x224x224xf32, #tpu.memory_space<hbm>> -> memref<1x1x112x224xf32, #tpu.memory_space<hbm>>
          %dma_start3A_129 = tpu.memref_squeeze %dma_start3A_128 : memref<1x1x112x224xf32, #tpu.memory_space<hbm>> -> memref<112x224xf32, #tpu.memory_space<hbm>>
          tpu.enqueue_dma source(%dma_start3A_129 : memref<112x224xf32, #tpu.memory_space<hbm>>) target(%dma_start3A_125 : memref<112x224xf32, #tpu.memory_space<vmem>>) target_semaphore(%dma_start3A_121 : memref<!tpu.dma_semaphore, #tpu.memory_space<semaphore_mem>>)
        } else {
        }
        %parallel_loop3A = arith.constant 0 : i32
        %parallel_loop3A_103 = arith.constant 112 : i32
        %parallel_loop3A_104 = arith.constant 1 : i32
        scf.for %parallel_loop3A_106 = %parallel_loop3A to %parallel_loop3A_103 step %parallel_loop3A_104  : i32 {
          %parallel_loop3A_107 = arith.index_cast %and3A_68 : i32 to index
          %parallel_loop3A_108 = arith.index_cast %parallel_loop3A_106 : i32 to index
          %parallel_loop3A_109 = arith.constant 0 : index
          %parallel_loop3A_110 = tpu.vector_load %arg5[%parallel_loop3A_107, %parallel_loop3A_108, %parallel_loop3A_109] {strides = array<i32>} : memref<2x112x224xf32, #tpu.memory_space<vmem>>, vector<16xf32>,
          %parallel_loop3A_111 = arith.index_cast %and3A_68 : i32 to index
          %parallel_loop3A_112 = arith.index_cast %parallel_loop3A_106 : i32 to index
          %parallel_loop3A_113 = arith.constant 16 : index
          %parallel_loop3A_114 = tpu.vector_load %arg5[%parallel_loop3A_111, %parallel_loop3A_112, %parallel_loop3A_113] {strides = array<i32>} : memref<2x112x224xf32, #tpu.memory_space<vmem>>, vector<16xf32>,
          %parallel_loop3A_115 = arith.index_cast %and3A_68 : i32 to index
          %parallel_loop3A_116 = arith.index_cast %parallel_loop3A_106 : i32 to index
          %parallel_loop3A_117 = arith.constant 32 : index
          %parallel_loop3A_118 = tpu.vector_load %arg5[%parallel_loop3A_115, %parallel_loop3A_116, %parallel_loop3A_117] {strides = array<i32>} : memref<2x112x224xf32, #tpu.memory_space<vmem>>, vector<16xf32>,
          %parallel_loop3A_119 = arith.index_cast %and3A_68 : i32 to index
          %parallel_loop3A_120 = arith.index_cast %parallel_loop3A_106 : i32 to index
          %parallel_loop3A_121 = arith.constant 48 : index
          %parallel_loop3A_122 = tpu.vector_load %arg5[%parallel_loop3A_119, %parallel_loop3A_120, %parallel_loop3A_121] {strides = array<i32>} : memref<2x112x224xf32, #tpu.memory_space<vmem>>, vector<16xf32>,
          %parallel_loop3A_123 = arith.index_cast %and3A_68 : i32 to index
          %parallel_loop3A_124 = arith.index_cast %parallel_loop3A_106 : i32 to index
          %parallel_loop3A_125 = arith.constant 64 : index
          %parallel_loop3A_126 = tpu.vector_load %arg5[%parallel_loop3A_123, %parallel_loop3A_124, %parallel_loop3A_125] {strides = array<i32>} : memref<2x112x224xf32, #tpu.memory_space<vmem>>, vector<16xf32>,
          %parallel_loop3A_127 = arith.index_cast %and3A_68 : i32 to index
          %parallel_loop3A_128 = arith.index_cast %parallel_loop3A_106 : i32 to index
          %parallel_loop3A_129 = arith.constant 80 : index
          %parallel_loop3A_130 = tpu.vector_load %arg5[%parallel_loop3A_127, %parallel_loop3A_128, %parallel_loop3A_129] {strides = array<i32>} : memref<2x112x224xf32, #tpu.memory_space<vmem>>, vector<16xf32>,
          %parallel_loop3A_131 = arith.index_cast %and3A_68 : i32 to index
          %parallel_loop3A_132 = arith.index_cast %parallel_loop3A_106 : i32 to index
          %parallel_loop3A_133 = arith.constant 96 : index
          %parallel_loop3A_134 = tpu.vector_load %arg5[%parallel_loop3A_131, %parallel_loop3A_132, %parallel_loop3A_133] {strides = array<i32>} : memref<2x112x224xf32, #tpu.memory_space<vmem>>, vector<16xf32>,
          %parallel_loop3A_135 = arith.index_cast %and3A_68 : i32 to index
          %parallel_loop3A_136 = arith.index_cast %parallel_loop3A_106 : i32 to index
          %parallel_loop3A_137 = arith.constant 112 : index
          %parallel_loop3A_138 = tpu.vector_load %arg5[%parallel_loop3A_135, %parallel_loop3A_136, %parallel_loop3A_137] {strides = array<i32>} : memref<2x112x224xf32, #tpu.memory_space<vmem>>, vector<16xf32>,
          %parallel_loop3A_139 = arith.index_cast %and3A_68 : i32 to index
          %parallel_loop3A_140 = arith.index_cast %parallel_loop3A_106 : i32 to index
          %parallel_loop3A_141 = arith.constant 128 : index
          %parallel_loop3A_142 = tpu.vector_load %arg5[%parallel_loop3A_139, %parallel_loop3A_140, %parallel_loop3A_141] {strides = array<i32>} : memref<2x112x224xf32, #tpu.memory_space<vmem>>, vector<16xf32>,
          %parallel_loop3A_143 = arith.index_cast %and3A_68 : i32 to index
          %parallel_loop3A_144 = arith.index_cast %parallel_loop3A_106 : i32 to index
          %parallel_loop3A_145 = arith.constant 144 : index
          %parallel_loop3A_146 = tpu.vector_load %arg5[%parallel_loop3A_143, %parallel_loop3A_144, %parallel_loop3A_145] {strides = array<i32>} : memref<2x112x224xf32, #tpu.memory_space<vmem>>, vector<16xf32>,
          %parallel_loop3A_147 = arith.index_cast %and3A_68 : i32 to index
          %parallel_loop3A_148 = arith.index_cast %parallel_loop3A_106 : i32 to index
          %parallel_loop3A_149 = arith.constant 160 : index
          %parallel_loop3A_150 = tpu.vector_load %arg5[%parallel_loop3A_147, %parallel_loop3A_148, %parallel_loop3A_149] {strides = array<i32>} : memref<2x112x224xf32, #tpu.memory_space<vmem>>, vector<16xf32>,
          %parallel_loop3A_151 = arith.index_cast %and3A_68 : i32 to index
          %parallel_loop3A_152 = arith.index_cast %parallel_loop3A_106 : i32 to index
          %parallel_loop3A_153 = arith.constant 176 : index
          %parallel_loop3A_154 = tpu.vector_load %arg5[%parallel_loop3A_151, %parallel_loop3A_152, %parallel_loop3A_153] {strides = array<i32>} : memref<2x112x224xf32, #tpu.memory_space<vmem>>, vector<16xf32>,
          %parallel_loop3A_155 = arith.index_cast %and3A_68 : i32 to index
          %parallel_loop3A_156 = arith.index_cast %parallel_loop3A_106 : i32 to index
          %parallel_loop3A_157 = arith.constant 192 : index
          %parallel_loop3A_158 = tpu.vector_load %arg5[%parallel_loop3A_155, %parallel_loop3A_156, %parallel_loop3A_157] {strides = array<i32>} : memref<2x112x224xf32, #tpu.memory_space<vmem>>, vector<16xf32>,
          %parallel_loop3A_159 = arith.index_cast %and3A_68 : i32 to index
          %parallel_loop3A_160 = arith.index_cast %parallel_loop3A_106 : i32 to index
          %parallel_loop3A_161 = arith.constant 208 : index
          %parallel_loop3A_162 = tpu.vector_load %arg5[%parallel_loop3A_159, %parallel_loop3A_160, %parallel_loop3A_161] {strides = array<i32>} : memref<2x112x224xf32, #tpu.memory_space<vmem>>, vector<16xf32>,
          %parallel_loop3A_163 = tpu.bitcast %parallel_loop3A_110 : vector<16xf32> -> vector<16xi32>
          %parallel_loop3A_164 = arith.constant 31 : i32
          %parallel_loop3A_165 = vector.broadcast %parallel_loop3A_164 : i32 to vector<16xi32>
          %parallel_loop3A_166 = arith.shrui %parallel_loop3A_163, %parallel_loop3A_165 : vector<16xi32>
          %parallel_loop3A_167 = arith.constant 0 : i32
          %parallel_loop3A_168 = vector.broadcast %parallel_loop3A_167 : i32 to vector<16xi32>
          %parallel_loop3A_169 = arith.subi %parallel_loop3A_168, %parallel_loop3A_166 : vector<16xi32>
          %parallel_loop3A_170 = arith.constant -2147483648 : i32
          %parallel_loop3A_171 = vector.broadcast %parallel_loop3A_170 : i32 to vector<16xi32>
          %parallel_loop3A_172 = arith.ori %parallel_loop3A_169, %parallel_loop3A_171 : vector<16xi32>
          %parallel_loop3A_173 = arith.xori %parallel_loop3A_163, %parallel_loop3A_172 : vector<16xi32>
          %parallel_loop3A_174 = tpu.bitcast %parallel_loop3A_114 : vector<16xf32> -> vector<16xi32>
          %parallel_loop3A_175 = arith.constant 31 : i32
          %parallel_loop3A_176 = vector.broadcast %parallel_loop3A_175 : i32 to vector<16xi32>
          %parallel_loop3A_177 = arith.shrui %parallel_loop3A_174, %parallel_loop3A_176 : vector<16xi32>
          %parallel_loop3A_178 = arith.constant 0 : i32
          %parallel_loop3A_179 = vector.broadcast %parallel_loop3A_178 : i32 to vector<16xi32>
          %parallel_loop3A_180 = arith.subi %parallel_loop3A_179, %parallel_loop3A_177 : vector<16xi32>
          %parallel_loop3A_181 = arith.constant -2147483648 : i32
          %parallel_loop3A_182 = vector.broadcast %parallel_loop3A_181 : i32 to vector<16xi32>
          %parallel_loop3A_183 = arith.ori %parallel_loop3A_180, %parallel_loop3A_182 : vector<16xi32>
          %parallel_loop3A_184 = arith.xori %parallel_loop3A_174, %parallel_loop3A_183 : vector<16xi32>
          %parallel_loop3A_185 = tpu.bitcast %parallel_loop3A_118 : vector<16xf32> -> vector<16xi32>
          %parallel_loop3A_186 = arith.constant 31 : i32
          %parallel_loop3A_187 = vector.broadcast %parallel_loop3A_186 : i32 to vector<16xi32>
          %parallel_loop3A_188 = arith.shrui %parallel_loop3A_185, %parallel_loop3A_187 : vector<16xi32>
          %parallel_loop3A_189 = arith.constant 0 : i32
          %parallel_loop3A_190 = vector.broadcast %parallel_loop3A_189 : i32 to vector<16xi32>
          %parallel_loop3A_191 = arith.subi %parallel_loop3A_190, %parallel_loop3A_188 : vector<16xi32>
          %parallel_loop3A_192 = arith.constant -2147483648 : i32
          %parallel_loop3A_193 = vector.broadcast %parallel_loop3A_192 : i32 to vector<16xi32>
          %parallel_loop3A_194 = arith.ori %parallel_loop3A_191, %parallel_loop3A_193 : vector<16xi32>
          %parallel_loop3A_195 = arith.xori %parallel_loop3A_185, %parallel_loop3A_194 : vector<16xi32>
          %parallel_loop3A_196 = tpu.bitcast %parallel_loop3A_122 : vector<16xf32> -> vector<16xi32>
          %parallel_loop3A_197 = arith.constant 31 : i32
          %parallel_loop3A_198 = vector.broadcast %parallel_loop3A_197 : i32 to vector<16xi32>
          %parallel_loop3A_199 = arith.shrui %parallel_loop3A_196, %parallel_loop3A_198 : vector<16xi32>
          %parallel_loop3A_200 = arith.constant 0 : i32
          %parallel_loop3A_201 = vector.broadcast %parallel_loop3A_200 : i32 to vector<16xi32>
          %parallel_loop3A_202 = arith.subi %parallel_loop3A_201, %parallel_loop3A_199 : vector<16xi32>
          %parallel_loop3A_203 = arith.constant -2147483648 : i32
          %parallel_loop3A_204 = vector.broadcast %parallel_loop3A_203 : i32 to vector<16xi32>
          %parallel_loop3A_205 = arith.ori %parallel_loop3A_202, %parallel_loop3A_204 : vector<16xi32>
          %parallel_loop3A_206 = arith.xori %parallel_loop3A_196, %parallel_loop3A_205 : vector<16xi32>
          %parallel_loop3A_207 = tpu.bitcast %parallel_loop3A_126 : vector<16xf32> -> vector<16xi32>
          %parallel_loop3A_208 = arith.constant 31 : i32
          %parallel_loop3A_209 = vector.broadcast %parallel_loop3A_208 : i32 to vector<16xi32>
          %parallel_loop3A_210 = arith.shrui %parallel_loop3A_207, %parallel_loop3A_209 : vector<16xi32>
          %parallel_loop3A_211 = arith.constant 0 : i32
          %parallel_loop3A_212 = vector.broadcast %parallel_loop3A_211 : i32 to vector<16xi32>
          %parallel_loop3A_213 = arith.subi %parallel_loop3A_212, %parallel_loop3A_210 : vector<16xi32>
          %parallel_loop3A_214 = arith.constant -2147483648 : i32
          %parallel_loop3A_215 = vector.broadcast %parallel_loop3A_214 : i32 to vector<16xi32>
          %parallel_loop3A_216 = arith.ori %parallel_loop3A_213, %parallel_loop3A_215 : vector<16xi32>
          %parallel_loop3A_217 = arith.xori %parallel_loop3A_207, %parallel_loop3A_216 : vector<16xi32>
          %parallel_loop3A_218 = tpu.bitcast %parallel_loop3A_130 : vector<16xf32> -> vector<16xi32>
          %parallel_loop3A_219 = arith.constant 31 : i32
          %parallel_loop3A_220 = vector.broadcast %parallel_loop3A_219 : i32 to vector<16xi32>
          %parallel_loop3A_221 = arith.shrui %parallel_loop3A_218, %parallel_loop3A_220 : vector<16xi32>
          %parallel_loop3A_222 = arith.constant 0 : i32
          %parallel_loop3A_223 = vector.broadcast %parallel_loop3A_222 : i32 to vector<16xi32>
          %parallel_loop3A_224 = arith.subi %parallel_loop3A_223, %parallel_loop3A_221 : vector<16xi32>
          %parallel_loop3A_225 = arith.constant -2147483648 : i32
          %parallel_loop3A_226 = vector.broadcast %parallel_loop3A_225 : i32 to vector<16xi32>
          %parallel_loop3A_227 = arith.ori %parallel_loop3A_224, %parallel_loop3A_226 : vector<16xi32>
          %parallel_loop3A_228 = arith.xori %parallel_loop3A_218, %parallel_loop3A_227 : vector<16xi32>
          %parallel_loop3A_229 = tpu.bitcast %parallel_loop3A_134 : vector<16xf32> -> vector<16xi32>
          %parallel_loop3A_230 = arith.constant 31 : i32
          %parallel_loop3A_231 = vector.broadcast %parallel_loop3A_230 : i32 to vector<16xi32>
          %parallel_loop3A_232 = arith.shrui %parallel_loop3A_229, %parallel_loop3A_231 : vector<16xi32>
          %parallel_loop3A_233 = arith.constant 0 : i32
          %parallel_loop3A_234 = vector.broadcast %parallel_loop3A_233 : i32 to vector<16xi32>
          %parallel_loop3A_235 = arith.subi %parallel_loop3A_234, %parallel_loop3A_232 : vector<16xi32>
          %parallel_loop3A_236 = arith.constant -2147483648 : i32
          %parallel_loop3A_237 = vector.broadcast %parallel_loop3A_236 : i32 to vector<16xi32>
          %parallel_loop3A_238 = arith.ori %parallel_loop3A_235, %parallel_loop3A_237 : vector<16xi32>
          %parallel_loop3A_239 = arith.xori %parallel_loop3A_229, %parallel_loop3A_238 : vector<16xi32>
          %parallel_loop3A_240 = tpu.bitcast %parallel_loop3A_138 : vector<16xf32> -> vector<16xi32>
          %parallel_loop3A_241 = arith.constant 31 : i32
          %parallel_loop3A_242 = vector.broadcast %parallel_loop3A_241 : i32 to vector<16xi32>
          %parallel_loop3A_243 = arith.shrui %parallel_loop3A_240, %parallel_loop3A_242 : vector<16xi32>
          %parallel_loop3A_244 = arith.constant 0 : i32
          %parallel_loop3A_245 = vector.broadcast %parallel_loop3A_244 : i32 to vector<16xi32>
          %parallel_loop3A_246 = arith.subi %parallel_loop3A_245, %parallel_loop3A_243 : vector<16xi32>
          %parallel_loop3A_247 = arith.constant -2147483648 : i32
          %parallel_loop3A_248 = vector.broadcast %parallel_loop3A_247 : i32 to vector<16xi32>
          %parallel_loop3A_249 = arith.ori %parallel_loop3A_246, %parallel_loop3A_248 : vector<16xi32>
          %parallel_loop3A_250 = arith.xori %parallel_loop3A_240, %parallel_loop3A_249 : vector<16xi32>
          %parallel_loop3A_251 = tpu.bitcast %parallel_loop3A_142 : vector<16xf32> -> vector<16xi32>
          %parallel_loop3A_252 = arith.constant 31 : i32
          %parallel_loop3A_253 = vector.broadcast %parallel_loop3A_252 : i32 to vector<16xi32>
          %parallel_loop3A_254 = arith.shrui %parallel_loop3A_251, %parallel_loop3A_253 : vector<16xi32>
          %parallel_loop3A_255 = arith.constant 0 : i32
          %parallel_loop3A_256 = vector.broadcast %parallel_loop3A_255 : i32 to vector<16xi32>
          %parallel_loop3A_257 = arith.subi %parallel_loop3A_256, %parallel_loop3A_254 : vector<16xi32>
          %parallel_loop3A_258 = arith.constant -2147483648 : i32
          %parallel_loop3A_259 = vector.broadcast %parallel_loop3A_258 : i32 to vector<16xi32>
          %parallel_loop3A_260 = arith.ori %parallel_loop3A_257, %parallel_loop3A_259 : vector<16xi32>
          %parallel_loop3A_261 = arith.xori %parallel_loop3A_251, %parallel_loop3A_260 : vector<16xi32>
          %parallel_loop3A_262 = tpu.bitcast %parallel_loop3A_146 : vector<16xf32> -> vector<16xi32>
          %parallel_loop3A_263 = arith.constant 31 : i32
          %parallel_loop3A_264 = vector.broadcast %parallel_loop3A_263 : i32 to vector<16xi32>
          %parallel_loop3A_265 = arith.shrui %parallel_loop3A_262, %parallel_loop3A_264 : vector<16xi32>
          %parallel_loop3A_266 = arith.constant 0 : i32
          %parallel_loop3A_267 = vector.broadcast %parallel_loop3A_266 : i32 to vector<16xi32>
          %parallel_loop3A_268 = arith.subi %parallel_loop3A_267, %parallel_loop3A_265 : vector<16xi32>
          %parallel_loop3A_269 = arith.constant -2147483648 : i32
          %parallel_loop3A_270 = vector.broadcast %parallel_loop3A_269 : i32 to vector<16xi32>
          %parallel_loop3A_271 = arith.ori %parallel_loop3A_268, %parallel_loop3A_270 : vector<16xi32>
          %parallel_loop3A_272 = arith.xori %parallel_loop3A_262, %parallel_loop3A_271 : vector<16xi32>
          %parallel_loop3A_273 = tpu.bitcast %parallel_loop3A_150 : vector<16xf32> -> vector<16xi32>
          %parallel_loop3A_274 = arith.constant 31 : i32
          %parallel_loop3A_275 = vector.broadcast %parallel_loop3A_274 : i32 to vector<16xi32>
          %parallel_loop3A_276 = arith.shrui %parallel_loop3A_273, %parallel_loop3A_275 : vector<16xi32>
          %parallel_loop3A_277 = arith.constant 0 : i32
          %parallel_loop3A_278 = vector.broadcast %parallel_loop3A_277 : i32 to vector<16xi32>
          %parallel_loop3A_279 = arith.subi %parallel_loop3A_278, %parallel_loop3A_276 : vector<16xi32>
          %parallel_loop3A_280 = arith.constant -2147483648 : i32
          %parallel_loop3A_281 = vector.broadcast %parallel_loop3A_280 : i32 to vector<16xi32>
          %parallel_loop3A_282 = arith.ori %parallel_loop3A_279, %parallel_loop3A_281 : vector<16xi32>
          %parallel_loop3A_283 = arith.xori %parallel_loop3A_273, %parallel_loop3A_282 : vector<16xi32>
          %parallel_loop3A_284 = tpu.bitcast %parallel_loop3A_154 : vector<16xf32> -> vector<16xi32>
          %parallel_loop3A_285 = arith.constant 31 : i32
          %parallel_loop3A_286 = vector.broadcast %parallel_loop3A_285 : i32 to vector<16xi32>
          %parallel_loop3A_287 = arith.shrui %parallel_loop3A_284, %parallel_loop3A_286 : vector<16xi32>
          %parallel_loop3A_288 = arith.constant 0 : i32
          %parallel_loop3A_289 = vector.broadcast %parallel_loop3A_288 : i32 to vector<16xi32>
          %parallel_loop3A_290 = arith.subi %parallel_loop3A_289, %parallel_loop3A_287 : vector<16xi32>
          %parallel_loop3A_291 = arith.constant -2147483648 : i32
          %parallel_loop3A_292 = vector.broadcast %parallel_loop3A_291 : i32 to vector<16xi32>
          %parallel_loop3A_293 = arith.ori %parallel_loop3A_290, %parallel_loop3A_292 : vector<16xi32>
          %parallel_loop3A_294 = arith.xori %parallel_loop3A_284, %parallel_loop3A_293 : vector<16xi32>
          %parallel_loop3A_295 = tpu.bitcast %parallel_loop3A_158 : vector<16xf32> -> vector<16xi32>
          %parallel_loop3A_296 = arith.constant 31 : i32
          %parallel_loop3A_297 = vector.broadcast %parallel_loop3A_296 : i32 to vector<16xi32>
          %parallel_loop3A_298 = arith.shrui %parallel_loop3A_295, %parallel_loop3A_297 : vector<16xi32>
          %parallel_loop3A_299 = arith.constant 0 : i32
          %parallel_loop3A_300 = vector.broadcast %parallel_loop3A_299 : i32 to vector<16xi32>
          %parallel_loop3A_301 = arith.subi %parallel_loop3A_300, %parallel_loop3A_298 : vector<16xi32>
          %parallel_loop3A_302 = arith.constant -2147483648 : i32
          %parallel_loop3A_303 = vector.broadcast %parallel_loop3A_302 : i32 to vector<16xi32>
          %parallel_loop3A_304 = arith.ori %parallel_loop3A_301, %parallel_loop3A_303 : vector<16xi32>
          %parallel_loop3A_305 = arith.xori %parallel_loop3A_295, %parallel_loop3A_304 : vector<16xi32>
          %parallel_loop3A_306 = tpu.bitcast %parallel_loop3A_162 : vector<16xf32> -> vector<16xi32>
          %parallel_loop3A_307 = arith.constant 31 : i32
          %parallel_loop3A_308 = vector.broadcast %parallel_loop3A_307 : i32 to vector<16xi32>
          %parallel_loop3A_309 = arith.shrui %parallel_loop3A_306, %parallel_loop3A_308 : vector<16xi32>
          %parallel_loop3A_310 = arith.constant 0 : i32
          %parallel_loop3A_311 = vector.broadcast %parallel_loop3A_310 : i32 to vector<16xi32>
          %parallel_loop3A_312 = arith.subi %parallel_loop3A_311, %parallel_loop3A_309 : vector<16xi32>
          %parallel_loop3A_313 = arith.constant -2147483648 : i32
          %parallel_loop3A_314 = vector.broadcast %parallel_loop3A_313 : i32 to vector<16xi32>
          %parallel_loop3A_315 = arith.ori %parallel_loop3A_312, %parallel_loop3A_314 : vector<16xi32>
          %parallel_loop3A_316 = arith.xori %parallel_loop3A_306, %parallel_loop3A_315 : vector<16xi32>
          %parallel_loop3A_317 = arith.constant 21 : i32
          %parallel_loop3A_318 = vector.broadcast %parallel_loop3A_317 : i32 to vector<16xi32>
          %parallel_loop3A_319 = arith.shrui %parallel_loop3A_173, %parallel_loop3A_318 : vector<16xi32>
          %parallel_loop3A_320 = tpu.bitcast %parallel_loop3A_319 : vector<16xi32> -> vector<16xi32>
          %parallel_loop3A_321 = arith.ori %mul3A_3, %parallel_loop3A_320 : vector<16xi32>
          %parallel_loop3A_322 = arith.constant 21 : i32
          %parallel_loop3A_323 = vector.broadcast %parallel_loop3A_322 : i32 to vector<16xi32>
          %parallel_loop3A_324 = arith.shrui %parallel_loop3A_184, %parallel_loop3A_323 : vector<16xi32>
          %parallel_loop3A_325 = tpu.bitcast %parallel_loop3A_324 : vector<16xi32> -> vector<16xi32>
          %parallel_loop3A_326 = arith.ori %mul3A_3, %parallel_loop3A_325 : vector<16xi32>
          %parallel_loop3A_327 = arith.constant 21 : i32
          %parallel_loop3A_328 = vector.broadcast %parallel_loop3A_327 : i32 to vector<16xi32>
          %parallel_loop3A_329 = arith.shrui %parallel_loop3A_195, %parallel_loop3A_328 : vector<16xi32>
          %parallel_loop3A_330 = tpu.bitcast %parallel_loop3A_329 : vector<16xi32> -> vector<16xi32>
          %parallel_loop3A_331 = arith.ori %mul3A_3, %parallel_loop3A_330 : vector<16xi32>
          %parallel_loop3A_332 = arith.constant 21 : i32
          %parallel_loop3A_333 = vector.broadcast %parallel_loop3A_332 : i32 to vector<16xi32>
          %parallel_loop3A_334 = arith.shrui %parallel_loop3A_206, %parallel_loop3A_333 : vector<16xi32>
          %parallel_loop3A_335 = tpu.bitcast %parallel_loop3A_334 : vector<16xi32> -> vector<16xi32>
          %parallel_loop3A_336 = arith.ori %mul3A_3, %parallel_loop3A_335 : vector<16xi32>
          %parallel_loop3A_337 = arith.constant 21 : i32
          %parallel_loop3A_338 = vector.broadcast %parallel_loop3A_337 : i32 to vector<16xi32>
          %parallel_loop3A_339 = arith.shrui %parallel_loop3A_217, %parallel_loop3A_338 : vector<16xi32>
          %parallel_loop3A_340 = tpu.bitcast %parallel_loop3A_339 : vector<16xi32> -> vector<16xi32>
          %parallel_loop3A_341 = arith.ori %mul3A_3, %parallel_loop3A_340 : vector<16xi32>
          %parallel_loop3A_342 = arith.constant 21 : i32
          %parallel_loop3A_343 = vector.broadcast %parallel_loop3A_342 : i32 to vector<16xi32>
          %parallel_loop3A_344 = arith.shrui %parallel_loop3A_228, %parallel_loop3A_343 : vector<16xi32>
          %parallel_loop3A_345 = tpu.bitcast %parallel_loop3A_344 : vector<16xi32> -> vector<16xi32>
          %parallel_loop3A_346 = arith.ori %mul3A_3, %parallel_loop3A_345 : vector<16xi32>
          %parallel_loop3A_347 = arith.constant 21 : i32
          %parallel_loop3A_348 = vector.broadcast %parallel_loop3A_347 : i32 to vector<16xi32>
          %parallel_loop3A_349 = arith.shrui %parallel_loop3A_239, %parallel_loop3A_348 : vector<16xi32>
          %parallel_loop3A_350 = tpu.bitcast %parallel_loop3A_349 : vector<16xi32> -> vector<16xi32>
          %parallel_loop3A_351 = arith.ori %mul3A_3, %parallel_loop3A_350 : vector<16xi32>
          %parallel_loop3A_352 = arith.constant 21 : i32
          %parallel_loop3A_353 = vector.broadcast %parallel_loop3A_352 : i32 to vector<16xi32>
          %parallel_loop3A_354 = arith.shrui %parallel_loop3A_250, %parallel_loop3A_353 : vector<16xi32>
          %parallel_loop3A_355 = tpu.bitcast %parallel_loop3A_354 : vector<16xi32> -> vector<16xi32>
          %parallel_loop3A_356 = arith.ori %mul3A_3, %parallel_loop3A_355 : vector<16xi32>
          %parallel_loop3A_357 = arith.constant 21 : i32
          %parallel_loop3A_358 = vector.broadcast %parallel_loop3A_357 : i32 to vector<16xi32>
          %parallel_loop3A_359 = arith.shrui %parallel_loop3A_261, %parallel_loop3A_358 : vector<16xi32>
          %parallel_loop3A_360 = tpu.bitcast %parallel_loop3A_359 : vector<16xi32> -> vector<16xi32>
          %parallel_loop3A_361 = arith.ori %mul3A_3, %parallel_loop3A_360 : vector<16xi32>
          %parallel_loop3A_362 = arith.constant 21 : i32
          %parallel_loop3A_363 = vector.broadcast %parallel_loop3A_362 : i32 to vector<16xi32>
          %parallel_loop3A_364 = arith.shrui %parallel_loop3A_272, %parallel_loop3A_363 : vector<16xi32>
          %parallel_loop3A_365 = tpu.bitcast %parallel_loop3A_364 : vector<16xi32> -> vector<16xi32>
          %parallel_loop3A_366 = arith.ori %mul3A_3, %parallel_loop3A_365 : vector<16xi32>
          %parallel_loop3A_367 = arith.constant 21 : i32
          %parallel_loop3A_368 = vector.broadcast %parallel_loop3A_367 : i32 to vector<16xi32>
          %parallel_loop3A_369 = arith.shrui %parallel_loop3A_283, %parallel_loop3A_368 : vector<16xi32>
          %parallel_loop3A_370 = tpu.bitcast %parallel_loop3A_369 : vector<16xi32> -> vector<16xi32>
          %parallel_loop3A_371 = arith.ori %mul3A_3, %parallel_loop3A_370 : vector<16xi32>
          %parallel_loop3A_372 = arith.constant 21 : i32
          %parallel_loop3A_373 = vector.broadcast %parallel_loop3A_372 : i32 to vector<16xi32>
          %parallel_loop3A_374 = arith.shrui %parallel_loop3A_294, %parallel_loop3A_373 : vector<16xi32>
          %parallel_loop3A_375 = tpu.bitcast %parallel_loop3A_374 : vector<16xi32> -> vector<16xi32>
          %parallel_loop3A_376 = arith.ori %mul3A_3, %parallel_loop3A_375 : vector<16xi32>
          %parallel_loop3A_377 = arith.constant 21 : i32
          %parallel_loop3A_378 = vector.broadcast %parallel_loop3A_377 : i32 to vector<16xi32>
          %parallel_loop3A_379 = arith.shrui %parallel_loop3A_305, %parallel_loop3A_378 : vector<16xi32>
          %parallel_loop3A_380 = tpu.bitcast %parallel_loop3A_379 : vector<16xi32> -> vector<16xi32>
          %parallel_loop3A_381 = arith.ori %mul3A_3, %parallel_loop3A_380 : vector<16xi32>
          %parallel_loop3A_382 = arith.constant 21 : i32
          %parallel_loop3A_383 = vector.broadcast %parallel_loop3A_382 : i32 to vector<16xi32>
          %parallel_loop3A_384 = arith.shrui %parallel_loop3A_316, %parallel_loop3A_383 : vector<16xi32>
          %parallel_loop3A_385 = tpu.bitcast %parallel_loop3A_384 : vector<16xi32> -> vector<16xi32>
          %parallel_loop3A_386 = arith.ori %mul3A_3, %parallel_loop3A_385 : vector<16xi32>
          tpu.vector_store_idx %arg8[%parallel_loop3A_321], %broadcast_in_dim3A_4 {add = true} : memref<32768xi32, #tpu.memory_space<vmem>>[vector<16xi32>], vector<16xi32>,
          tpu.vector_store_idx %arg8[%parallel_loop3A_326], %broadcast_in_dim3A_4 {add = true} : memref<32768xi32, #tpu.memory_space<vmem>>[vector<16xi32>], vector<16xi32>,
          tpu.vector_store_idx %arg8[%parallel_loop3A_331], %broadcast_in_dim3A_4 {add = true} : memref<32768xi32, #tpu.memory_space<vmem>>[vector<16xi32>], vector<16xi32>,
          tpu.vector_store_idx %arg8[%parallel_loop3A_336], %broadcast_in_dim3A_4 {add = true} : memref<32768xi32, #tpu.memory_space<vmem>>[vector<16xi32>], vector<16xi32>,
          tpu.vector_store_idx %arg8[%parallel_loop3A_341], %broadcast_in_dim3A_4 {add = true} : memref<32768xi32, #tpu.memory_space<vmem>>[vector<16xi32>], vector<16xi32>,
          tpu.vector_store_idx %arg8[%parallel_loop3A_346], %broadcast_in_dim3A_4 {add = true} : memref<32768xi32, #tpu.memory_space<vmem>>[vector<16xi32>], vector<16xi32>,
          tpu.vector_store_idx %arg8[%parallel_loop3A_351], %broadcast_in_dim3A_4 {add = true} : memref<32768xi32, #tpu.memory_space<vmem>>[vector<16xi32>], vector<16xi32>,
          tpu.vector_store_idx %arg8[%parallel_loop3A_356], %broadcast_in_dim3A_4 {add = true} : memref<32768xi32, #tpu.memory_space<vmem>>[vector<16xi32>], vector<16xi32>,
          tpu.vector_store_idx %arg8[%parallel_loop3A_361], %broadcast_in_dim3A_4 {add = true} : memref<32768xi32, #tpu.memory_space<vmem>>[vector<16xi32>], vector<16xi32>,
          tpu.vector_store_idx %arg8[%parallel_loop3A_366], %broadcast_in_dim3A_4 {add = true} : memref<32768xi32, #tpu.memory_space<vmem>>[vector<16xi32>], vector<16xi32>,
          tpu.vector_store_idx %arg8[%parallel_loop3A_371], %broadcast_in_dim3A_4 {add = true} : memref<32768xi32, #tpu.memory_space<vmem>>[vector<16xi32>], vector<16xi32>,
          tpu.vector_store_idx %arg8[%parallel_loop3A_376], %broadcast_in_dim3A_4 {add = true} : memref<32768xi32, #tpu.memory_space<vmem>>[vector<16xi32>], vector<16xi32>,
          tpu.vector_store_idx %arg8[%parallel_loop3A_381], %broadcast_in_dim3A_4 {add = true} : memref<32768xi32, #tpu.memory_space<vmem>>[vector<16xi32>], vector<16xi32>,
          tpu.vector_store_idx %arg8[%parallel_loop3A_386], %broadcast_in_dim3A_4 {add = true} : memref<32768xi32, #tpu.memory_space<vmem>>[vector<16xi32>], vector<16xi32>,
        } {sc.loop_unroll_factor = 1 : i64, sc.parallel_access}
        %scan3A_105 = arith.constant 0 : i32
        scf.yield %scan3A_105 : i32
      }
      %scan3A_52 = arith.constant 6 : i32
      %scan3A_53 = arith.constant 0 : i32
      %scan3A_54 = arith.constant 0 : i32
      %scan3A_55 = arith.constant 128 : i32
      %scan3A_56 = arith.addi %scan3A_54, %scan3A_55 : i32
      %scan3A_57 = arith.constant 1 : i32
      %scan3A_58 = scf.for %scan3A_66 = %scan3A_54 to %scan3A_56 step %scan3A_57 iter_args(%scan3A_67 = %scan3A_53) -> (i32)  : i32 {
        %mul3A_68 = arith.constant 16 : i32
        %mul3A_69 = arith.muli %scan3A_66, %mul3A_68 : i32
        %add3A_70 = arith.constant 0 : i32
        %add3A_71 = arith.addi %add3A_70, %mul3A_69 : i32
        %get3A = arith.index_cast %add3A_71 : i32 to index
        %get3A_72 = tpu.vector_load %arg8[%get3A] {strides = array<i32>} : memref<32768xi32, #tpu.memory_space<vmem>>, vector<16xi32>,
        %add3A_73 = arith.addi %broadcast_in_dim3A_6, %get3A_72 : vector<16xi32>
        %swap3A = arith.index_cast %add3A_71 : i32 to index
        %swap3A_74 = tpu.vector_load %arg8[%swap3A] {strides = array<i32>} : memref<32768xi32, #tpu.memory_space<vmem>>, vector<16xi32>,
        tpu.vector_store %arg8[%swap3A], %broadcast_in_dim3A_6 {strides = array<i32>} : memref<32768xi32, #tpu.memory_space<vmem>>, vector<16xi32>,
        %mul3A_75 = arith.constant 16 : i32
        %mul3A_76 = arith.muli %scan3A_66, %mul3A_75 : i32
        %add3A_77 = arith.constant 2048 : i32
        %add3A_78 = arith.addi %add3A_77, %mul3A_76 : i32
        %get3A_79 = arith.index_cast %add3A_78 : i32 to index
        %get3A_80 = tpu.vector_load %arg8[%get3A_79] {strides = array<i32>} : memref<32768xi32, #tpu.memory_space<vmem>>, vector<16xi32>,
        %add3A_81 = arith.addi %add3A_73, %get3A_80 : vector<16xi32>
        %swap3A_82 = arith.index_cast %add3A_78 : i32 to index
        %swap3A_83 = tpu.vector_load %arg8[%swap3A_82] {strides = array<i32>} : memref<32768xi32, #tpu.memory_space<vmem>>, vector<16xi32>,
        tpu.vector_store %arg8[%swap3A_82], %broadcast_in_dim3A_6 {strides = array<i32>} : memref<32768xi32, #tpu.memory_space<vmem>>, vector<16xi32>,
        %mul3A_84 = arith.constant 16 : i32
        %mul3A_85 = arith.muli %scan3A_66, %mul3A_84 : i32
        %add3A_86 = arith.constant 4096 : i32
        %add3A_87 = arith.addi %add3A_86, %mul3A_85 : i32
        %get3A_88 = arith.index_cast %add3A_87 : i32 to index
        %get3A_89 = tpu.vector_load %arg8[%get3A_88] {strides = array<i32>} : memref<32768xi32, #tpu.memory_space<vmem>>, vector<16xi32>,
        %add3A_90 = arith.addi %add3A_81, %get3A_89 : vector<16xi32>
        %swap3A_91 = arith.index_cast %add3A_87 : i32 to index
        %swap3A_92 = tpu.vector_load %arg8[%swap3A_91] {strides = array<i32>} : memref<32768xi32, #tpu.memory_space<vmem>>, vector<16xi32>,
        tpu.vector_store %arg8[%swap3A_91], %broadcast_in_dim3A_6 {strides = array<i32>} : memref<32768xi32, #tpu.memory_space<vmem>>, vector<16xi32>,
        %mul3A_93 = arith.constant 16 : i32
        %mul3A_94 = arith.muli %scan3A_66, %mul3A_93 : i32
        %add3A_95 = arith.constant 6144 : i32
        %add3A_96 = arith.addi %add3A_95, %mul3A_94 : i32
        %get3A_97 = arith.index_cast %add3A_96 : i32 to index
        %get3A_98 = tpu.vector_load %arg8[%get3A_97] {strides = array<i32>} : memref<32768xi32, #tpu.memory_space<vmem>>, vector<16xi32>,
        %add3A_99 = arith.addi %add3A_90, %get3A_98 : vector<16xi32>
        %swap3A_100 = arith.index_cast %add3A_96 : i32 to index
        %swap3A_101 = tpu.vector_load %arg8[%swap3A_100] {strides = array<i32>} : memref<32768xi32, #tpu.memory_space<vmem>>, vector<16xi32>,
        tpu.vector_store %arg8[%swap3A_100], %broadcast_in_dim3A_6 {strides = array<i32>} : memref<32768xi32, #tpu.memory_space<vmem>>, vector<16xi32>,
        %mul3A_102 = arith.constant 16 : i32
        %mul3A_103 = arith.muli %scan3A_66, %mul3A_102 : i32
        %add3A_104 = arith.constant 8192 : i32
        %add3A_105 = arith.addi %add3A_104, %mul3A_103 : i32
        %get3A_106 = arith.index_cast %add3A_105 : i32 to index
        %get3A_107 = tpu.vector_load %arg8[%get3A_106] {strides = array<i32>} : memref<32768xi32, #tpu.memory_space<vmem>>, vector<16xi32>,
        %add3A_108 = arith.addi %add3A_99, %get3A_107 : vector<16xi32>
        %swap3A_109 = arith.index_cast %add3A_105 : i32 to index
        %swap3A_110 = tpu.vector_load %arg8[%swap3A_109] {strides = array<i32>} : memref<32768xi32, #tpu.memory_space<vmem>>, vector<16xi32>,
        tpu.vector_store %arg8[%swap3A_109], %broadcast_in_dim3A_6 {strides = array<i32>} : memref<32768xi32, #tpu.memory_space<vmem>>, vector<16xi32>,
        %mul3A_111 = arith.constant 16 : i32
        %mul3A_112 = arith.muli %scan3A_66, %mul3A_111 : i32
        %add3A_113 = arith.constant 10240 : i32
        %add3A_114 = arith.addi %add3A_113, %mul3A_112 : i32
        %get3A_115 = arith.index_cast %add3A_114 : i32 to index
        %get3A_116 = tpu.vector_load %arg8[%get3A_115] {strides = array<i32>} : memref<32768xi32, #tpu.memory_space<vmem>>, vector<16xi32>,
        %add3A_117 = arith.addi %add3A_108, %get3A_116 : vector<16xi32>
        %swap3A_118 = arith.index_cast %add3A_114 : i32 to index
        %swap3A_119 = tpu.vector_load %arg8[%swap3A_118] {strides = array<i32>} : memref<32768xi32, #tpu.memory_space<vmem>>, vector<16xi32>,
        tpu.vector_store %arg8[%swap3A_118], %broadcast_in_dim3A_6 {strides = array<i32>} : memref<32768xi32, #tpu.memory_space<vmem>>, vector<16xi32>,
        %mul3A_120 = arith.constant 16 : i32
        %mul3A_121 = arith.muli %scan3A_66, %mul3A_120 : i32
        %add3A_122 = arith.constant 12288 : i32
        %add3A_123 = arith.addi %add3A_122, %mul3A_121 : i32
        %get3A_124 = arith.index_cast %add3A_123 : i32 to index
        %get3A_125 = tpu.vector_load %arg8[%get3A_124] {strides = array<i32>} : memref<32768xi32, #tpu.memory_space<vmem>>, vector<16xi32>,
        %add3A_126 = arith.addi %add3A_117, %get3A_125 : vector<16xi32>
        %swap3A_127 = arith.index_cast %add3A_123 : i32 to index
        %swap3A_128 = tpu.vector_load %arg8[%swap3A_127] {strides = array<i32>} : memref<32768xi32, #tpu.memory_space<vmem>>, vector<16xi32>,
        tpu.vector_store %arg8[%swap3A_127], %broadcast_in_dim3A_6 {strides = array<i32>} : memref<32768xi32, #tpu.memory_space<vmem>>, vector<16xi32>,
        %mul3A_129 = arith.constant 16 : i32
        %mul3A_130 = arith.muli %scan3A_66, %mul3A_129 : i32
        %add3A_131 = arith.constant 14336 : i32
        %add3A_132 = arith.addi %add3A_131, %mul3A_130 : i32
        %get3A_133 = arith.index_cast %add3A_132 : i32 to index
        %get3A_134 = tpu.vector_load %arg8[%get3A_133] {strides = array<i32>} : memref<32768xi32, #tpu.memory_space<vmem>>, vector<16xi32>,
        %add3A_135 = arith.addi %add3A_126, %get3A_134 : vector<16xi32>
        %swap3A_136 = arith.index_cast %add3A_132 : i32 to index
        %swap3A_137 = tpu.vector_load %arg8[%swap3A_136] {strides = array<i32>} : memref<32768xi32, #tpu.memory_space<vmem>>, vector<16xi32>,
        tpu.vector_store %arg8[%swap3A_136], %broadcast_in_dim3A_6 {strides = array<i32>} : memref<32768xi32, #tpu.memory_space<vmem>>, vector<16xi32>,
        %mul3A_138 = arith.constant 16 : i32
        %mul3A_139 = arith.muli %scan3A_66, %mul3A_138 : i32
        %add3A_140 = arith.constant 16384 : i32
        %add3A_141 = arith.addi %add3A_140, %mul3A_139 : i32
        %get3A_142 = arith.index_cast %add3A_141 : i32 to index
        %get3A_143 = tpu.vector_load %arg8[%get3A_142] {strides = array<i32>} : memref<32768xi32, #tpu.memory_space<vmem>>, vector<16xi32>,
        %add3A_144 = arith.addi %add3A_135, %get3A_143 : vector<16xi32>
        %swap3A_145 = arith.index_cast %add3A_141 : i32 to index
        %swap3A_146 = tpu.vector_load %arg8[%swap3A_145] {strides = array<i32>} : memref<32768xi32, #tpu.memory_space<vmem>>, vector<16xi32>,
        tpu.vector_store %arg8[%swap3A_145], %broadcast_in_dim3A_6 {strides = array<i32>} : memref<32768xi32, #tpu.memory_space<vmem>>, vector<16xi32>,
        %mul3A_147 = arith.constant 16 : i32
        %mul3A_148 = arith.muli %scan3A_66, %mul3A_147 : i32
        %add3A_149 = arith.constant 18432 : i32
        %add3A_150 = arith.addi %add3A_149, %mul3A_148 : i32
        %get3A_151 = arith.index_cast %add3A_150 : i32 to index
        %get3A_152 = tpu.vector_load %arg8[%get3A_151] {strides = array<i32>} : memref<32768xi32, #tpu.memory_space<vmem>>, vector<16xi32>,
        %add3A_153 = arith.addi %add3A_144, %get3A_152 : vector<16xi32>
        %swap3A_154 = arith.index_cast %add3A_150 : i32 to index
        %swap3A_155 = tpu.vector_load %arg8[%swap3A_154] {strides = array<i32>} : memref<32768xi32, #tpu.memory_space<vmem>>, vector<16xi32>,
        tpu.vector_store %arg8[%swap3A_154], %broadcast_in_dim3A_6 {strides = array<i32>} : memref<32768xi32, #tpu.memory_space<vmem>>, vector<16xi32>,
        %mul3A_156 = arith.constant 16 : i32
        %mul3A_157 = arith.muli %scan3A_66, %mul3A_156 : i32
        %add3A_158 = arith.constant 20480 : i32
        %add3A_159 = arith.addi %add3A_158, %mul3A_157 : i32
        %get3A_160 = arith.index_cast %add3A_159 : i32 to index
        %get3A_161 = tpu.vector_load %arg8[%get3A_160] {strides = array<i32>} : memref<32768xi32, #tpu.memory_space<vmem>>, vector<16xi32>,
        %add3A_162 = arith.addi %add3A_153, %get3A_161 : vector<16xi32>
        %swap3A_163 = arith.index_cast %add3A_159 : i32 to index
        %swap3A_164 = tpu.vector_load %arg8[%swap3A_163] {strides = array<i32>} : memref<32768xi32, #tpu.memory_space<vmem>>, vector<16xi32>,
        tpu.vector_store %arg8[%swap3A_163], %broadcast_in_dim3A_6 {strides = array<i32>} : memref<32768xi32, #tpu.memory_space<vmem>>, vector<16xi32>,
        %mul3A_165 = arith.constant 16 : i32
        %mul3A_166 = arith.muli %scan3A_66, %mul3A_165 : i32
        %add3A_167 = arith.constant 22528 : i32
        %add3A_168 = arith.addi %add3A_167, %mul3A_166 : i32
        %get3A_169 = arith.index_cast %add3A_168 : i32 to index
        %get3A_170 = tpu.vector_load %arg8[%get3A_169] {strides = array<i32>} : memref<32768xi32, #tpu.memory_space<vmem>>, vector<16xi32>,
        %add3A_171 = arith.addi %add3A_162, %get3A_170 : vector<16xi32>
        %swap3A_172 = arith.index_cast %add3A_168 : i32 to index
        %swap3A_173 = tpu.vector_load %arg8[%swap3A_172] {strides = array<i32>} : memref<32768xi32, #tpu.memory_space<vmem>>, vector<16xi32>,
        tpu.vector_store %arg8[%swap3A_172], %broadcast_in_dim3A_6 {strides = array<i32>} : memref<32768xi32, #tpu.memory_space<vmem>>, vector<16xi32>,
        %mul3A_174 = arith.constant 16 : i32
        %mul3A_175 = arith.muli %scan3A_66, %mul3A_174 : i32
        %add3A_176 = arith.constant 24576 : i32
        %add3A_177 = arith.addi %add3A_176, %mul3A_175 : i32
        %get3A_178 = arith.index_cast %add3A_177 : i32 to index
        %get3A_179 = tpu.vector_load %arg8[%get3A_178] {strides = array<i32>} : memref<32768xi32, #tpu.memory_space<vmem>>, vector<16xi32>,
        %add3A_180 = arith.addi %add3A_171, %get3A_179 : vector<16xi32>
        %swap3A_181 = arith.index_cast %add3A_177 : i32 to index
        %swap3A_182 = tpu.vector_load %arg8[%swap3A_181] {strides = array<i32>} : memref<32768xi32, #tpu.memory_space<vmem>>, vector<16xi32>,
        tpu.vector_store %arg8[%swap3A_181], %broadcast_in_dim3A_6 {strides = array<i32>} : memref<32768xi32, #tpu.memory_space<vmem>>, vector<16xi32>,
        %mul3A_183 = arith.constant 16 : i32
        %mul3A_184 = arith.muli %scan3A_66, %mul3A_183 : i32
        %add3A_185 = arith.constant 26624 : i32
        %add3A_186 = arith.addi %add3A_185, %mul3A_184 : i32
        %get3A_187 = arith.index_cast %add3A_186 : i32 to index
        %get3A_188 = tpu.vector_load %arg8[%get3A_187] {strides = array<i32>} : memref<32768xi32, #tpu.memory_space<vmem>>, vector<16xi32>,
        %add3A_189 = arith.addi %add3A_180, %get3A_188 : vector<16xi32>
        %swap3A_190 = arith.index_cast %add3A_186 : i32 to index
        %swap3A_191 = tpu.vector_load %arg8[%swap3A_190] {strides = array<i32>} : memref<32768xi32, #tpu.memory_space<vmem>>, vector<16xi32>,
        tpu.vector_store %arg8[%swap3A_190], %broadcast_in_dim3A_6 {strides = array<i32>} : memref<32768xi32, #tpu.memory_space<vmem>>, vector<16xi32>,
        %mul3A_192 = arith.constant 16 : i32
        %mul3A_193 = arith.muli %scan3A_66, %mul3A_192 : i32
        %add3A_194 = arith.constant 28672 : i32
        %add3A_195 = arith.addi %add3A_194, %mul3A_193 : i32
        %get3A_196 = arith.index_cast %add3A_195 : i32 to index
        %get3A_197 = tpu.vector_load %arg8[%get3A_196] {strides = array<i32>} : memref<32768xi32, #tpu.memory_space<vmem>>, vector<16xi32>,
        %add3A_198 = arith.addi %add3A_189, %get3A_197 : vector<16xi32>
        %swap3A_199 = arith.index_cast %add3A_195 : i32 to index
        %swap3A_200 = tpu.vector_load %arg8[%swap3A_199] {strides = array<i32>} : memref<32768xi32, #tpu.memory_space<vmem>>, vector<16xi32>,
        tpu.vector_store %arg8[%swap3A_199], %broadcast_in_dim3A_6 {strides = array<i32>} : memref<32768xi32, #tpu.memory_space<vmem>>, vector<16xi32>,
        %mul3A_201 = arith.constant 16 : i32
        %mul3A_202 = arith.muli %scan3A_66, %mul3A_201 : i32
        %add3A_203 = arith.constant 30720 : i32
        %add3A_204 = arith.addi %add3A_203, %mul3A_202 : i32
        %get3A_205 = arith.index_cast %add3A_204 : i32 to index
        %get3A_206 = tpu.vector_load %arg8[%get3A_205] {strides = array<i32>} : memref<32768xi32, #tpu.memory_space<vmem>>, vector<16xi32>,
        %add3A_207 = arith.addi %add3A_198, %get3A_206 : vector<16xi32>
        %swap3A_208 = arith.index_cast %add3A_204 : i32 to index
        %swap3A_209 = tpu.vector_load %arg8[%swap3A_208] {strides = array<i32>} : memref<32768xi32, #tpu.memory_space<vmem>>, vector<16xi32>,
        tpu.vector_store %arg8[%swap3A_208], %broadcast_in_dim3A_6 {strides = array<i32>} : memref<32768xi32, #tpu.memory_space<vmem>>, vector<16xi32>,
        %mul3A_210 = arith.constant 16 : i32
        %mul3A_211 = arith.muli %scan3A_66, %mul3A_210 : i32
        %swap3A_212 = arith.index_cast %mul3A_211 : i32 to index
        %swap3A_213 = tpu.vector_load %arg7[%swap3A_212] {strides = array<i32>} : memref<2048xi32, #tpu.memory_space<vmem>>, vector<16xi32>,
        tpu.vector_store %arg7[%swap3A_212], %add3A_207 {strides = array<i32>} : memref<2048xi32, #tpu.memory_space<vmem>>, vector<16xi32>,
        %scan3A_214 = arith.constant 0 : i32
        scf.yield %scan3A_214 : i32
      }
      %scan3A_59 = arith.constant 128 : i32
      %mul3A_60 = arith.constant 8 : i32
      %mul3A_61 = arith.muli %add3A, %mul3A_60 : i32
      %add3A_62 = arith.addi %mul3A_61, %scan3A_44 : i32
      %mul3A_63 = arith.constant 2048 : i32
      %mul3A_64 = arith.muli %add3A_62, %mul3A_63 : i32
      "tpu.region"() ({
        %run_scoped3A = tpu.sem_alloc : memref<!tpu.dma_semaphore, #tpu.memory_space<semaphore_mem>>
        %dma_start3A_66 = tpu.memref_slice %arg4[%mul3A_64] : memref<524288xi32, #tpu.memory_space<hbm>> -> memref<2048xi32, #tpu.memory_space<hbm>>
        %dma_start3A_67 = tpu.memref_slice %arg4[%mul3A_64] : memref<524288xi32, #tpu.memory_space<hbm>> -> memref<2048xi32, #tpu.memory_space<hbm>>
        tpu.enqueue_dma source(%arg7 : memref<2048xi32, #tpu.memory_space<vmem>>) target(%dma_start3A_67 : memref<2048xi32, #tpu.memory_space<hbm>>) target_semaphore(%run_scoped3A : memref<!tpu.dma_semaphore, #tpu.memory_space<semaphore_mem>>)
        %dma_wait3A = tpu.memref_slice %arg4[%mul3A_64] : memref<524288xi32, #tpu.memory_space<hbm>> -> memref<2048xi32, #tpu.memory_space<hbm>>
        %dma_wait3A_68 = tpu.memref_slice %arg4[%mul3A_64] : memref<524288xi32, #tpu.memory_space<hbm>> -> memref<2048xi32, #tpu.memory_space<hbm>>
        tpu.wait_dma2 semaphore(%run_scoped3A : memref<!tpu.dma_semaphore, #tpu.memory_space<semaphore_mem>>) src(%arg7 : memref<2048xi32, #tpu.memory_space<vmem>>) dst(%dma_wait3A_68 : memref<2048xi32, #tpu.memory_space<hbm>>)
        tpu.yield
      }) : () -> ()
      %scan3A_65 = arith.constant 0 : i32
      scf.yield %scan3A_65 : i32
    }
    %scan3A_43 = arith.constant 8 : i32
    return
  }
}

#map = affine_map<(d0, d1) -> (0, 0, 0, 0)>
#map1 = affine_map<(d0, d1) -> (0)>
module attributes {stable_mosaic.version = 14 : i64} {
  func.func @hist_kernel(%arg0: i32, %arg1: i32, %arg2: memref<8x96x224x224xf32, #tpu.memory_space<hbm>>, %arg3: memref<128xi32, #tpu.memory_space<hbm>>, %arg4: memref<262144xi32, #tpu.memory_space<hbm>>, %arg5: memref<2x112x224xf32, #tpu.memory_space<vmem>>, %arg6: memref<16xi32, #tpu.memory_space<vmem>>, %arg7: memref<1024xi32, #tpu.memory_space<vmem>>, %arg8: memref<16384xi32, #tpu.memory_space<vmem>>, %arg9: memref<2x!tpu.dma_semaphore, #tpu.memory_space<semaphore_mem>>) attributes {dimension_semantics = [#tpu.dimension_semantics<core_parallel>, #tpu.dimension_semantics<subcore_parallel>], iteration_bounds = array<i64: 2, 16>, scalar_prefetch = 0 : i64, scratch_operands = 5 : i64, tpu.core_type = #tpu.core_type<sc_vector_subcore>, window_params = [{transform_indices = #map}, {transform_indices = #map1}, {transform_indices = #map1}]} {
    %mul3A = arith.constant 16 : i32
    %mul3A_0 = arith.muli %arg0, %mul3A : i32
    %add3A = arith.addi %mul3A_0, %arg1 : i32
    %iota3A = tpu.iota {dimensions = array<i32: 0>} : vector<16xi32>
    %mul3A_1 = arith.constant 1024 : i32
    %mul3A_2 = vector.broadcast %mul3A_1 : i32 to vector<16xi32>
    %mul3A_3 = arith.muli %iota3A, %mul3A_2 : vector<16xi32>
    %broadcast_in_dim3A = arith.constant 1 : i32
    %broadcast_in_dim3A_4 = vector.broadcast %broadcast_in_dim3A : i32 to vector<16xi32>
    %broadcast_in_dim3A_5 = arith.constant 0 : i32
    %broadcast_in_dim3A_6 = vector.broadcast %broadcast_in_dim3A_5 : i32 to vector<16xi32>
    %mul3A_7 = arith.constant 3 : i32
    %mul3A_8 = arith.muli %add3A, %mul3A_7 : i32
    %add3A_9 = arith.constant 0 : i32
    %add3A_10 = arith.addi %mul3A_8, %add3A_9 : i32
    %dma_start3A = arith.constant 0 : i32
    %dma_start3A_11 = arith.constant 0 : i32
    %dma_start3A_12 = arith.constant 0 : i32
    %dma_start3A_13 = arith.constant 0 : i32
    %dma_start3A_14 = arith.constant 0 : i32
    %dma_start3A_15 = tpu.memref_slice %arg5[%dma_start3A_11, %dma_start3A_13, %dma_start3A_14] : memref<2x112x224xf32, #tpu.memory_space<vmem>> -> memref<1x112x224xf32, #tpu.memory_space<vmem>>
    %dma_start3A_16 = tpu.memref_squeeze %dma_start3A_15 : memref<1x112x224xf32, #tpu.memory_space<vmem>> -> memref<112x224xf32, #tpu.memory_space<vmem>>
    %dma_start3A_17 = arith.constant 0 : i32
    %dma_start3A_18 = arith.constant 0 : i32
    %dma_start3A_19 = tpu.memref_slice %arg2[%dma_start3A, %add3A_10, %dma_start3A_17, %dma_start3A_18] : memref<8x96x224x224xf32, #tpu.memory_space<hbm>> -> memref<1x1x112x224xf32, #tpu.memory_space<hbm>>
    %dma_start3A_20 = tpu.memref_squeeze %dma_start3A_19 : memref<1x1x112x224xf32, #tpu.memory_space<hbm>> -> memref<112x224xf32, #tpu.memory_space<hbm>>
    %dma_start3A_21 = tpu.memref_slice %arg9[%dma_start3A_12] : memref<2x!tpu.dma_semaphore, #tpu.memory_space<semaphore_mem>> -> memref<1x!tpu.dma_semaphore, #tpu.memory_space<semaphore_mem>>
    %dma_start3A_22 = tpu.memref_squeeze %dma_start3A_21 : memref<1x!tpu.dma_semaphore, #tpu.memory_space<semaphore_mem>> -> memref<!tpu.dma_semaphore, #tpu.memory_space<semaphore_mem>>
    %dma_start3A_23 = arith.constant 0 : i32
    %dma_start3A_24 = arith.constant 0 : i32
    %dma_start3A_25 = tpu.memref_slice %arg5[%dma_start3A_11, %dma_start3A_23, %dma_start3A_24] : memref<2x112x224xf32, #tpu.memory_space<vmem>> -> memref<1x112x224xf32, #tpu.memory_space<vmem>>
    %dma_start3A_26 = tpu.memref_squeeze %dma_start3A_25 : memref<1x112x224xf32, #tpu.memory_space<vmem>> -> memref<112x224xf32, #tpu.memory_space<vmem>>
    %dma_start3A_27 = arith.constant 0 : i32
    %dma_start3A_28 = arith.constant 0 : i32
    %dma_start3A_29 = tpu.memref_slice %arg2[%dma_start3A, %add3A_10, %dma_start3A_27, %dma_start3A_28] : memref<8x96x224x224xf32, #tpu.memory_space<hbm>> -> memref<1x1x112x224xf32, #tpu.memory_space<hbm>>
    %dma_start3A_30 = tpu.memref_squeeze %dma_start3A_29 : memref<1x1x112x224xf32, #tpu.memory_space<hbm>> -> memref<112x224xf32, #tpu.memory_space<hbm>>
    tpu.enqueue_dma source(%dma_start3A_30 : memref<112x224xf32, #tpu.memory_space<hbm>>) target(%dma_start3A_26 : memref<112x224xf32, #tpu.memory_space<vmem>>) target_semaphore(%dma_start3A_22 : memref<!tpu.dma_semaphore, #tpu.memory_space<semaphore_mem>>)
    %scan3A = arith.constant 0 : i32
    %scan3A_31 = arith.constant 0 : i32
    %scan3A_32 = arith.constant 1024 : i32
    %scan3A_33 = arith.addi %scan3A_31, %scan3A_32 : i32
    %scan3A_34 = arith.constant 1 : i32
    %scan3A_35 = scf.for %scan3A_44 = %scan3A_31 to %scan3A_33 step %scan3A_34 iter_args(%scan3A_45 = %scan3A) -> (i32)  : i32 {
      %mul3A_46 = arith.constant 16 : i32
      %mul3A_47 = arith.muli %scan3A_44, %mul3A_46 : i32
      %swap3A = arith.index_cast %mul3A_47 : i32 to index
      %swap3A_48 = tpu.vector_load %arg8[%swap3A] {strides = array<i32>} : memref<16384xi32, #tpu.memory_space<vmem>>, vector<16xi32>,
      tpu.vector_store %arg8[%swap3A], %broadcast_in_dim3A_6 {strides = array<i32>} : memref<16384xi32, #tpu.memory_space<vmem>>, vector<16xi32>,
      %scan3A_49 = arith.constant 0 : i32
      scf.yield %scan3A_49 : i32
    }
    %scan3A_36 = arith.constant 1024 : i32
    %scan3A_37 = arith.constant 0 : i32
    %scan3A_38 = arith.constant 0 : i32
    %scan3A_39 = arith.constant 8 : i32
    %scan3A_40 = arith.addi %scan3A_38, %scan3A_39 : i32
    %scan3A_41 = arith.constant 1 : i32
    %scan3A_42 = scf.for %scan3A_44 = %scan3A_38 to %scan3A_40 step %scan3A_41 iter_args(%scan3A_45 = %scan3A_37) -> (i32)  : i32 {
      %mul3A_46 = arith.constant 16 : i32
      %mul3A_47 = arith.muli %scan3A_44, %mul3A_46 : i32
      "tpu.region"() ({
        %run_scoped3A = tpu.sem_alloc : memref<!tpu.dma_semaphore, #tpu.memory_space<semaphore_mem>>
        %dma_start3A_69 = tpu.memref_slice %arg3[%mul3A_47] : memref<128xi32, #tpu.memory_space<hbm>> -> memref<16xi32, #tpu.memory_space<hbm>>
        %dma_start3A_70 = tpu.memref_slice %arg3[%mul3A_47] : memref<128xi32, #tpu.memory_space<hbm>> -> memref<16xi32, #tpu.memory_space<hbm>>
        tpu.enqueue_dma source(%dma_start3A_70 : memref<16xi32, #tpu.memory_space<hbm>>) target(%arg6 : memref<16xi32, #tpu.memory_space<vmem>>) target_semaphore(%run_scoped3A : memref<!tpu.dma_semaphore, #tpu.memory_space<semaphore_mem>>)
        %dma_wait3A = tpu.memref_slice %arg3[%mul3A_47] : memref<128xi32, #tpu.memory_space<hbm>> -> memref<16xi32, #tpu.memory_space<hbm>>
        %dma_wait3A_71 = tpu.memref_slice %arg3[%mul3A_47] : memref<128xi32, #tpu.memory_space<hbm>> -> memref<16xi32, #tpu.memory_space<hbm>>
        tpu.wait_dma2 semaphore(%run_scoped3A : memref<!tpu.dma_semaphore, #tpu.memory_space<semaphore_mem>>) src(%dma_wait3A_71 : memref<16xi32, #tpu.memory_space<hbm>>) dst(%arg6 : memref<16xi32, #tpu.memory_space<vmem>>)
        tpu.yield
      }) : () -> ()
      %get3A = arith.constant 0 : index
      %get3A_48 = tpu.vector_load %arg6[%get3A] {strides = array<i32>} : memref<16xi32, #tpu.memory_space<vmem>>, vector<16xi32>,
      %scan3A_49 = arith.constant 0 : i32
      %scan3A_50 = arith.constant 0 : i32
      %scan3A_51 = arith.constant 6 : i32
      %scan3A_52 = arith.addi %scan3A_50, %scan3A_51 : i32
      %scan3A_53 = arith.constant 1 : i32
      %scan3A_54 = scf.for %scan3A_69 = %scan3A_50 to %scan3A_52 step %scan3A_53 iter_args(%scan3A_70 = %scan3A_49) -> (i32)  : i32 {
        %and3A = arith.constant 1 : i32
        %and3A_71 = arith.andi %scan3A_69, %and3A : i32
        %dma_wait3A = arith.constant 0 : i32
        %dma_wait3A_72 = arith.constant 0 : i32
        %dma_wait3A_73 = arith.constant 0 : i32
        %dma_wait3A_74 = arith.constant 0 : i32
        %dma_wait3A_75 = tpu.memref_slice %arg5[%and3A_71, %dma_wait3A_73, %dma_wait3A_74] : memref<2x112x224xf32, #tpu.memory_space<vmem>> -> memref<1x112x224xf32, #tpu.memory_space<vmem>>
        %dma_wait3A_76 = tpu.memref_squeeze %dma_wait3A_75 : memref<1x112x224xf32, #tpu.memory_space<vmem>> -> memref<112x224xf32, #tpu.memory_space<vmem>>
        %dma_wait3A_77 = arith.constant 0 : i32
        %dma_wait3A_78 = arith.constant 0 : i32
        %dma_wait3A_79 = tpu.memref_slice %arg2[%dma_wait3A, %dma_wait3A_72, %dma_wait3A_77, %dma_wait3A_78] : memref<8x96x224x224xf32, #tpu.memory_space<hbm>> -> memref<1x1x112x224xf32, #tpu.memory_space<hbm>>
        %dma_wait3A_80 = tpu.memref_squeeze %dma_wait3A_79 : memref<1x1x112x224xf32, #tpu.memory_space<hbm>> -> memref<112x224xf32, #tpu.memory_space<hbm>>
        %dma_wait3A_81 = tpu.memref_slice %arg9[%and3A_71] : memref<2x!tpu.dma_semaphore, #tpu.memory_space<semaphore_mem>> -> memref<1x!tpu.dma_semaphore, #tpu.memory_space<semaphore_mem>>
        %dma_wait3A_82 = tpu.memref_squeeze %dma_wait3A_81 : memref<1x!tpu.dma_semaphore, #tpu.memory_space<semaphore_mem>> -> memref<!tpu.dma_semaphore, #tpu.memory_space<semaphore_mem>>
        %dma_wait3A_83 = arith.constant 0 : i32
        %dma_wait3A_84 = arith.constant 0 : i32
        %dma_wait3A_85 = tpu.memref_slice %arg5[%and3A_71, %dma_wait3A_83, %dma_wait3A_84] : memref<2x112x224xf32, #tpu.memory_space<vmem>> -> memref<1x112x224xf32, #tpu.memory_space<vmem>>
        %dma_wait3A_86 = tpu.memref_squeeze %dma_wait3A_85 : memref<1x112x224xf32, #tpu.memory_space<vmem>> -> memref<112x224xf32, #tpu.memory_space<vmem>>
        %dma_wait3A_87 = arith.constant 0 : i32
        %dma_wait3A_88 = arith.constant 0 : i32
        %dma_wait3A_89 = tpu.memref_slice %arg2[%dma_wait3A, %dma_wait3A_72, %dma_wait3A_87, %dma_wait3A_88] : memref<8x96x224x224xf32, #tpu.memory_space<hbm>> -> memref<1x1x112x224xf32, #tpu.memory_space<hbm>>
        %dma_wait3A_90 = tpu.memref_squeeze %dma_wait3A_89 : memref<1x1x112x224xf32, #tpu.memory_space<hbm>> -> memref<112x224xf32, #tpu.memory_space<hbm>>
        tpu.wait_dma2 semaphore(%dma_wait3A_82 : memref<!tpu.dma_semaphore, #tpu.memory_space<semaphore_mem>>) src(%dma_wait3A_90 : memref<112x224xf32, #tpu.memory_space<hbm>>) dst(%dma_wait3A_86 : memref<112x224xf32, #tpu.memory_space<vmem>>)
        %add3A_91 = arith.constant 1 : i32
        %add3A_92 = arith.addi %scan3A_69, %add3A_91 : i32
        %lt3A = arith.constant 6 : i32
        %lt3A_93 = arith.cmpi slt, %add3A_92, %lt3A : i32
        %convert_element_type3A = arith.extui %lt3A_93 : i1 to i32
        %cond3A = arith.constant 0 : i32
        %cond3A_94 = arith.cmpi ne, %convert_element_type3A, %cond3A : i32
        scf.if %cond3A_94 {
          %add3A_109 = arith.constant 1 : i32
          %add3A_110 = arith.addi %scan3A_69, %add3A_109 : i32
          %and3A_111 = arith.constant 1 : i32
          %and3A_112 = arith.andi %add3A_110, %and3A_111 : i32
          %shift_right_arithmetic3A = arith.constant 1 : i32
          %shift_right_arithmetic3A_113 = arith.shrsi %add3A_110, %shift_right_arithmetic3A : i32
          %add3A_114 = arith.addi %mul3A_8, %shift_right_arithmetic3A_113 : i32
          %and3A_115 = arith.constant 1 : i32
          %and3A_116 = arith.andi %add3A_110, %and3A_115 : i32
          %mul3A_117 = arith.constant 112 : i32
          %mul3A_118 = arith.muli %and3A_116, %mul3A_117 : i32
          %dma_start3A_119 = arith.constant 0 : i32
          %dma_start3A_120 = arith.constant 0 : i32
          %dma_start3A_121 = tpu.memref_slice %arg5[%and3A_112, %dma_start3A_119, %dma_start3A_120] : memref<2x112x224xf32, #tpu.memory_space<vmem>> -> memref<1x112x224xf32, #tpu.memory_space<vmem>>
          %dma_start3A_122 = tpu.memref_squeeze %dma_start3A_121 : memref<1x112x224xf32, #tpu.memory_space<vmem>> -> memref<112x224xf32, #tpu.memory_space<vmem>>
          %dma_start3A_123 = arith.constant 0 : i32
          %dma_start3A_124 = tpu.memref_slice %arg2[%scan3A_44, %add3A_114, %mul3A_118, %dma_start3A_123] : memref<8x96x224x224xf32, #tpu.memory_space<hbm>> -> memref<1x1x112x224xf32, #tpu.memory_space<hbm>>
          %dma_start3A_125 = tpu.memref_squeeze %dma_start3A_124 : memref<1x1x112x224xf32, #tpu.memory_space<hbm>> -> memref<112x224xf32, #tpu.memory_space<hbm>>
          %dma_start3A_126 = tpu.memref_slice %arg9[%and3A_112] : memref<2x!tpu.dma_semaphore, #tpu.memory_space<semaphore_mem>> -> memref<1x!tpu.dma_semaphore, #tpu.memory_space<semaphore_mem>>
          %dma_start3A_127 = tpu.memref_squeeze %dma_start3A_126 : memref<1x!tpu.dma_semaphore, #tpu.memory_space<semaphore_mem>> -> memref<!tpu.dma_semaphore, #tpu.memory_space<semaphore_mem>>
          %dma_start3A_128 = arith.constant 0 : i32
          %dma_start3A_129 = arith.constant 0 : i32
          %dma_start3A_130 = tpu.memref_slice %arg5[%and3A_112, %dma_start3A_128, %dma_start3A_129] : memref<2x112x224xf32, #tpu.memory_space<vmem>> -> memref<1x112x224xf32, #tpu.memory_space<vmem>>
          %dma_start3A_131 = tpu.memref_squeeze %dma_start3A_130 : memref<1x112x224xf32, #tpu.memory_space<vmem>> -> memref<112x224xf32, #tpu.memory_space<vmem>>
          %dma_start3A_132 = arith.constant 0 : i32
          %dma_start3A_133 = tpu.memref_slice %arg2[%scan3A_44, %add3A_114, %mul3A_118, %dma_start3A_132] : memref<8x96x224x224xf32, #tpu.memory_space<hbm>> -> memref<1x1x112x224xf32, #tpu.memory_space<hbm>>
          %dma_start3A_134 = tpu.memref_squeeze %dma_start3A_133 : memref<1x1x112x224xf32, #tpu.memory_space<hbm>> -> memref<112x224xf32, #tpu.memory_space<hbm>>
          tpu.enqueue_dma source(%dma_start3A_134 : memref<112x224xf32, #tpu.memory_space<hbm>>) target(%dma_start3A_131 : memref<112x224xf32, #tpu.memory_space<vmem>>) target_semaphore(%dma_start3A_127 : memref<!tpu.dma_semaphore, #tpu.memory_space<semaphore_mem>>)
        } else {
        }
        %add3A_95 = arith.constant 1 : i32
        %add3A_96 = arith.addi %scan3A_69, %add3A_95 : i32
        %ge3A = arith.constant 6 : i32
        %ge3A_97 = arith.cmpi sge, %add3A_96, %ge3A : i32
        %add3A_98 = arith.constant 1 : i32
        %add3A_99 = arith.addi %scan3A_44, %add3A_98 : i32
        %lt3A_100 = arith.constant 8 : i32
        %lt3A_101 = arith.cmpi slt, %add3A_99, %lt3A_100 : i32
        %and3A_102 = arith.andi %ge3A_97, %lt3A_101 : i1
        %convert_element_type3A_103 = arith.extui %and3A_102 : i1 to i32
        %cond3A_104 = arith.constant 0 : i32
        %cond3A_105 = arith.cmpi ne, %convert_element_type3A_103, %cond3A_104 : i32
        scf.if %cond3A_105 {
          %add3A_109 = arith.constant 1 : i32
          %add3A_110 = arith.addi %scan3A_44, %add3A_109 : i32
          %add3A_111 = arith.constant 0 : i32
          %add3A_112 = arith.addi %mul3A_8, %add3A_111 : i32
          %dma_start3A_113 = arith.constant 0 : i32
          %dma_start3A_114 = arith.constant 0 : i32
          %dma_start3A_115 = arith.constant 0 : i32
          %dma_start3A_116 = arith.constant 0 : i32
          %dma_start3A_117 = tpu.memref_slice %arg5[%dma_start3A_113, %dma_start3A_115, %dma_start3A_116] : memref<2x112x224xf32, #tpu.memory_space<vmem>> -> memref<1x112x224xf32, #tpu.memory_space<vmem>>
          %dma_start3A_118 = tpu.memref_squeeze %dma_start3A_117 : memref<1x112x224xf32, #tpu.memory_space<vmem>> -> memref<112x224xf32, #tpu.memory_space<vmem>>
          %dma_start3A_119 = arith.constant 0 : i32
          %dma_start3A_120 = arith.constant 0 : i32
          %dma_start3A_121 = tpu.memref_slice %arg2[%add3A_110, %add3A_112, %dma_start3A_119, %dma_start3A_120] : memref<8x96x224x224xf32, #tpu.memory_space<hbm>> -> memref<1x1x112x224xf32, #tpu.memory_space<hbm>>
          %dma_start3A_122 = tpu.memref_squeeze %dma_start3A_121 : memref<1x1x112x224xf32, #tpu.memory_space<hbm>> -> memref<112x224xf32, #tpu.memory_space<hbm>>
          %dma_start3A_123 = tpu.memref_slice %arg9[%dma_start3A_114] : memref<2x!tpu.dma_semaphore, #tpu.memory_space<semaphore_mem>> -> memref<1x!tpu.dma_semaphore, #tpu.memory_space<semaphore_mem>>
          %dma_start3A_124 = tpu.memref_squeeze %dma_start3A_123 : memref<1x!tpu.dma_semaphore, #tpu.memory_space<semaphore_mem>> -> memref<!tpu.dma_semaphore, #tpu.memory_space<semaphore_mem>>
          %dma_start3A_125 = arith.constant 0 : i32
          %dma_start3A_126 = arith.constant 0 : i32
          %dma_start3A_127 = tpu.memref_slice %arg5[%dma_start3A_113, %dma_start3A_125, %dma_start3A_126] : memref<2x112x224xf32, #tpu.memory_space<vmem>> -> memref<1x112x224xf32, #tpu.memory_space<vmem>>
          %dma_start3A_128 = tpu.memref_squeeze %dma_start3A_127 : memref<1x112x224xf32, #tpu.memory_space<vmem>> -> memref<112x224xf32, #tpu.memory_space<vmem>>
          %dma_start3A_129 = arith.constant 0 : i32
          %dma_start3A_130 = arith.constant 0 : i32
          %dma_start3A_131 = tpu.memref_slice %arg2[%add3A_110, %add3A_112, %dma_start3A_129, %dma_start3A_130] : memref<8x96x224x224xf32, #tpu.memory_space<hbm>> -> memref<1x1x112x224xf32, #tpu.memory_space<hbm>>
          %dma_start3A_132 = tpu.memref_squeeze %dma_start3A_131 : memref<1x1x112x224xf32, #tpu.memory_space<hbm>> -> memref<112x224xf32, #tpu.memory_space<hbm>>
          tpu.enqueue_dma source(%dma_start3A_132 : memref<112x224xf32, #tpu.memory_space<hbm>>) target(%dma_start3A_128 : memref<112x224xf32, #tpu.memory_space<vmem>>) target_semaphore(%dma_start3A_124 : memref<!tpu.dma_semaphore, #tpu.memory_space<semaphore_mem>>)
        } else {
        }
        %parallel_loop3A = arith.constant 0 : i32
        %parallel_loop3A_106 = arith.constant 112 : i32
        %parallel_loop3A_107 = arith.constant 1 : i32
        scf.for %parallel_loop3A_109 = %parallel_loop3A to %parallel_loop3A_106 step %parallel_loop3A_107  : i32 {
          %parallel_loop3A_110 = arith.index_cast %and3A_71 : i32 to index
          %parallel_loop3A_111 = arith.index_cast %parallel_loop3A_109 : i32 to index
          %parallel_loop3A_112 = arith.constant 0 : index
          %parallel_loop3A_113 = tpu.vector_load %arg5[%parallel_loop3A_110, %parallel_loop3A_111, %parallel_loop3A_112] {strides = array<i32>} : memref<2x112x224xf32, #tpu.memory_space<vmem>>, vector<16xf32>,
          %parallel_loop3A_114 = arith.index_cast %and3A_71 : i32 to index
          %parallel_loop3A_115 = arith.index_cast %parallel_loop3A_109 : i32 to index
          %parallel_loop3A_116 = arith.constant 16 : index
          %parallel_loop3A_117 = tpu.vector_load %arg5[%parallel_loop3A_114, %parallel_loop3A_115, %parallel_loop3A_116] {strides = array<i32>} : memref<2x112x224xf32, #tpu.memory_space<vmem>>, vector<16xf32>,
          %parallel_loop3A_118 = arith.index_cast %and3A_71 : i32 to index
          %parallel_loop3A_119 = arith.index_cast %parallel_loop3A_109 : i32 to index
          %parallel_loop3A_120 = arith.constant 32 : index
          %parallel_loop3A_121 = tpu.vector_load %arg5[%parallel_loop3A_118, %parallel_loop3A_119, %parallel_loop3A_120] {strides = array<i32>} : memref<2x112x224xf32, #tpu.memory_space<vmem>>, vector<16xf32>,
          %parallel_loop3A_122 = arith.index_cast %and3A_71 : i32 to index
          %parallel_loop3A_123 = arith.index_cast %parallel_loop3A_109 : i32 to index
          %parallel_loop3A_124 = arith.constant 48 : index
          %parallel_loop3A_125 = tpu.vector_load %arg5[%parallel_loop3A_122, %parallel_loop3A_123, %parallel_loop3A_124] {strides = array<i32>} : memref<2x112x224xf32, #tpu.memory_space<vmem>>, vector<16xf32>,
          %parallel_loop3A_126 = arith.index_cast %and3A_71 : i32 to index
          %parallel_loop3A_127 = arith.index_cast %parallel_loop3A_109 : i32 to index
          %parallel_loop3A_128 = arith.constant 64 : index
          %parallel_loop3A_129 = tpu.vector_load %arg5[%parallel_loop3A_126, %parallel_loop3A_127, %parallel_loop3A_128] {strides = array<i32>} : memref<2x112x224xf32, #tpu.memory_space<vmem>>, vector<16xf32>,
          %parallel_loop3A_130 = arith.index_cast %and3A_71 : i32 to index
          %parallel_loop3A_131 = arith.index_cast %parallel_loop3A_109 : i32 to index
          %parallel_loop3A_132 = arith.constant 80 : index
          %parallel_loop3A_133 = tpu.vector_load %arg5[%parallel_loop3A_130, %parallel_loop3A_131, %parallel_loop3A_132] {strides = array<i32>} : memref<2x112x224xf32, #tpu.memory_space<vmem>>, vector<16xf32>,
          %parallel_loop3A_134 = arith.index_cast %and3A_71 : i32 to index
          %parallel_loop3A_135 = arith.index_cast %parallel_loop3A_109 : i32 to index
          %parallel_loop3A_136 = arith.constant 96 : index
          %parallel_loop3A_137 = tpu.vector_load %arg5[%parallel_loop3A_134, %parallel_loop3A_135, %parallel_loop3A_136] {strides = array<i32>} : memref<2x112x224xf32, #tpu.memory_space<vmem>>, vector<16xf32>,
          %parallel_loop3A_138 = arith.index_cast %and3A_71 : i32 to index
          %parallel_loop3A_139 = arith.index_cast %parallel_loop3A_109 : i32 to index
          %parallel_loop3A_140 = arith.constant 112 : index
          %parallel_loop3A_141 = tpu.vector_load %arg5[%parallel_loop3A_138, %parallel_loop3A_139, %parallel_loop3A_140] {strides = array<i32>} : memref<2x112x224xf32, #tpu.memory_space<vmem>>, vector<16xf32>,
          %parallel_loop3A_142 = arith.index_cast %and3A_71 : i32 to index
          %parallel_loop3A_143 = arith.index_cast %parallel_loop3A_109 : i32 to index
          %parallel_loop3A_144 = arith.constant 128 : index
          %parallel_loop3A_145 = tpu.vector_load %arg5[%parallel_loop3A_142, %parallel_loop3A_143, %parallel_loop3A_144] {strides = array<i32>} : memref<2x112x224xf32, #tpu.memory_space<vmem>>, vector<16xf32>,
          %parallel_loop3A_146 = arith.index_cast %and3A_71 : i32 to index
          %parallel_loop3A_147 = arith.index_cast %parallel_loop3A_109 : i32 to index
          %parallel_loop3A_148 = arith.constant 144 : index
          %parallel_loop3A_149 = tpu.vector_load %arg5[%parallel_loop3A_146, %parallel_loop3A_147, %parallel_loop3A_148] {strides = array<i32>} : memref<2x112x224xf32, #tpu.memory_space<vmem>>, vector<16xf32>,
          %parallel_loop3A_150 = arith.index_cast %and3A_71 : i32 to index
          %parallel_loop3A_151 = arith.index_cast %parallel_loop3A_109 : i32 to index
          %parallel_loop3A_152 = arith.constant 160 : index
          %parallel_loop3A_153 = tpu.vector_load %arg5[%parallel_loop3A_150, %parallel_loop3A_151, %parallel_loop3A_152] {strides = array<i32>} : memref<2x112x224xf32, #tpu.memory_space<vmem>>, vector<16xf32>,
          %parallel_loop3A_154 = arith.index_cast %and3A_71 : i32 to index
          %parallel_loop3A_155 = arith.index_cast %parallel_loop3A_109 : i32 to index
          %parallel_loop3A_156 = arith.constant 176 : index
          %parallel_loop3A_157 = tpu.vector_load %arg5[%parallel_loop3A_154, %parallel_loop3A_155, %parallel_loop3A_156] {strides = array<i32>} : memref<2x112x224xf32, #tpu.memory_space<vmem>>, vector<16xf32>,
          %parallel_loop3A_158 = arith.index_cast %and3A_71 : i32 to index
          %parallel_loop3A_159 = arith.index_cast %parallel_loop3A_109 : i32 to index
          %parallel_loop3A_160 = arith.constant 192 : index
          %parallel_loop3A_161 = tpu.vector_load %arg5[%parallel_loop3A_158, %parallel_loop3A_159, %parallel_loop3A_160] {strides = array<i32>} : memref<2x112x224xf32, #tpu.memory_space<vmem>>, vector<16xf32>,
          %parallel_loop3A_162 = arith.index_cast %and3A_71 : i32 to index
          %parallel_loop3A_163 = arith.index_cast %parallel_loop3A_109 : i32 to index
          %parallel_loop3A_164 = arith.constant 208 : index
          %parallel_loop3A_165 = tpu.vector_load %arg5[%parallel_loop3A_162, %parallel_loop3A_163, %parallel_loop3A_164] {strides = array<i32>} : memref<2x112x224xf32, #tpu.memory_space<vmem>>, vector<16xf32>,
          %parallel_loop3A_166 = tpu.bitcast %parallel_loop3A_113 : vector<16xf32> -> vector<16xi32>
          %parallel_loop3A_167 = arith.constant 31 : i32
          %parallel_loop3A_168 = vector.broadcast %parallel_loop3A_167 : i32 to vector<16xi32>
          %parallel_loop3A_169 = arith.shrui %parallel_loop3A_166, %parallel_loop3A_168 : vector<16xi32>
          %parallel_loop3A_170 = arith.constant 0 : i32
          %parallel_loop3A_171 = vector.broadcast %parallel_loop3A_170 : i32 to vector<16xi32>
          %parallel_loop3A_172 = arith.subi %parallel_loop3A_171, %parallel_loop3A_169 : vector<16xi32>
          %parallel_loop3A_173 = arith.constant -2147483648 : i32
          %parallel_loop3A_174 = vector.broadcast %parallel_loop3A_173 : i32 to vector<16xi32>
          %parallel_loop3A_175 = arith.ori %parallel_loop3A_172, %parallel_loop3A_174 : vector<16xi32>
          %parallel_loop3A_176 = arith.xori %parallel_loop3A_166, %parallel_loop3A_175 : vector<16xi32>
          %parallel_loop3A_177 = tpu.bitcast %parallel_loop3A_117 : vector<16xf32> -> vector<16xi32>
          %parallel_loop3A_178 = arith.constant 31 : i32
          %parallel_loop3A_179 = vector.broadcast %parallel_loop3A_178 : i32 to vector<16xi32>
          %parallel_loop3A_180 = arith.shrui %parallel_loop3A_177, %parallel_loop3A_179 : vector<16xi32>
          %parallel_loop3A_181 = arith.constant 0 : i32
          %parallel_loop3A_182 = vector.broadcast %parallel_loop3A_181 : i32 to vector<16xi32>
          %parallel_loop3A_183 = arith.subi %parallel_loop3A_182, %parallel_loop3A_180 : vector<16xi32>
          %parallel_loop3A_184 = arith.constant -2147483648 : i32
          %parallel_loop3A_185 = vector.broadcast %parallel_loop3A_184 : i32 to vector<16xi32>
          %parallel_loop3A_186 = arith.ori %parallel_loop3A_183, %parallel_loop3A_185 : vector<16xi32>
          %parallel_loop3A_187 = arith.xori %parallel_loop3A_177, %parallel_loop3A_186 : vector<16xi32>
          %parallel_loop3A_188 = tpu.bitcast %parallel_loop3A_121 : vector<16xf32> -> vector<16xi32>
          %parallel_loop3A_189 = arith.constant 31 : i32
          %parallel_loop3A_190 = vector.broadcast %parallel_loop3A_189 : i32 to vector<16xi32>
          %parallel_loop3A_191 = arith.shrui %parallel_loop3A_188, %parallel_loop3A_190 : vector<16xi32>
          %parallel_loop3A_192 = arith.constant 0 : i32
          %parallel_loop3A_193 = vector.broadcast %parallel_loop3A_192 : i32 to vector<16xi32>
          %parallel_loop3A_194 = arith.subi %parallel_loop3A_193, %parallel_loop3A_191 : vector<16xi32>
          %parallel_loop3A_195 = arith.constant -2147483648 : i32
          %parallel_loop3A_196 = vector.broadcast %parallel_loop3A_195 : i32 to vector<16xi32>
          %parallel_loop3A_197 = arith.ori %parallel_loop3A_194, %parallel_loop3A_196 : vector<16xi32>
          %parallel_loop3A_198 = arith.xori %parallel_loop3A_188, %parallel_loop3A_197 : vector<16xi32>
          %parallel_loop3A_199 = tpu.bitcast %parallel_loop3A_125 : vector<16xf32> -> vector<16xi32>
          %parallel_loop3A_200 = arith.constant 31 : i32
          %parallel_loop3A_201 = vector.broadcast %parallel_loop3A_200 : i32 to vector<16xi32>
          %parallel_loop3A_202 = arith.shrui %parallel_loop3A_199, %parallel_loop3A_201 : vector<16xi32>
          %parallel_loop3A_203 = arith.constant 0 : i32
          %parallel_loop3A_204 = vector.broadcast %parallel_loop3A_203 : i32 to vector<16xi32>
          %parallel_loop3A_205 = arith.subi %parallel_loop3A_204, %parallel_loop3A_202 : vector<16xi32>
          %parallel_loop3A_206 = arith.constant -2147483648 : i32
          %parallel_loop3A_207 = vector.broadcast %parallel_loop3A_206 : i32 to vector<16xi32>
          %parallel_loop3A_208 = arith.ori %parallel_loop3A_205, %parallel_loop3A_207 : vector<16xi32>
          %parallel_loop3A_209 = arith.xori %parallel_loop3A_199, %parallel_loop3A_208 : vector<16xi32>
          %parallel_loop3A_210 = tpu.bitcast %parallel_loop3A_129 : vector<16xf32> -> vector<16xi32>
          %parallel_loop3A_211 = arith.constant 31 : i32
          %parallel_loop3A_212 = vector.broadcast %parallel_loop3A_211 : i32 to vector<16xi32>
          %parallel_loop3A_213 = arith.shrui %parallel_loop3A_210, %parallel_loop3A_212 : vector<16xi32>
          %parallel_loop3A_214 = arith.constant 0 : i32
          %parallel_loop3A_215 = vector.broadcast %parallel_loop3A_214 : i32 to vector<16xi32>
          %parallel_loop3A_216 = arith.subi %parallel_loop3A_215, %parallel_loop3A_213 : vector<16xi32>
          %parallel_loop3A_217 = arith.constant -2147483648 : i32
          %parallel_loop3A_218 = vector.broadcast %parallel_loop3A_217 : i32 to vector<16xi32>
          %parallel_loop3A_219 = arith.ori %parallel_loop3A_216, %parallel_loop3A_218 : vector<16xi32>
          %parallel_loop3A_220 = arith.xori %parallel_loop3A_210, %parallel_loop3A_219 : vector<16xi32>
          %parallel_loop3A_221 = tpu.bitcast %parallel_loop3A_133 : vector<16xf32> -> vector<16xi32>
          %parallel_loop3A_222 = arith.constant 31 : i32
          %parallel_loop3A_223 = vector.broadcast %parallel_loop3A_222 : i32 to vector<16xi32>
          %parallel_loop3A_224 = arith.shrui %parallel_loop3A_221, %parallel_loop3A_223 : vector<16xi32>
          %parallel_loop3A_225 = arith.constant 0 : i32
          %parallel_loop3A_226 = vector.broadcast %parallel_loop3A_225 : i32 to vector<16xi32>
          %parallel_loop3A_227 = arith.subi %parallel_loop3A_226, %parallel_loop3A_224 : vector<16xi32>
          %parallel_loop3A_228 = arith.constant -2147483648 : i32
          %parallel_loop3A_229 = vector.broadcast %parallel_loop3A_228 : i32 to vector<16xi32>
          %parallel_loop3A_230 = arith.ori %parallel_loop3A_227, %parallel_loop3A_229 : vector<16xi32>
          %parallel_loop3A_231 = arith.xori %parallel_loop3A_221, %parallel_loop3A_230 : vector<16xi32>
          %parallel_loop3A_232 = tpu.bitcast %parallel_loop3A_137 : vector<16xf32> -> vector<16xi32>
          %parallel_loop3A_233 = arith.constant 31 : i32
          %parallel_loop3A_234 = vector.broadcast %parallel_loop3A_233 : i32 to vector<16xi32>
          %parallel_loop3A_235 = arith.shrui %parallel_loop3A_232, %parallel_loop3A_234 : vector<16xi32>
          %parallel_loop3A_236 = arith.constant 0 : i32
          %parallel_loop3A_237 = vector.broadcast %parallel_loop3A_236 : i32 to vector<16xi32>
          %parallel_loop3A_238 = arith.subi %parallel_loop3A_237, %parallel_loop3A_235 : vector<16xi32>
          %parallel_loop3A_239 = arith.constant -2147483648 : i32
          %parallel_loop3A_240 = vector.broadcast %parallel_loop3A_239 : i32 to vector<16xi32>
          %parallel_loop3A_241 = arith.ori %parallel_loop3A_238, %parallel_loop3A_240 : vector<16xi32>
          %parallel_loop3A_242 = arith.xori %parallel_loop3A_232, %parallel_loop3A_241 : vector<16xi32>
          %parallel_loop3A_243 = tpu.bitcast %parallel_loop3A_141 : vector<16xf32> -> vector<16xi32>
          %parallel_loop3A_244 = arith.constant 31 : i32
          %parallel_loop3A_245 = vector.broadcast %parallel_loop3A_244 : i32 to vector<16xi32>
          %parallel_loop3A_246 = arith.shrui %parallel_loop3A_243, %parallel_loop3A_245 : vector<16xi32>
          %parallel_loop3A_247 = arith.constant 0 : i32
          %parallel_loop3A_248 = vector.broadcast %parallel_loop3A_247 : i32 to vector<16xi32>
          %parallel_loop3A_249 = arith.subi %parallel_loop3A_248, %parallel_loop3A_246 : vector<16xi32>
          %parallel_loop3A_250 = arith.constant -2147483648 : i32
          %parallel_loop3A_251 = vector.broadcast %parallel_loop3A_250 : i32 to vector<16xi32>
          %parallel_loop3A_252 = arith.ori %parallel_loop3A_249, %parallel_loop3A_251 : vector<16xi32>
          %parallel_loop3A_253 = arith.xori %parallel_loop3A_243, %parallel_loop3A_252 : vector<16xi32>
          %parallel_loop3A_254 = tpu.bitcast %parallel_loop3A_145 : vector<16xf32> -> vector<16xi32>
          %parallel_loop3A_255 = arith.constant 31 : i32
          %parallel_loop3A_256 = vector.broadcast %parallel_loop3A_255 : i32 to vector<16xi32>
          %parallel_loop3A_257 = arith.shrui %parallel_loop3A_254, %parallel_loop3A_256 : vector<16xi32>
          %parallel_loop3A_258 = arith.constant 0 : i32
          %parallel_loop3A_259 = vector.broadcast %parallel_loop3A_258 : i32 to vector<16xi32>
          %parallel_loop3A_260 = arith.subi %parallel_loop3A_259, %parallel_loop3A_257 : vector<16xi32>
          %parallel_loop3A_261 = arith.constant -2147483648 : i32
          %parallel_loop3A_262 = vector.broadcast %parallel_loop3A_261 : i32 to vector<16xi32>
          %parallel_loop3A_263 = arith.ori %parallel_loop3A_260, %parallel_loop3A_262 : vector<16xi32>
          %parallel_loop3A_264 = arith.xori %parallel_loop3A_254, %parallel_loop3A_263 : vector<16xi32>
          %parallel_loop3A_265 = tpu.bitcast %parallel_loop3A_149 : vector<16xf32> -> vector<16xi32>
          %parallel_loop3A_266 = arith.constant 31 : i32
          %parallel_loop3A_267 = vector.broadcast %parallel_loop3A_266 : i32 to vector<16xi32>
          %parallel_loop3A_268 = arith.shrui %parallel_loop3A_265, %parallel_loop3A_267 : vector<16xi32>
          %parallel_loop3A_269 = arith.constant 0 : i32
          %parallel_loop3A_270 = vector.broadcast %parallel_loop3A_269 : i32 to vector<16xi32>
          %parallel_loop3A_271 = arith.subi %parallel_loop3A_270, %parallel_loop3A_268 : vector<16xi32>
          %parallel_loop3A_272 = arith.constant -2147483648 : i32
          %parallel_loop3A_273 = vector.broadcast %parallel_loop3A_272 : i32 to vector<16xi32>
          %parallel_loop3A_274 = arith.ori %parallel_loop3A_271, %parallel_loop3A_273 : vector<16xi32>
          %parallel_loop3A_275 = arith.xori %parallel_loop3A_265, %parallel_loop3A_274 : vector<16xi32>
          %parallel_loop3A_276 = tpu.bitcast %parallel_loop3A_153 : vector<16xf32> -> vector<16xi32>
          %parallel_loop3A_277 = arith.constant 31 : i32
          %parallel_loop3A_278 = vector.broadcast %parallel_loop3A_277 : i32 to vector<16xi32>
          %parallel_loop3A_279 = arith.shrui %parallel_loop3A_276, %parallel_loop3A_278 : vector<16xi32>
          %parallel_loop3A_280 = arith.constant 0 : i32
          %parallel_loop3A_281 = vector.broadcast %parallel_loop3A_280 : i32 to vector<16xi32>
          %parallel_loop3A_282 = arith.subi %parallel_loop3A_281, %parallel_loop3A_279 : vector<16xi32>
          %parallel_loop3A_283 = arith.constant -2147483648 : i32
          %parallel_loop3A_284 = vector.broadcast %parallel_loop3A_283 : i32 to vector<16xi32>
          %parallel_loop3A_285 = arith.ori %parallel_loop3A_282, %parallel_loop3A_284 : vector<16xi32>
          %parallel_loop3A_286 = arith.xori %parallel_loop3A_276, %parallel_loop3A_285 : vector<16xi32>
          %parallel_loop3A_287 = tpu.bitcast %parallel_loop3A_157 : vector<16xf32> -> vector<16xi32>
          %parallel_loop3A_288 = arith.constant 31 : i32
          %parallel_loop3A_289 = vector.broadcast %parallel_loop3A_288 : i32 to vector<16xi32>
          %parallel_loop3A_290 = arith.shrui %parallel_loop3A_287, %parallel_loop3A_289 : vector<16xi32>
          %parallel_loop3A_291 = arith.constant 0 : i32
          %parallel_loop3A_292 = vector.broadcast %parallel_loop3A_291 : i32 to vector<16xi32>
          %parallel_loop3A_293 = arith.subi %parallel_loop3A_292, %parallel_loop3A_290 : vector<16xi32>
          %parallel_loop3A_294 = arith.constant -2147483648 : i32
          %parallel_loop3A_295 = vector.broadcast %parallel_loop3A_294 : i32 to vector<16xi32>
          %parallel_loop3A_296 = arith.ori %parallel_loop3A_293, %parallel_loop3A_295 : vector<16xi32>
          %parallel_loop3A_297 = arith.xori %parallel_loop3A_287, %parallel_loop3A_296 : vector<16xi32>
          %parallel_loop3A_298 = tpu.bitcast %parallel_loop3A_161 : vector<16xf32> -> vector<16xi32>
          %parallel_loop3A_299 = arith.constant 31 : i32
          %parallel_loop3A_300 = vector.broadcast %parallel_loop3A_299 : i32 to vector<16xi32>
          %parallel_loop3A_301 = arith.shrui %parallel_loop3A_298, %parallel_loop3A_300 : vector<16xi32>
          %parallel_loop3A_302 = arith.constant 0 : i32
          %parallel_loop3A_303 = vector.broadcast %parallel_loop3A_302 : i32 to vector<16xi32>
          %parallel_loop3A_304 = arith.subi %parallel_loop3A_303, %parallel_loop3A_301 : vector<16xi32>
          %parallel_loop3A_305 = arith.constant -2147483648 : i32
          %parallel_loop3A_306 = vector.broadcast %parallel_loop3A_305 : i32 to vector<16xi32>
          %parallel_loop3A_307 = arith.ori %parallel_loop3A_304, %parallel_loop3A_306 : vector<16xi32>
          %parallel_loop3A_308 = arith.xori %parallel_loop3A_298, %parallel_loop3A_307 : vector<16xi32>
          %parallel_loop3A_309 = tpu.bitcast %parallel_loop3A_165 : vector<16xf32> -> vector<16xi32>
          %parallel_loop3A_310 = arith.constant 31 : i32
          %parallel_loop3A_311 = vector.broadcast %parallel_loop3A_310 : i32 to vector<16xi32>
          %parallel_loop3A_312 = arith.shrui %parallel_loop3A_309, %parallel_loop3A_311 : vector<16xi32>
          %parallel_loop3A_313 = arith.constant 0 : i32
          %parallel_loop3A_314 = vector.broadcast %parallel_loop3A_313 : i32 to vector<16xi32>
          %parallel_loop3A_315 = arith.subi %parallel_loop3A_314, %parallel_loop3A_312 : vector<16xi32>
          %parallel_loop3A_316 = arith.constant -2147483648 : i32
          %parallel_loop3A_317 = vector.broadcast %parallel_loop3A_316 : i32 to vector<16xi32>
          %parallel_loop3A_318 = arith.ori %parallel_loop3A_315, %parallel_loop3A_317 : vector<16xi32>
          %parallel_loop3A_319 = arith.xori %parallel_loop3A_309, %parallel_loop3A_318 : vector<16xi32>
          %parallel_loop3A_320 = arith.constant 22 : i32
          %parallel_loop3A_321 = vector.broadcast %parallel_loop3A_320 : i32 to vector<16xi32>
          %parallel_loop3A_322 = arith.shli %parallel_loop3A_176, %parallel_loop3A_321 : vector<16xi32>
          %parallel_loop3A_323 = arith.constant 22 : i32
          %parallel_loop3A_324 = vector.broadcast %parallel_loop3A_323 : i32 to vector<16xi32>
          %parallel_loop3A_325 = arith.shrui %parallel_loop3A_322, %parallel_loop3A_324 : vector<16xi32>
          %parallel_loop3A_326 = tpu.bitcast %parallel_loop3A_325 : vector<16xi32> -> vector<16xi32>
          %parallel_loop3A_327 = arith.ori %mul3A_3, %parallel_loop3A_326 : vector<16xi32>
          %parallel_loop3A_328 = arith.constant 22 : i32
          %parallel_loop3A_329 = vector.broadcast %parallel_loop3A_328 : i32 to vector<16xi32>
          %parallel_loop3A_330 = arith.shli %parallel_loop3A_187, %parallel_loop3A_329 : vector<16xi32>
          %parallel_loop3A_331 = arith.constant 22 : i32
          %parallel_loop3A_332 = vector.broadcast %parallel_loop3A_331 : i32 to vector<16xi32>
          %parallel_loop3A_333 = arith.shrui %parallel_loop3A_330, %parallel_loop3A_332 : vector<16xi32>
          %parallel_loop3A_334 = tpu.bitcast %parallel_loop3A_333 : vector<16xi32> -> vector<16xi32>
          %parallel_loop3A_335 = arith.ori %mul3A_3, %parallel_loop3A_334 : vector<16xi32>
          %parallel_loop3A_336 = arith.constant 22 : i32
          %parallel_loop3A_337 = vector.broadcast %parallel_loop3A_336 : i32 to vector<16xi32>
          %parallel_loop3A_338 = arith.shli %parallel_loop3A_198, %parallel_loop3A_337 : vector<16xi32>
          %parallel_loop3A_339 = arith.constant 22 : i32
          %parallel_loop3A_340 = vector.broadcast %parallel_loop3A_339 : i32 to vector<16xi32>
          %parallel_loop3A_341 = arith.shrui %parallel_loop3A_338, %parallel_loop3A_340 : vector<16xi32>
          %parallel_loop3A_342 = tpu.bitcast %parallel_loop3A_341 : vector<16xi32> -> vector<16xi32>
          %parallel_loop3A_343 = arith.ori %mul3A_3, %parallel_loop3A_342 : vector<16xi32>
          %parallel_loop3A_344 = arith.constant 22 : i32
          %parallel_loop3A_345 = vector.broadcast %parallel_loop3A_344 : i32 to vector<16xi32>
          %parallel_loop3A_346 = arith.shli %parallel_loop3A_209, %parallel_loop3A_345 : vector<16xi32>
          %parallel_loop3A_347 = arith.constant 22 : i32
          %parallel_loop3A_348 = vector.broadcast %parallel_loop3A_347 : i32 to vector<16xi32>
          %parallel_loop3A_349 = arith.shrui %parallel_loop3A_346, %parallel_loop3A_348 : vector<16xi32>
          %parallel_loop3A_350 = tpu.bitcast %parallel_loop3A_349 : vector<16xi32> -> vector<16xi32>
          %parallel_loop3A_351 = arith.ori %mul3A_3, %parallel_loop3A_350 : vector<16xi32>
          %parallel_loop3A_352 = arith.constant 22 : i32
          %parallel_loop3A_353 = vector.broadcast %parallel_loop3A_352 : i32 to vector<16xi32>
          %parallel_loop3A_354 = arith.shli %parallel_loop3A_220, %parallel_loop3A_353 : vector<16xi32>
          %parallel_loop3A_355 = arith.constant 22 : i32
          %parallel_loop3A_356 = vector.broadcast %parallel_loop3A_355 : i32 to vector<16xi32>
          %parallel_loop3A_357 = arith.shrui %parallel_loop3A_354, %parallel_loop3A_356 : vector<16xi32>
          %parallel_loop3A_358 = tpu.bitcast %parallel_loop3A_357 : vector<16xi32> -> vector<16xi32>
          %parallel_loop3A_359 = arith.ori %mul3A_3, %parallel_loop3A_358 : vector<16xi32>
          %parallel_loop3A_360 = arith.constant 22 : i32
          %parallel_loop3A_361 = vector.broadcast %parallel_loop3A_360 : i32 to vector<16xi32>
          %parallel_loop3A_362 = arith.shli %parallel_loop3A_231, %parallel_loop3A_361 : vector<16xi32>
          %parallel_loop3A_363 = arith.constant 22 : i32
          %parallel_loop3A_364 = vector.broadcast %parallel_loop3A_363 : i32 to vector<16xi32>
          %parallel_loop3A_365 = arith.shrui %parallel_loop3A_362, %parallel_loop3A_364 : vector<16xi32>
          %parallel_loop3A_366 = tpu.bitcast %parallel_loop3A_365 : vector<16xi32> -> vector<16xi32>
          %parallel_loop3A_367 = arith.ori %mul3A_3, %parallel_loop3A_366 : vector<16xi32>
          %parallel_loop3A_368 = arith.constant 22 : i32
          %parallel_loop3A_369 = vector.broadcast %parallel_loop3A_368 : i32 to vector<16xi32>
          %parallel_loop3A_370 = arith.shli %parallel_loop3A_242, %parallel_loop3A_369 : vector<16xi32>
          %parallel_loop3A_371 = arith.constant 22 : i32
          %parallel_loop3A_372 = vector.broadcast %parallel_loop3A_371 : i32 to vector<16xi32>
          %parallel_loop3A_373 = arith.shrui %parallel_loop3A_370, %parallel_loop3A_372 : vector<16xi32>
          %parallel_loop3A_374 = tpu.bitcast %parallel_loop3A_373 : vector<16xi32> -> vector<16xi32>
          %parallel_loop3A_375 = arith.ori %mul3A_3, %parallel_loop3A_374 : vector<16xi32>
          %parallel_loop3A_376 = arith.constant 22 : i32
          %parallel_loop3A_377 = vector.broadcast %parallel_loop3A_376 : i32 to vector<16xi32>
          %parallel_loop3A_378 = arith.shli %parallel_loop3A_253, %parallel_loop3A_377 : vector<16xi32>
          %parallel_loop3A_379 = arith.constant 22 : i32
          %parallel_loop3A_380 = vector.broadcast %parallel_loop3A_379 : i32 to vector<16xi32>
          %parallel_loop3A_381 = arith.shrui %parallel_loop3A_378, %parallel_loop3A_380 : vector<16xi32>
          %parallel_loop3A_382 = tpu.bitcast %parallel_loop3A_381 : vector<16xi32> -> vector<16xi32>
          %parallel_loop3A_383 = arith.ori %mul3A_3, %parallel_loop3A_382 : vector<16xi32>
          %parallel_loop3A_384 = arith.constant 22 : i32
          %parallel_loop3A_385 = vector.broadcast %parallel_loop3A_384 : i32 to vector<16xi32>
          %parallel_loop3A_386 = arith.shli %parallel_loop3A_264, %parallel_loop3A_385 : vector<16xi32>
          %parallel_loop3A_387 = arith.constant 22 : i32
          %parallel_loop3A_388 = vector.broadcast %parallel_loop3A_387 : i32 to vector<16xi32>
          %parallel_loop3A_389 = arith.shrui %parallel_loop3A_386, %parallel_loop3A_388 : vector<16xi32>
          %parallel_loop3A_390 = tpu.bitcast %parallel_loop3A_389 : vector<16xi32> -> vector<16xi32>
          %parallel_loop3A_391 = arith.ori %mul3A_3, %parallel_loop3A_390 : vector<16xi32>
          %parallel_loop3A_392 = arith.constant 22 : i32
          %parallel_loop3A_393 = vector.broadcast %parallel_loop3A_392 : i32 to vector<16xi32>
          %parallel_loop3A_394 = arith.shli %parallel_loop3A_275, %parallel_loop3A_393 : vector<16xi32>
          %parallel_loop3A_395 = arith.constant 22 : i32
          %parallel_loop3A_396 = vector.broadcast %parallel_loop3A_395 : i32 to vector<16xi32>
          %parallel_loop3A_397 = arith.shrui %parallel_loop3A_394, %parallel_loop3A_396 : vector<16xi32>
          %parallel_loop3A_398 = tpu.bitcast %parallel_loop3A_397 : vector<16xi32> -> vector<16xi32>
          %parallel_loop3A_399 = arith.ori %mul3A_3, %parallel_loop3A_398 : vector<16xi32>
          %parallel_loop3A_400 = arith.constant 22 : i32
          %parallel_loop3A_401 = vector.broadcast %parallel_loop3A_400 : i32 to vector<16xi32>
          %parallel_loop3A_402 = arith.shli %parallel_loop3A_286, %parallel_loop3A_401 : vector<16xi32>
          %parallel_loop3A_403 = arith.constant 22 : i32
          %parallel_loop3A_404 = vector.broadcast %parallel_loop3A_403 : i32 to vector<16xi32>
          %parallel_loop3A_405 = arith.shrui %parallel_loop3A_402, %parallel_loop3A_404 : vector<16xi32>
          %parallel_loop3A_406 = tpu.bitcast %parallel_loop3A_405 : vector<16xi32> -> vector<16xi32>
          %parallel_loop3A_407 = arith.ori %mul3A_3, %parallel_loop3A_406 : vector<16xi32>
          %parallel_loop3A_408 = arith.constant 22 : i32
          %parallel_loop3A_409 = vector.broadcast %parallel_loop3A_408 : i32 to vector<16xi32>
          %parallel_loop3A_410 = arith.shli %parallel_loop3A_297, %parallel_loop3A_409 : vector<16xi32>
          %parallel_loop3A_411 = arith.constant 22 : i32
          %parallel_loop3A_412 = vector.broadcast %parallel_loop3A_411 : i32 to vector<16xi32>
          %parallel_loop3A_413 = arith.shrui %parallel_loop3A_410, %parallel_loop3A_412 : vector<16xi32>
          %parallel_loop3A_414 = tpu.bitcast %parallel_loop3A_413 : vector<16xi32> -> vector<16xi32>
          %parallel_loop3A_415 = arith.ori %mul3A_3, %parallel_loop3A_414 : vector<16xi32>
          %parallel_loop3A_416 = arith.constant 22 : i32
          %parallel_loop3A_417 = vector.broadcast %parallel_loop3A_416 : i32 to vector<16xi32>
          %parallel_loop3A_418 = arith.shli %parallel_loop3A_308, %parallel_loop3A_417 : vector<16xi32>
          %parallel_loop3A_419 = arith.constant 22 : i32
          %parallel_loop3A_420 = vector.broadcast %parallel_loop3A_419 : i32 to vector<16xi32>
          %parallel_loop3A_421 = arith.shrui %parallel_loop3A_418, %parallel_loop3A_420 : vector<16xi32>
          %parallel_loop3A_422 = tpu.bitcast %parallel_loop3A_421 : vector<16xi32> -> vector<16xi32>
          %parallel_loop3A_423 = arith.ori %mul3A_3, %parallel_loop3A_422 : vector<16xi32>
          %parallel_loop3A_424 = arith.constant 22 : i32
          %parallel_loop3A_425 = vector.broadcast %parallel_loop3A_424 : i32 to vector<16xi32>
          %parallel_loop3A_426 = arith.shli %parallel_loop3A_319, %parallel_loop3A_425 : vector<16xi32>
          %parallel_loop3A_427 = arith.constant 22 : i32
          %parallel_loop3A_428 = vector.broadcast %parallel_loop3A_427 : i32 to vector<16xi32>
          %parallel_loop3A_429 = arith.shrui %parallel_loop3A_426, %parallel_loop3A_428 : vector<16xi32>
          %parallel_loop3A_430 = tpu.bitcast %parallel_loop3A_429 : vector<16xi32> -> vector<16xi32>
          %parallel_loop3A_431 = arith.ori %mul3A_3, %parallel_loop3A_430 : vector<16xi32>
          %parallel_loop3A_432 = arith.constant 10 : i32
          %parallel_loop3A_433 = vector.broadcast %parallel_loop3A_432 : i32 to vector<16xi32>
          %parallel_loop3A_434 = arith.shrui %parallel_loop3A_176, %parallel_loop3A_433 : vector<16xi32>
          %parallel_loop3A_435 = arith.cmpi eq, %parallel_loop3A_434, %get3A_48 : vector<16xi32>
          %parallel_loop3A_436 = arith.constant 10 : i32
          %parallel_loop3A_437 = vector.broadcast %parallel_loop3A_436 : i32 to vector<16xi32>
          %parallel_loop3A_438 = arith.shrui %parallel_loop3A_187, %parallel_loop3A_437 : vector<16xi32>
          %parallel_loop3A_439 = arith.cmpi eq, %parallel_loop3A_438, %get3A_48 : vector<16xi32>
          %parallel_loop3A_440 = arith.constant 10 : i32
          %parallel_loop3A_441 = vector.broadcast %parallel_loop3A_440 : i32 to vector<16xi32>
          %parallel_loop3A_442 = arith.shrui %parallel_loop3A_198, %parallel_loop3A_441 : vector<16xi32>
          %parallel_loop3A_443 = arith.cmpi eq, %parallel_loop3A_442, %get3A_48 : vector<16xi32>
          %parallel_loop3A_444 = arith.constant 10 : i32
          %parallel_loop3A_445 = vector.broadcast %parallel_loop3A_444 : i32 to vector<16xi32>
          %parallel_loop3A_446 = arith.shrui %parallel_loop3A_209, %parallel_loop3A_445 : vector<16xi32>
          %parallel_loop3A_447 = arith.cmpi eq, %parallel_loop3A_446, %get3A_48 : vector<16xi32>
          %parallel_loop3A_448 = arith.constant 10 : i32
          %parallel_loop3A_449 = vector.broadcast %parallel_loop3A_448 : i32 to vector<16xi32>
          %parallel_loop3A_450 = arith.shrui %parallel_loop3A_220, %parallel_loop3A_449 : vector<16xi32>
          %parallel_loop3A_451 = arith.cmpi eq, %parallel_loop3A_450, %get3A_48 : vector<16xi32>
          %parallel_loop3A_452 = arith.constant 10 : i32
          %parallel_loop3A_453 = vector.broadcast %parallel_loop3A_452 : i32 to vector<16xi32>
          %parallel_loop3A_454 = arith.shrui %parallel_loop3A_231, %parallel_loop3A_453 : vector<16xi32>
          %parallel_loop3A_455 = arith.cmpi eq, %parallel_loop3A_454, %get3A_48 : vector<16xi32>
          %parallel_loop3A_456 = arith.constant 10 : i32
          %parallel_loop3A_457 = vector.broadcast %parallel_loop3A_456 : i32 to vector<16xi32>
          %parallel_loop3A_458 = arith.shrui %parallel_loop3A_242, %parallel_loop3A_457 : vector<16xi32>
          %parallel_loop3A_459 = arith.cmpi eq, %parallel_loop3A_458, %get3A_48 : vector<16xi32>
          %parallel_loop3A_460 = arith.constant 10 : i32
          %parallel_loop3A_461 = vector.broadcast %parallel_loop3A_460 : i32 to vector<16xi32>
          %parallel_loop3A_462 = arith.shrui %parallel_loop3A_253, %parallel_loop3A_461 : vector<16xi32>
          %parallel_loop3A_463 = arith.cmpi eq, %parallel_loop3A_462, %get3A_48 : vector<16xi32>
          %parallel_loop3A_464 = arith.constant 10 : i32
          %parallel_loop3A_465 = vector.broadcast %parallel_loop3A_464 : i32 to vector<16xi32>
          %parallel_loop3A_466 = arith.shrui %parallel_loop3A_264, %parallel_loop3A_465 : vector<16xi32>
          %parallel_loop3A_467 = arith.cmpi eq, %parallel_loop3A_466, %get3A_48 : vector<16xi32>
          %parallel_loop3A_468 = arith.constant 10 : i32
          %parallel_loop3A_469 = vector.broadcast %parallel_loop3A_468 : i32 to vector<16xi32>
          %parallel_loop3A_470 = arith.shrui %parallel_loop3A_275, %parallel_loop3A_469 : vector<16xi32>
          %parallel_loop3A_471 = arith.cmpi eq, %parallel_loop3A_470, %get3A_48 : vector<16xi32>
          %parallel_loop3A_472 = arith.constant 10 : i32
          %parallel_loop3A_473 = vector.broadcast %parallel_loop3A_472 : i32 to vector<16xi32>
          %parallel_loop3A_474 = arith.shrui %parallel_loop3A_286, %parallel_loop3A_473 : vector<16xi32>
          %parallel_loop3A_475 = arith.cmpi eq, %parallel_loop3A_474, %get3A_48 : vector<16xi32>
          %parallel_loop3A_476 = arith.constant 10 : i32
          %parallel_loop3A_477 = vector.broadcast %parallel_loop3A_476 : i32 to vector<16xi32>
          %parallel_loop3A_478 = arith.shrui %parallel_loop3A_297, %parallel_loop3A_477 : vector<16xi32>
          %parallel_loop3A_479 = arith.cmpi eq, %parallel_loop3A_478, %get3A_48 : vector<16xi32>
          %parallel_loop3A_480 = arith.constant 10 : i32
          %parallel_loop3A_481 = vector.broadcast %parallel_loop3A_480 : i32 to vector<16xi32>
          %parallel_loop3A_482 = arith.shrui %parallel_loop3A_308, %parallel_loop3A_481 : vector<16xi32>
          %parallel_loop3A_483 = arith.cmpi eq, %parallel_loop3A_482, %get3A_48 : vector<16xi32>
          %parallel_loop3A_484 = arith.constant 10 : i32
          %parallel_loop3A_485 = vector.broadcast %parallel_loop3A_484 : i32 to vector<16xi32>
          %parallel_loop3A_486 = arith.shrui %parallel_loop3A_319, %parallel_loop3A_485 : vector<16xi32>
          %parallel_loop3A_487 = arith.cmpi eq, %parallel_loop3A_486, %get3A_48 : vector<16xi32>
          tpu.vector_store_idx %arg8[%parallel_loop3A_327], %broadcast_in_dim3A_4 masked %parallel_loop3A_435 {add = true} : memref<16384xi32, #tpu.memory_space<vmem>>[vector<16xi32>], vector<16xi32>, vector<16xi1>
          tpu.vector_store_idx %arg8[%parallel_loop3A_335], %broadcast_in_dim3A_4 masked %parallel_loop3A_439 {add = true} : memref<16384xi32, #tpu.memory_space<vmem>>[vector<16xi32>], vector<16xi32>, vector<16xi1>
          tpu.vector_store_idx %arg8[%parallel_loop3A_343], %broadcast_in_dim3A_4 masked %parallel_loop3A_443 {add = true} : memref<16384xi32, #tpu.memory_space<vmem>>[vector<16xi32>], vector<16xi32>, vector<16xi1>
          tpu.vector_store_idx %arg8[%parallel_loop3A_351], %broadcast_in_dim3A_4 masked %parallel_loop3A_447 {add = true} : memref<16384xi32, #tpu.memory_space<vmem>>[vector<16xi32>], vector<16xi32>, vector<16xi1>
          tpu.vector_store_idx %arg8[%parallel_loop3A_359], %broadcast_in_dim3A_4 masked %parallel_loop3A_451 {add = true} : memref<16384xi32, #tpu.memory_space<vmem>>[vector<16xi32>], vector<16xi32>, vector<16xi1>
          tpu.vector_store_idx %arg8[%parallel_loop3A_367], %broadcast_in_dim3A_4 masked %parallel_loop3A_455 {add = true} : memref<16384xi32, #tpu.memory_space<vmem>>[vector<16xi32>], vector<16xi32>, vector<16xi1>
          tpu.vector_store_idx %arg8[%parallel_loop3A_375], %broadcast_in_dim3A_4 masked %parallel_loop3A_459 {add = true} : memref<16384xi32, #tpu.memory_space<vmem>>[vector<16xi32>], vector<16xi32>, vector<16xi1>
          tpu.vector_store_idx %arg8[%parallel_loop3A_383], %broadcast_in_dim3A_4 masked %parallel_loop3A_463 {add = true} : memref<16384xi32, #tpu.memory_space<vmem>>[vector<16xi32>], vector<16xi32>, vector<16xi1>
          tpu.vector_store_idx %arg8[%parallel_loop3A_391], %broadcast_in_dim3A_4 masked %parallel_loop3A_467 {add = true} : memref<16384xi32, #tpu.memory_space<vmem>>[vector<16xi32>], vector<16xi32>, vector<16xi1>
          tpu.vector_store_idx %arg8[%parallel_loop3A_399], %broadcast_in_dim3A_4 masked %parallel_loop3A_471 {add = true} : memref<16384xi32, #tpu.memory_space<vmem>>[vector<16xi32>], vector<16xi32>, vector<16xi1>
          tpu.vector_store_idx %arg8[%parallel_loop3A_407], %broadcast_in_dim3A_4 masked %parallel_loop3A_475 {add = true} : memref<16384xi32, #tpu.memory_space<vmem>>[vector<16xi32>], vector<16xi32>, vector<16xi1>
          tpu.vector_store_idx %arg8[%parallel_loop3A_415], %broadcast_in_dim3A_4 masked %parallel_loop3A_479 {add = true} : memref<16384xi32, #tpu.memory_space<vmem>>[vector<16xi32>], vector<16xi32>, vector<16xi1>
          tpu.vector_store_idx %arg8[%parallel_loop3A_423], %broadcast_in_dim3A_4 masked %parallel_loop3A_483 {add = true} : memref<16384xi32, #tpu.memory_space<vmem>>[vector<16xi32>], vector<16xi32>, vector<16xi1>
          tpu.vector_store_idx %arg8[%parallel_loop3A_431], %broadcast_in_dim3A_4 masked %parallel_loop3A_487 {add = true} : memref<16384xi32, #tpu.memory_space<vmem>>[vector<16xi32>], vector<16xi32>, vector<16xi1>
        } {sc.loop_unroll_factor = 1 : i64, sc.parallel_access}
        %scan3A_108 = arith.constant 0 : i32
        scf.yield %scan3A_108 : i32
      }
      %scan3A_55 = arith.constant 6 : i32
      %scan3A_56 = arith.constant 0 : i32
      %scan3A_57 = arith.constant 0 : i32
      %scan3A_58 = arith.constant 64 : i32
      %scan3A_59 = arith.addi %scan3A_57, %scan3A_58 : i32
      %scan3A_60 = arith.constant 1 : i32
      %scan3A_61 = scf.for %scan3A_69 = %scan3A_57 to %scan3A_59 step %scan3A_60 iter_args(%scan3A_70 = %scan3A_56) -> (i32)  : i32 {
        %mul3A_71 = arith.constant 16 : i32
        %mul3A_72 = arith.muli %scan3A_69, %mul3A_71 : i32
        %add3A_73 = arith.constant 0 : i32
        %add3A_74 = arith.addi %add3A_73, %mul3A_72 : i32
        %get3A_75 = arith.index_cast %add3A_74 : i32 to index
        %get3A_76 = tpu.vector_load %arg8[%get3A_75] {strides = array<i32>} : memref<16384xi32, #tpu.memory_space<vmem>>, vector<16xi32>,
        %add3A_77 = arith.addi %broadcast_in_dim3A_6, %get3A_76 : vector<16xi32>
        %swap3A = arith.index_cast %add3A_74 : i32 to index
        %swap3A_78 = tpu.vector_load %arg8[%swap3A] {strides = array<i32>} : memref<16384xi32, #tpu.memory_space<vmem>>, vector<16xi32>,
        tpu.vector_store %arg8[%swap3A], %broadcast_in_dim3A_6 {strides = array<i32>} : memref<16384xi32, #tpu.memory_space<vmem>>, vector<16xi32>,
        %mul3A_79 = arith.constant 16 : i32
        %mul3A_80 = arith.muli %scan3A_69, %mul3A_79 : i32
        %add3A_81 = arith.constant 1024 : i32
        %add3A_82 = arith.addi %add3A_81, %mul3A_80 : i32
        %get3A_83 = arith.index_cast %add3A_82 : i32 to index
        %get3A_84 = tpu.vector_load %arg8[%get3A_83] {strides = array<i32>} : memref<16384xi32, #tpu.memory_space<vmem>>, vector<16xi32>,
        %add3A_85 = arith.addi %add3A_77, %get3A_84 : vector<16xi32>
        %swap3A_86 = arith.index_cast %add3A_82 : i32 to index
        %swap3A_87 = tpu.vector_load %arg8[%swap3A_86] {strides = array<i32>} : memref<16384xi32, #tpu.memory_space<vmem>>, vector<16xi32>,
        tpu.vector_store %arg8[%swap3A_86], %broadcast_in_dim3A_6 {strides = array<i32>} : memref<16384xi32, #tpu.memory_space<vmem>>, vector<16xi32>,
        %mul3A_88 = arith.constant 16 : i32
        %mul3A_89 = arith.muli %scan3A_69, %mul3A_88 : i32
        %add3A_90 = arith.constant 2048 : i32
        %add3A_91 = arith.addi %add3A_90, %mul3A_89 : i32
        %get3A_92 = arith.index_cast %add3A_91 : i32 to index
        %get3A_93 = tpu.vector_load %arg8[%get3A_92] {strides = array<i32>} : memref<16384xi32, #tpu.memory_space<vmem>>, vector<16xi32>,
        %add3A_94 = arith.addi %add3A_85, %get3A_93 : vector<16xi32>
        %swap3A_95 = arith.index_cast %add3A_91 : i32 to index
        %swap3A_96 = tpu.vector_load %arg8[%swap3A_95] {strides = array<i32>} : memref<16384xi32, #tpu.memory_space<vmem>>, vector<16xi32>,
        tpu.vector_store %arg8[%swap3A_95], %broadcast_in_dim3A_6 {strides = array<i32>} : memref<16384xi32, #tpu.memory_space<vmem>>, vector<16xi32>,
        %mul3A_97 = arith.constant 16 : i32
        %mul3A_98 = arith.muli %scan3A_69, %mul3A_97 : i32
        %add3A_99 = arith.constant 3072 : i32
        %add3A_100 = arith.addi %add3A_99, %mul3A_98 : i32
        %get3A_101 = arith.index_cast %add3A_100 : i32 to index
        %get3A_102 = tpu.vector_load %arg8[%get3A_101] {strides = array<i32>} : memref<16384xi32, #tpu.memory_space<vmem>>, vector<16xi32>,
        %add3A_103 = arith.addi %add3A_94, %get3A_102 : vector<16xi32>
        %swap3A_104 = arith.index_cast %add3A_100 : i32 to index
        %swap3A_105 = tpu.vector_load %arg8[%swap3A_104] {strides = array<i32>} : memref<16384xi32, #tpu.memory_space<vmem>>, vector<16xi32>,
        tpu.vector_store %arg8[%swap3A_104], %broadcast_in_dim3A_6 {strides = array<i32>} : memref<16384xi32, #tpu.memory_space<vmem>>, vector<16xi32>,
        %mul3A_106 = arith.constant 16 : i32
        %mul3A_107 = arith.muli %scan3A_69, %mul3A_106 : i32
        %add3A_108 = arith.constant 4096 : i32
        %add3A_109 = arith.addi %add3A_108, %mul3A_107 : i32
        %get3A_110 = arith.index_cast %add3A_109 : i32 to index
        %get3A_111 = tpu.vector_load %arg8[%get3A_110] {strides = array<i32>} : memref<16384xi32, #tpu.memory_space<vmem>>, vector<16xi32>,
        %add3A_112 = arith.addi %add3A_103, %get3A_111 : vector<16xi32>
        %swap3A_113 = arith.index_cast %add3A_109 : i32 to index
        %swap3A_114 = tpu.vector_load %arg8[%swap3A_113] {strides = array<i32>} : memref<16384xi32, #tpu.memory_space<vmem>>, vector<16xi32>,
        tpu.vector_store %arg8[%swap3A_113], %broadcast_in_dim3A_6 {strides = array<i32>} : memref<16384xi32, #tpu.memory_space<vmem>>, vector<16xi32>,
        %mul3A_115 = arith.constant 16 : i32
        %mul3A_116 = arith.muli %scan3A_69, %mul3A_115 : i32
        %add3A_117 = arith.constant 5120 : i32
        %add3A_118 = arith.addi %add3A_117, %mul3A_116 : i32
        %get3A_119 = arith.index_cast %add3A_118 : i32 to index
        %get3A_120 = tpu.vector_load %arg8[%get3A_119] {strides = array<i32>} : memref<16384xi32, #tpu.memory_space<vmem>>, vector<16xi32>,
        %add3A_121 = arith.addi %add3A_112, %get3A_120 : vector<16xi32>
        %swap3A_122 = arith.index_cast %add3A_118 : i32 to index
        %swap3A_123 = tpu.vector_load %arg8[%swap3A_122] {strides = array<i32>} : memref<16384xi32, #tpu.memory_space<vmem>>, vector<16xi32>,
        tpu.vector_store %arg8[%swap3A_122], %broadcast_in_dim3A_6 {strides = array<i32>} : memref<16384xi32, #tpu.memory_space<vmem>>, vector<16xi32>,
        %mul3A_124 = arith.constant 16 : i32
        %mul3A_125 = arith.muli %scan3A_69, %mul3A_124 : i32
        %add3A_126 = arith.constant 6144 : i32
        %add3A_127 = arith.addi %add3A_126, %mul3A_125 : i32
        %get3A_128 = arith.index_cast %add3A_127 : i32 to index
        %get3A_129 = tpu.vector_load %arg8[%get3A_128] {strides = array<i32>} : memref<16384xi32, #tpu.memory_space<vmem>>, vector<16xi32>,
        %add3A_130 = arith.addi %add3A_121, %get3A_129 : vector<16xi32>
        %swap3A_131 = arith.index_cast %add3A_127 : i32 to index
        %swap3A_132 = tpu.vector_load %arg8[%swap3A_131] {strides = array<i32>} : memref<16384xi32, #tpu.memory_space<vmem>>, vector<16xi32>,
        tpu.vector_store %arg8[%swap3A_131], %broadcast_in_dim3A_6 {strides = array<i32>} : memref<16384xi32, #tpu.memory_space<vmem>>, vector<16xi32>,
        %mul3A_133 = arith.constant 16 : i32
        %mul3A_134 = arith.muli %scan3A_69, %mul3A_133 : i32
        %add3A_135 = arith.constant 7168 : i32
        %add3A_136 = arith.addi %add3A_135, %mul3A_134 : i32
        %get3A_137 = arith.index_cast %add3A_136 : i32 to index
        %get3A_138 = tpu.vector_load %arg8[%get3A_137] {strides = array<i32>} : memref<16384xi32, #tpu.memory_space<vmem>>, vector<16xi32>,
        %add3A_139 = arith.addi %add3A_130, %get3A_138 : vector<16xi32>
        %swap3A_140 = arith.index_cast %add3A_136 : i32 to index
        %swap3A_141 = tpu.vector_load %arg8[%swap3A_140] {strides = array<i32>} : memref<16384xi32, #tpu.memory_space<vmem>>, vector<16xi32>,
        tpu.vector_store %arg8[%swap3A_140], %broadcast_in_dim3A_6 {strides = array<i32>} : memref<16384xi32, #tpu.memory_space<vmem>>, vector<16xi32>,
        %mul3A_142 = arith.constant 16 : i32
        %mul3A_143 = arith.muli %scan3A_69, %mul3A_142 : i32
        %add3A_144 = arith.constant 8192 : i32
        %add3A_145 = arith.addi %add3A_144, %mul3A_143 : i32
        %get3A_146 = arith.index_cast %add3A_145 : i32 to index
        %get3A_147 = tpu.vector_load %arg8[%get3A_146] {strides = array<i32>} : memref<16384xi32, #tpu.memory_space<vmem>>, vector<16xi32>,
        %add3A_148 = arith.addi %add3A_139, %get3A_147 : vector<16xi32>
        %swap3A_149 = arith.index_cast %add3A_145 : i32 to index
        %swap3A_150 = tpu.vector_load %arg8[%swap3A_149] {strides = array<i32>} : memref<16384xi32, #tpu.memory_space<vmem>>, vector<16xi32>,
        tpu.vector_store %arg8[%swap3A_149], %broadcast_in_dim3A_6 {strides = array<i32>} : memref<16384xi32, #tpu.memory_space<vmem>>, vector<16xi32>,
        %mul3A_151 = arith.constant 16 : i32
        %mul3A_152 = arith.muli %scan3A_69, %mul3A_151 : i32
        %add3A_153 = arith.constant 9216 : i32
        %add3A_154 = arith.addi %add3A_153, %mul3A_152 : i32
        %get3A_155 = arith.index_cast %add3A_154 : i32 to index
        %get3A_156 = tpu.vector_load %arg8[%get3A_155] {strides = array<i32>} : memref<16384xi32, #tpu.memory_space<vmem>>, vector<16xi32>,
        %add3A_157 = arith.addi %add3A_148, %get3A_156 : vector<16xi32>
        %swap3A_158 = arith.index_cast %add3A_154 : i32 to index
        %swap3A_159 = tpu.vector_load %arg8[%swap3A_158] {strides = array<i32>} : memref<16384xi32, #tpu.memory_space<vmem>>, vector<16xi32>,
        tpu.vector_store %arg8[%swap3A_158], %broadcast_in_dim3A_6 {strides = array<i32>} : memref<16384xi32, #tpu.memory_space<vmem>>, vector<16xi32>,
        %mul3A_160 = arith.constant 16 : i32
        %mul3A_161 = arith.muli %scan3A_69, %mul3A_160 : i32
        %add3A_162 = arith.constant 10240 : i32
        %add3A_163 = arith.addi %add3A_162, %mul3A_161 : i32
        %get3A_164 = arith.index_cast %add3A_163 : i32 to index
        %get3A_165 = tpu.vector_load %arg8[%get3A_164] {strides = array<i32>} : memref<16384xi32, #tpu.memory_space<vmem>>, vector<16xi32>,
        %add3A_166 = arith.addi %add3A_157, %get3A_165 : vector<16xi32>
        %swap3A_167 = arith.index_cast %add3A_163 : i32 to index
        %swap3A_168 = tpu.vector_load %arg8[%swap3A_167] {strides = array<i32>} : memref<16384xi32, #tpu.memory_space<vmem>>, vector<16xi32>,
        tpu.vector_store %arg8[%swap3A_167], %broadcast_in_dim3A_6 {strides = array<i32>} : memref<16384xi32, #tpu.memory_space<vmem>>, vector<16xi32>,
        %mul3A_169 = arith.constant 16 : i32
        %mul3A_170 = arith.muli %scan3A_69, %mul3A_169 : i32
        %add3A_171 = arith.constant 11264 : i32
        %add3A_172 = arith.addi %add3A_171, %mul3A_170 : i32
        %get3A_173 = arith.index_cast %add3A_172 : i32 to index
        %get3A_174 = tpu.vector_load %arg8[%get3A_173] {strides = array<i32>} : memref<16384xi32, #tpu.memory_space<vmem>>, vector<16xi32>,
        %add3A_175 = arith.addi %add3A_166, %get3A_174 : vector<16xi32>
        %swap3A_176 = arith.index_cast %add3A_172 : i32 to index
        %swap3A_177 = tpu.vector_load %arg8[%swap3A_176] {strides = array<i32>} : memref<16384xi32, #tpu.memory_space<vmem>>, vector<16xi32>,
        tpu.vector_store %arg8[%swap3A_176], %broadcast_in_dim3A_6 {strides = array<i32>} : memref<16384xi32, #tpu.memory_space<vmem>>, vector<16xi32>,
        %mul3A_178 = arith.constant 16 : i32
        %mul3A_179 = arith.muli %scan3A_69, %mul3A_178 : i32
        %add3A_180 = arith.constant 12288 : i32
        %add3A_181 = arith.addi %add3A_180, %mul3A_179 : i32
        %get3A_182 = arith.index_cast %add3A_181 : i32 to index
        %get3A_183 = tpu.vector_load %arg8[%get3A_182] {strides = array<i32>} : memref<16384xi32, #tpu.memory_space<vmem>>, vector<16xi32>,
        %add3A_184 = arith.addi %add3A_175, %get3A_183 : vector<16xi32>
        %swap3A_185 = arith.index_cast %add3A_181 : i32 to index
        %swap3A_186 = tpu.vector_load %arg8[%swap3A_185] {strides = array<i32>} : memref<16384xi32, #tpu.memory_space<vmem>>, vector<16xi32>,
        tpu.vector_store %arg8[%swap3A_185], %broadcast_in_dim3A_6 {strides = array<i32>} : memref<16384xi32, #tpu.memory_space<vmem>>, vector<16xi32>,
        %mul3A_187 = arith.constant 16 : i32
        %mul3A_188 = arith.muli %scan3A_69, %mul3A_187 : i32
        %add3A_189 = arith.constant 13312 : i32
        %add3A_190 = arith.addi %add3A_189, %mul3A_188 : i32
        %get3A_191 = arith.index_cast %add3A_190 : i32 to index
        %get3A_192 = tpu.vector_load %arg8[%get3A_191] {strides = array<i32>} : memref<16384xi32, #tpu.memory_space<vmem>>, vector<16xi32>,
        %add3A_193 = arith.addi %add3A_184, %get3A_192 : vector<16xi32>
        %swap3A_194 = arith.index_cast %add3A_190 : i32 to index
        %swap3A_195 = tpu.vector_load %arg8[%swap3A_194] {strides = array<i32>} : memref<16384xi32, #tpu.memory_space<vmem>>, vector<16xi32>,
        tpu.vector_store %arg8[%swap3A_194], %broadcast_in_dim3A_6 {strides = array<i32>} : memref<16384xi32, #tpu.memory_space<vmem>>, vector<16xi32>,
        %mul3A_196 = arith.constant 16 : i32
        %mul3A_197 = arith.muli %scan3A_69, %mul3A_196 : i32
        %add3A_198 = arith.constant 14336 : i32
        %add3A_199 = arith.addi %add3A_198, %mul3A_197 : i32
        %get3A_200 = arith.index_cast %add3A_199 : i32 to index
        %get3A_201 = tpu.vector_load %arg8[%get3A_200] {strides = array<i32>} : memref<16384xi32, #tpu.memory_space<vmem>>, vector<16xi32>,
        %add3A_202 = arith.addi %add3A_193, %get3A_201 : vector<16xi32>
        %swap3A_203 = arith.index_cast %add3A_199 : i32 to index
        %swap3A_204 = tpu.vector_load %arg8[%swap3A_203] {strides = array<i32>} : memref<16384xi32, #tpu.memory_space<vmem>>, vector<16xi32>,
        tpu.vector_store %arg8[%swap3A_203], %broadcast_in_dim3A_6 {strides = array<i32>} : memref<16384xi32, #tpu.memory_space<vmem>>, vector<16xi32>,
        %mul3A_205 = arith.constant 16 : i32
        %mul3A_206 = arith.muli %scan3A_69, %mul3A_205 : i32
        %add3A_207 = arith.constant 15360 : i32
        %add3A_208 = arith.addi %add3A_207, %mul3A_206 : i32
        %get3A_209 = arith.index_cast %add3A_208 : i32 to index
        %get3A_210 = tpu.vector_load %arg8[%get3A_209] {strides = array<i32>} : memref<16384xi32, #tpu.memory_space<vmem>>, vector<16xi32>,
        %add3A_211 = arith.addi %add3A_202, %get3A_210 : vector<16xi32>
        %swap3A_212 = arith.index_cast %add3A_208 : i32 to index
        %swap3A_213 = tpu.vector_load %arg8[%swap3A_212] {strides = array<i32>} : memref<16384xi32, #tpu.memory_space<vmem>>, vector<16xi32>,
        tpu.vector_store %arg8[%swap3A_212], %broadcast_in_dim3A_6 {strides = array<i32>} : memref<16384xi32, #tpu.memory_space<vmem>>, vector<16xi32>,
        %mul3A_214 = arith.constant 16 : i32
        %mul3A_215 = arith.muli %scan3A_69, %mul3A_214 : i32
        %swap3A_216 = arith.index_cast %mul3A_215 : i32 to index
        %swap3A_217 = tpu.vector_load %arg7[%swap3A_216] {strides = array<i32>} : memref<1024xi32, #tpu.memory_space<vmem>>, vector<16xi32>,
        tpu.vector_store %arg7[%swap3A_216], %add3A_211 {strides = array<i32>} : memref<1024xi32, #tpu.memory_space<vmem>>, vector<16xi32>,
        %scan3A_218 = arith.constant 0 : i32
        scf.yield %scan3A_218 : i32
      }
      %scan3A_62 = arith.constant 64 : i32
      %mul3A_63 = arith.constant 8 : i32
      %mul3A_64 = arith.muli %add3A, %mul3A_63 : i32
      %add3A_65 = arith.addi %mul3A_64, %scan3A_44 : i32
      %mul3A_66 = arith.constant 1024 : i32
      %mul3A_67 = arith.muli %add3A_65, %mul3A_66 : i32
      "tpu.region"() ({
        %run_scoped3A = tpu.sem_alloc : memref<!tpu.dma_semaphore, #tpu.memory_space<semaphore_mem>>
        %dma_start3A_69 = tpu.memref_slice %arg4[%mul3A_67] : memref<262144xi32, #tpu.memory_space<hbm>> -> memref<1024xi32, #tpu.memory_space<hbm>>
        %dma_start3A_70 = tpu.memref_slice %arg4[%mul3A_67] : memref<262144xi32, #tpu.memory_space<hbm>> -> memref<1024xi32, #tpu.memory_space<hbm>>
        tpu.enqueue_dma source(%arg7 : memref<1024xi32, #tpu.memory_space<vmem>>) target(%dma_start3A_70 : memref<1024xi32, #tpu.memory_space<hbm>>) target_semaphore(%run_scoped3A : memref<!tpu.dma_semaphore, #tpu.memory_space<semaphore_mem>>)
        %dma_wait3A = tpu.memref_slice %arg4[%mul3A_67] : memref<262144xi32, #tpu.memory_space<hbm>> -> memref<1024xi32, #tpu.memory_space<hbm>>
        %dma_wait3A_71 = tpu.memref_slice %arg4[%mul3A_67] : memref<262144xi32, #tpu.memory_space<hbm>> -> memref<1024xi32, #tpu.memory_space<hbm>>
        tpu.wait_dma2 semaphore(%run_scoped3A : memref<!tpu.dma_semaphore, #tpu.memory_space<semaphore_mem>>) src(%arg7 : memref<1024xi32, #tpu.memory_space<vmem>>) dst(%dma_wait3A_71 : memref<1024xi32, #tpu.memory_space<hbm>>)
        tpu.yield
      }) : () -> ()
      %scan3A_68 = arith.constant 0 : i32
      scf.yield %scan3A_68 : i32
    }
    %scan3A_43 = arith.constant 8 : i32
    return
  }
}

#map = affine_map<(d0, d1) -> (0, 0, 0, 0)>
#map1 = affine_map<(d0, d1) -> (0)>
module attributes {stable_mosaic.version = 14 : i64} {
  func.func @hist_kernel(%arg0: i32, %arg1: i32, %arg2: memref<8x96x224x224xf32, #tpu.memory_space<hbm>>, %arg3: memref<128xi32, #tpu.memory_space<hbm>>, %arg4: memref<524288xi32, #tpu.memory_space<hbm>>, %arg5: memref<2x112x224xf32, #tpu.memory_space<vmem>>, %arg6: memref<16xi32, #tpu.memory_space<vmem>>, %arg7: memref<2048xi32, #tpu.memory_space<vmem>>, %arg8: memref<32768xi32, #tpu.memory_space<vmem>>, %arg9: memref<2x!tpu.dma_semaphore, #tpu.memory_space<semaphore_mem>>) attributes {dimension_semantics = [#tpu.dimension_semantics<core_parallel>, #tpu.dimension_semantics<subcore_parallel>], iteration_bounds = array<i64: 2, 16>, scalar_prefetch = 0 : i64, scratch_operands = 5 : i64, tpu.core_type = #tpu.core_type<sc_vector_subcore>, window_params = [{transform_indices = #map}, {transform_indices = #map1}, {transform_indices = #map1}]} {
    %mul3A = arith.constant 16 : i32
    %mul3A_0 = arith.muli %arg0, %mul3A : i32
    %add3A = arith.addi %mul3A_0, %arg1 : i32
    %iota3A = tpu.iota {dimensions = array<i32: 0>} : vector<16xi32>
    %mul3A_1 = arith.constant 2048 : i32
    %mul3A_2 = vector.broadcast %mul3A_1 : i32 to vector<16xi32>
    %mul3A_3 = arith.muli %iota3A, %mul3A_2 : vector<16xi32>
    %broadcast_in_dim3A = arith.constant 1 : i32
    %broadcast_in_dim3A_4 = vector.broadcast %broadcast_in_dim3A : i32 to vector<16xi32>
    %broadcast_in_dim3A_5 = arith.constant 0 : i32
    %broadcast_in_dim3A_6 = vector.broadcast %broadcast_in_dim3A_5 : i32 to vector<16xi32>
    %mul3A_7 = arith.constant 3 : i32
    %mul3A_8 = arith.muli %add3A, %mul3A_7 : i32
    %add3A_9 = arith.constant 0 : i32
    %add3A_10 = arith.addi %mul3A_8, %add3A_9 : i32
    %dma_start3A = arith.constant 0 : i32
    %dma_start3A_11 = arith.constant 0 : i32
    %dma_start3A_12 = arith.constant 0 : i32
    %dma_start3A_13 = arith.constant 0 : i32
    %dma_start3A_14 = arith.constant 0 : i32
    %dma_start3A_15 = tpu.memref_slice %arg5[%dma_start3A_11, %dma_start3A_13, %dma_start3A_14] : memref<2x112x224xf32, #tpu.memory_space<vmem>> -> memref<1x112x224xf32, #tpu.memory_space<vmem>>
    %dma_start3A_16 = tpu.memref_squeeze %dma_start3A_15 : memref<1x112x224xf32, #tpu.memory_space<vmem>> -> memref<112x224xf32, #tpu.memory_space<vmem>>
    %dma_start3A_17 = arith.constant 0 : i32
    %dma_start3A_18 = arith.constant 0 : i32
    %dma_start3A_19 = tpu.memref_slice %arg2[%dma_start3A, %add3A_10, %dma_start3A_17, %dma_start3A_18] : memref<8x96x224x224xf32, #tpu.memory_space<hbm>> -> memref<1x1x112x224xf32, #tpu.memory_space<hbm>>
    %dma_start3A_20 = tpu.memref_squeeze %dma_start3A_19 : memref<1x1x112x224xf32, #tpu.memory_space<hbm>> -> memref<112x224xf32, #tpu.memory_space<hbm>>
    %dma_start3A_21 = tpu.memref_slice %arg9[%dma_start3A_12] : memref<2x!tpu.dma_semaphore, #tpu.memory_space<semaphore_mem>> -> memref<1x!tpu.dma_semaphore, #tpu.memory_space<semaphore_mem>>
    %dma_start3A_22 = tpu.memref_squeeze %dma_start3A_21 : memref<1x!tpu.dma_semaphore, #tpu.memory_space<semaphore_mem>> -> memref<!tpu.dma_semaphore, #tpu.memory_space<semaphore_mem>>
    %dma_start3A_23 = arith.constant 0 : i32
    %dma_start3A_24 = arith.constant 0 : i32
    %dma_start3A_25 = tpu.memref_slice %arg5[%dma_start3A_11, %dma_start3A_23, %dma_start3A_24] : memref<2x112x224xf32, #tpu.memory_space<vmem>> -> memref<1x112x224xf32, #tpu.memory_space<vmem>>
    %dma_start3A_26 = tpu.memref_squeeze %dma_start3A_25 : memref<1x112x224xf32, #tpu.memory_space<vmem>> -> memref<112x224xf32, #tpu.memory_space<vmem>>
    %dma_start3A_27 = arith.constant 0 : i32
    %dma_start3A_28 = arith.constant 0 : i32
    %dma_start3A_29 = tpu.memref_slice %arg2[%dma_start3A, %add3A_10, %dma_start3A_27, %dma_start3A_28] : memref<8x96x224x224xf32, #tpu.memory_space<hbm>> -> memref<1x1x112x224xf32, #tpu.memory_space<hbm>>
    %dma_start3A_30 = tpu.memref_squeeze %dma_start3A_29 : memref<1x1x112x224xf32, #tpu.memory_space<hbm>> -> memref<112x224xf32, #tpu.memory_space<hbm>>
    tpu.enqueue_dma source(%dma_start3A_30 : memref<112x224xf32, #tpu.memory_space<hbm>>) target(%dma_start3A_26 : memref<112x224xf32, #tpu.memory_space<vmem>>) target_semaphore(%dma_start3A_22 : memref<!tpu.dma_semaphore, #tpu.memory_space<semaphore_mem>>)
    %scan3A = arith.constant 0 : i32
    %scan3A_31 = arith.constant 0 : i32
    %scan3A_32 = arith.constant 2048 : i32
    %scan3A_33 = arith.addi %scan3A_31, %scan3A_32 : i32
    %scan3A_34 = arith.constant 1 : i32
    %scan3A_35 = scf.for %scan3A_44 = %scan3A_31 to %scan3A_33 step %scan3A_34 iter_args(%scan3A_45 = %scan3A) -> (i32)  : i32 {
      %mul3A_46 = arith.constant 16 : i32
      %mul3A_47 = arith.muli %scan3A_44, %mul3A_46 : i32
      %swap3A = arith.index_cast %mul3A_47 : i32 to index
      %swap3A_48 = tpu.vector_load %arg8[%swap3A] {strides = array<i32>} : memref<32768xi32, #tpu.memory_space<vmem>>, vector<16xi32>,
      tpu.vector_store %arg8[%swap3A], %broadcast_in_dim3A_6 {strides = array<i32>} : memref<32768xi32, #tpu.memory_space<vmem>>, vector<16xi32>,
      %scan3A_49 = arith.constant 0 : i32
      scf.yield %scan3A_49 : i32
    }
    %scan3A_36 = arith.constant 2048 : i32
    %scan3A_37 = arith.constant 0 : i32
    %scan3A_38 = arith.constant 0 : i32
    %scan3A_39 = arith.constant 8 : i32
    %scan3A_40 = arith.addi %scan3A_38, %scan3A_39 : i32
    %scan3A_41 = arith.constant 1 : i32
    %scan3A_42 = scf.for %scan3A_44 = %scan3A_38 to %scan3A_40 step %scan3A_41 iter_args(%scan3A_45 = %scan3A_37) -> (i32)  : i32 {
      %mul3A_46 = arith.constant 16 : i32
      %mul3A_47 = arith.muli %scan3A_44, %mul3A_46 : i32
      "tpu.region"() ({
        %run_scoped3A = tpu.sem_alloc : memref<!tpu.dma_semaphore, #tpu.memory_space<semaphore_mem>>
        %dma_start3A_69 = tpu.memref_slice %arg3[%mul3A_47] : memref<128xi32, #tpu.memory_space<hbm>> -> memref<16xi32, #tpu.memory_space<hbm>>
        %dma_start3A_70 = tpu.memref_slice %arg3[%mul3A_47] : memref<128xi32, #tpu.memory_space<hbm>> -> memref<16xi32, #tpu.memory_space<hbm>>
        tpu.enqueue_dma source(%dma_start3A_70 : memref<16xi32, #tpu.memory_space<hbm>>) target(%arg6 : memref<16xi32, #tpu.memory_space<vmem>>) target_semaphore(%run_scoped3A : memref<!tpu.dma_semaphore, #tpu.memory_space<semaphore_mem>>)
        %dma_wait3A = tpu.memref_slice %arg3[%mul3A_47] : memref<128xi32, #tpu.memory_space<hbm>> -> memref<16xi32, #tpu.memory_space<hbm>>
        %dma_wait3A_71 = tpu.memref_slice %arg3[%mul3A_47] : memref<128xi32, #tpu.memory_space<hbm>> -> memref<16xi32, #tpu.memory_space<hbm>>
        tpu.wait_dma2 semaphore(%run_scoped3A : memref<!tpu.dma_semaphore, #tpu.memory_space<semaphore_mem>>) src(%dma_wait3A_71 : memref<16xi32, #tpu.memory_space<hbm>>) dst(%arg6 : memref<16xi32, #tpu.memory_space<vmem>>)
        tpu.yield
      }) : () -> ()
      %get3A = arith.constant 0 : index
      %get3A_48 = tpu.vector_load %arg6[%get3A] {strides = array<i32>} : memref<16xi32, #tpu.memory_space<vmem>>, vector<16xi32>,
      %scan3A_49 = arith.constant 0 : i32
      %scan3A_50 = arith.constant 0 : i32
      %scan3A_51 = arith.constant 6 : i32
      %scan3A_52 = arith.addi %scan3A_50, %scan3A_51 : i32
      %scan3A_53 = arith.constant 1 : i32
      %scan3A_54 = scf.for %scan3A_69 = %scan3A_50 to %scan3A_52 step %scan3A_53 iter_args(%scan3A_70 = %scan3A_49) -> (i32)  : i32 {
        %and3A = arith.constant 1 : i32
        %and3A_71 = arith.andi %scan3A_69, %and3A : i32
        %dma_wait3A = arith.constant 0 : i32
        %dma_wait3A_72 = arith.constant 0 : i32
        %dma_wait3A_73 = arith.constant 0 : i32
        %dma_wait3A_74 = arith.constant 0 : i32
        %dma_wait3A_75 = tpu.memref_slice %arg5[%and3A_71, %dma_wait3A_73, %dma_wait3A_74] : memref<2x112x224xf32, #tpu.memory_space<vmem>> -> memref<1x112x224xf32, #tpu.memory_space<vmem>>
        %dma_wait3A_76 = tpu.memref_squeeze %dma_wait3A_75 : memref<1x112x224xf32, #tpu.memory_space<vmem>> -> memref<112x224xf32, #tpu.memory_space<vmem>>
        %dma_wait3A_77 = arith.constant 0 : i32
        %dma_wait3A_78 = arith.constant 0 : i32
        %dma_wait3A_79 = tpu.memref_slice %arg2[%dma_wait3A, %dma_wait3A_72, %dma_wait3A_77, %dma_wait3A_78] : memref<8x96x224x224xf32, #tpu.memory_space<hbm>> -> memref<1x1x112x224xf32, #tpu.memory_space<hbm>>
        %dma_wait3A_80 = tpu.memref_squeeze %dma_wait3A_79 : memref<1x1x112x224xf32, #tpu.memory_space<hbm>> -> memref<112x224xf32, #tpu.memory_space<hbm>>
        %dma_wait3A_81 = tpu.memref_slice %arg9[%and3A_71] : memref<2x!tpu.dma_semaphore, #tpu.memory_space<semaphore_mem>> -> memref<1x!tpu.dma_semaphore, #tpu.memory_space<semaphore_mem>>
        %dma_wait3A_82 = tpu.memref_squeeze %dma_wait3A_81 : memref<1x!tpu.dma_semaphore, #tpu.memory_space<semaphore_mem>> -> memref<!tpu.dma_semaphore, #tpu.memory_space<semaphore_mem>>
        %dma_wait3A_83 = arith.constant 0 : i32
        %dma_wait3A_84 = arith.constant 0 : i32
        %dma_wait3A_85 = tpu.memref_slice %arg5[%and3A_71, %dma_wait3A_83, %dma_wait3A_84] : memref<2x112x224xf32, #tpu.memory_space<vmem>> -> memref<1x112x224xf32, #tpu.memory_space<vmem>>
        %dma_wait3A_86 = tpu.memref_squeeze %dma_wait3A_85 : memref<1x112x224xf32, #tpu.memory_space<vmem>> -> memref<112x224xf32, #tpu.memory_space<vmem>>
        %dma_wait3A_87 = arith.constant 0 : i32
        %dma_wait3A_88 = arith.constant 0 : i32
        %dma_wait3A_89 = tpu.memref_slice %arg2[%dma_wait3A, %dma_wait3A_72, %dma_wait3A_87, %dma_wait3A_88] : memref<8x96x224x224xf32, #tpu.memory_space<hbm>> -> memref<1x1x112x224xf32, #tpu.memory_space<hbm>>
        %dma_wait3A_90 = tpu.memref_squeeze %dma_wait3A_89 : memref<1x1x112x224xf32, #tpu.memory_space<hbm>> -> memref<112x224xf32, #tpu.memory_space<hbm>>
        tpu.wait_dma2 semaphore(%dma_wait3A_82 : memref<!tpu.dma_semaphore, #tpu.memory_space<semaphore_mem>>) src(%dma_wait3A_90 : memref<112x224xf32, #tpu.memory_space<hbm>>) dst(%dma_wait3A_86 : memref<112x224xf32, #tpu.memory_space<vmem>>)
        %add3A_91 = arith.constant 1 : i32
        %add3A_92 = arith.addi %scan3A_69, %add3A_91 : i32
        %lt3A = arith.constant 6 : i32
        %lt3A_93 = arith.cmpi slt, %add3A_92, %lt3A : i32
        %convert_element_type3A = arith.extui %lt3A_93 : i1 to i32
        %cond3A = arith.constant 0 : i32
        %cond3A_94 = arith.cmpi ne, %convert_element_type3A, %cond3A : i32
        scf.if %cond3A_94 {
          %add3A_109 = arith.constant 1 : i32
          %add3A_110 = arith.addi %scan3A_69, %add3A_109 : i32
          %and3A_111 = arith.constant 1 : i32
          %and3A_112 = arith.andi %add3A_110, %and3A_111 : i32
          %shift_right_arithmetic3A = arith.constant 1 : i32
          %shift_right_arithmetic3A_113 = arith.shrsi %add3A_110, %shift_right_arithmetic3A : i32
          %add3A_114 = arith.addi %mul3A_8, %shift_right_arithmetic3A_113 : i32
          %and3A_115 = arith.constant 1 : i32
          %and3A_116 = arith.andi %add3A_110, %and3A_115 : i32
          %mul3A_117 = arith.constant 112 : i32
          %mul3A_118 = arith.muli %and3A_116, %mul3A_117 : i32
          %dma_start3A_119 = arith.constant 0 : i32
          %dma_start3A_120 = arith.constant 0 : i32
          %dma_start3A_121 = tpu.memref_slice %arg5[%and3A_112, %dma_start3A_119, %dma_start3A_120] : memref<2x112x224xf32, #tpu.memory_space<vmem>> -> memref<1x112x224xf32, #tpu.memory_space<vmem>>
          %dma_start3A_122 = tpu.memref_squeeze %dma_start3A_121 : memref<1x112x224xf32, #tpu.memory_space<vmem>> -> memref<112x224xf32, #tpu.memory_space<vmem>>
          %dma_start3A_123 = arith.constant 0 : i32
          %dma_start3A_124 = tpu.memref_slice %arg2[%scan3A_44, %add3A_114, %mul3A_118, %dma_start3A_123] : memref<8x96x224x224xf32, #tpu.memory_space<hbm>> -> memref<1x1x112x224xf32, #tpu.memory_space<hbm>>
          %dma_start3A_125 = tpu.memref_squeeze %dma_start3A_124 : memref<1x1x112x224xf32, #tpu.memory_space<hbm>> -> memref<112x224xf32, #tpu.memory_space<hbm>>
          %dma_start3A_126 = tpu.memref_slice %arg9[%and3A_112] : memref<2x!tpu.dma_semaphore, #tpu.memory_space<semaphore_mem>> -> memref<1x!tpu.dma_semaphore, #tpu.memory_space<semaphore_mem>>
          %dma_start3A_127 = tpu.memref_squeeze %dma_start3A_126 : memref<1x!tpu.dma_semaphore, #tpu.memory_space<semaphore_mem>> -> memref<!tpu.dma_semaphore, #tpu.memory_space<semaphore_mem>>
          %dma_start3A_128 = arith.constant 0 : i32
          %dma_start3A_129 = arith.constant 0 : i32
          %dma_start3A_130 = tpu.memref_slice %arg5[%and3A_112, %dma_start3A_128, %dma_start3A_129] : memref<2x112x224xf32, #tpu.memory_space<vmem>> -> memref<1x112x224xf32, #tpu.memory_space<vmem>>
          %dma_start3A_131 = tpu.memref_squeeze %dma_start3A_130 : memref<1x112x224xf32, #tpu.memory_space<vmem>> -> memref<112x224xf32, #tpu.memory_space<vmem>>
          %dma_start3A_132 = arith.constant 0 : i32
          %dma_start3A_133 = tpu.memref_slice %arg2[%scan3A_44, %add3A_114, %mul3A_118, %dma_start3A_132] : memref<8x96x224x224xf32, #tpu.memory_space<hbm>> -> memref<1x1x112x224xf32, #tpu.memory_space<hbm>>
          %dma_start3A_134 = tpu.memref_squeeze %dma_start3A_133 : memref<1x1x112x224xf32, #tpu.memory_space<hbm>> -> memref<112x224xf32, #tpu.memory_space<hbm>>
          tpu.enqueue_dma source(%dma_start3A_134 : memref<112x224xf32, #tpu.memory_space<hbm>>) target(%dma_start3A_131 : memref<112x224xf32, #tpu.memory_space<vmem>>) target_semaphore(%dma_start3A_127 : memref<!tpu.dma_semaphore, #tpu.memory_space<semaphore_mem>>)
        } else {
        }
        %add3A_95 = arith.constant 1 : i32
        %add3A_96 = arith.addi %scan3A_69, %add3A_95 : i32
        %ge3A = arith.constant 6 : i32
        %ge3A_97 = arith.cmpi sge, %add3A_96, %ge3A : i32
        %add3A_98 = arith.constant 1 : i32
        %add3A_99 = arith.addi %scan3A_44, %add3A_98 : i32
        %lt3A_100 = arith.constant 8 : i32
        %lt3A_101 = arith.cmpi slt, %add3A_99, %lt3A_100 : i32
        %and3A_102 = arith.andi %ge3A_97, %lt3A_101 : i1
        %convert_element_type3A_103 = arith.extui %and3A_102 : i1 to i32
        %cond3A_104 = arith.constant 0 : i32
        %cond3A_105 = arith.cmpi ne, %convert_element_type3A_103, %cond3A_104 : i32
        scf.if %cond3A_105 {
          %add3A_109 = arith.constant 1 : i32
          %add3A_110 = arith.addi %scan3A_44, %add3A_109 : i32
          %add3A_111 = arith.constant 0 : i32
          %add3A_112 = arith.addi %mul3A_8, %add3A_111 : i32
          %dma_start3A_113 = arith.constant 0 : i32
          %dma_start3A_114 = arith.constant 0 : i32
          %dma_start3A_115 = arith.constant 0 : i32
          %dma_start3A_116 = arith.constant 0 : i32
          %dma_start3A_117 = tpu.memref_slice %arg5[%dma_start3A_113, %dma_start3A_115, %dma_start3A_116] : memref<2x112x224xf32, #tpu.memory_space<vmem>> -> memref<1x112x224xf32, #tpu.memory_space<vmem>>
          %dma_start3A_118 = tpu.memref_squeeze %dma_start3A_117 : memref<1x112x224xf32, #tpu.memory_space<vmem>> -> memref<112x224xf32, #tpu.memory_space<vmem>>
          %dma_start3A_119 = arith.constant 0 : i32
          %dma_start3A_120 = arith.constant 0 : i32
          %dma_start3A_121 = tpu.memref_slice %arg2[%add3A_110, %add3A_112, %dma_start3A_119, %dma_start3A_120] : memref<8x96x224x224xf32, #tpu.memory_space<hbm>> -> memref<1x1x112x224xf32, #tpu.memory_space<hbm>>
          %dma_start3A_122 = tpu.memref_squeeze %dma_start3A_121 : memref<1x1x112x224xf32, #tpu.memory_space<hbm>> -> memref<112x224xf32, #tpu.memory_space<hbm>>
          %dma_start3A_123 = tpu.memref_slice %arg9[%dma_start3A_114] : memref<2x!tpu.dma_semaphore, #tpu.memory_space<semaphore_mem>> -> memref<1x!tpu.dma_semaphore, #tpu.memory_space<semaphore_mem>>
          %dma_start3A_124 = tpu.memref_squeeze %dma_start3A_123 : memref<1x!tpu.dma_semaphore, #tpu.memory_space<semaphore_mem>> -> memref<!tpu.dma_semaphore, #tpu.memory_space<semaphore_mem>>
          %dma_start3A_125 = arith.constant 0 : i32
          %dma_start3A_126 = arith.constant 0 : i32
          %dma_start3A_127 = tpu.memref_slice %arg5[%dma_start3A_113, %dma_start3A_125, %dma_start3A_126] : memref<2x112x224xf32, #tpu.memory_space<vmem>> -> memref<1x112x224xf32, #tpu.memory_space<vmem>>
          %dma_start3A_128 = tpu.memref_squeeze %dma_start3A_127 : memref<1x112x224xf32, #tpu.memory_space<vmem>> -> memref<112x224xf32, #tpu.memory_space<vmem>>
          %dma_start3A_129 = arith.constant 0 : i32
          %dma_start3A_130 = arith.constant 0 : i32
          %dma_start3A_131 = tpu.memref_slice %arg2[%add3A_110, %add3A_112, %dma_start3A_129, %dma_start3A_130] : memref<8x96x224x224xf32, #tpu.memory_space<hbm>> -> memref<1x1x112x224xf32, #tpu.memory_space<hbm>>
          %dma_start3A_132 = tpu.memref_squeeze %dma_start3A_131 : memref<1x1x112x224xf32, #tpu.memory_space<hbm>> -> memref<112x224xf32, #tpu.memory_space<hbm>>
          tpu.enqueue_dma source(%dma_start3A_132 : memref<112x224xf32, #tpu.memory_space<hbm>>) target(%dma_start3A_128 : memref<112x224xf32, #tpu.memory_space<vmem>>) target_semaphore(%dma_start3A_124 : memref<!tpu.dma_semaphore, #tpu.memory_space<semaphore_mem>>)
        } else {
        }
        %parallel_loop3A = arith.constant 0 : i32
        %parallel_loop3A_106 = arith.constant 112 : i32
        %parallel_loop3A_107 = arith.constant 1 : i32
        scf.for %parallel_loop3A_109 = %parallel_loop3A to %parallel_loop3A_106 step %parallel_loop3A_107  : i32 {
          %parallel_loop3A_110 = arith.index_cast %and3A_71 : i32 to index
          %parallel_loop3A_111 = arith.index_cast %parallel_loop3A_109 : i32 to index
          %parallel_loop3A_112 = arith.constant 0 : index
          %parallel_loop3A_113 = tpu.vector_load %arg5[%parallel_loop3A_110, %parallel_loop3A_111, %parallel_loop3A_112] {strides = array<i32>} : memref<2x112x224xf32, #tpu.memory_space<vmem>>, vector<16xf32>,
          %parallel_loop3A_114 = arith.index_cast %and3A_71 : i32 to index
          %parallel_loop3A_115 = arith.index_cast %parallel_loop3A_109 : i32 to index
          %parallel_loop3A_116 = arith.constant 16 : index
          %parallel_loop3A_117 = tpu.vector_load %arg5[%parallel_loop3A_114, %parallel_loop3A_115, %parallel_loop3A_116] {strides = array<i32>} : memref<2x112x224xf32, #tpu.memory_space<vmem>>, vector<16xf32>,
          %parallel_loop3A_118 = arith.index_cast %and3A_71 : i32 to index
          %parallel_loop3A_119 = arith.index_cast %parallel_loop3A_109 : i32 to index
          %parallel_loop3A_120 = arith.constant 32 : index
          %parallel_loop3A_121 = tpu.vector_load %arg5[%parallel_loop3A_118, %parallel_loop3A_119, %parallel_loop3A_120] {strides = array<i32>} : memref<2x112x224xf32, #tpu.memory_space<vmem>>, vector<16xf32>,
          %parallel_loop3A_122 = arith.index_cast %and3A_71 : i32 to index
          %parallel_loop3A_123 = arith.index_cast %parallel_loop3A_109 : i32 to index
          %parallel_loop3A_124 = arith.constant 48 : index
          %parallel_loop3A_125 = tpu.vector_load %arg5[%parallel_loop3A_122, %parallel_loop3A_123, %parallel_loop3A_124] {strides = array<i32>} : memref<2x112x224xf32, #tpu.memory_space<vmem>>, vector<16xf32>,
          %parallel_loop3A_126 = arith.index_cast %and3A_71 : i32 to index
          %parallel_loop3A_127 = arith.index_cast %parallel_loop3A_109 : i32 to index
          %parallel_loop3A_128 = arith.constant 64 : index
          %parallel_loop3A_129 = tpu.vector_load %arg5[%parallel_loop3A_126, %parallel_loop3A_127, %parallel_loop3A_128] {strides = array<i32>} : memref<2x112x224xf32, #tpu.memory_space<vmem>>, vector<16xf32>,
          %parallel_loop3A_130 = arith.index_cast %and3A_71 : i32 to index
          %parallel_loop3A_131 = arith.index_cast %parallel_loop3A_109 : i32 to index
          %parallel_loop3A_132 = arith.constant 80 : index
          %parallel_loop3A_133 = tpu.vector_load %arg5[%parallel_loop3A_130, %parallel_loop3A_131, %parallel_loop3A_132] {strides = array<i32>} : memref<2x112x224xf32, #tpu.memory_space<vmem>>, vector<16xf32>,
          %parallel_loop3A_134 = arith.index_cast %and3A_71 : i32 to index
          %parallel_loop3A_135 = arith.index_cast %parallel_loop3A_109 : i32 to index
          %parallel_loop3A_136 = arith.constant 96 : index
          %parallel_loop3A_137 = tpu.vector_load %arg5[%parallel_loop3A_134, %parallel_loop3A_135, %parallel_loop3A_136] {strides = array<i32>} : memref<2x112x224xf32, #tpu.memory_space<vmem>>, vector<16xf32>,
          %parallel_loop3A_138 = arith.index_cast %and3A_71 : i32 to index
          %parallel_loop3A_139 = arith.index_cast %parallel_loop3A_109 : i32 to index
          %parallel_loop3A_140 = arith.constant 112 : index
          %parallel_loop3A_141 = tpu.vector_load %arg5[%parallel_loop3A_138, %parallel_loop3A_139, %parallel_loop3A_140] {strides = array<i32>} : memref<2x112x224xf32, #tpu.memory_space<vmem>>, vector<16xf32>,
          %parallel_loop3A_142 = arith.index_cast %and3A_71 : i32 to index
          %parallel_loop3A_143 = arith.index_cast %parallel_loop3A_109 : i32 to index
          %parallel_loop3A_144 = arith.constant 128 : index
          %parallel_loop3A_145 = tpu.vector_load %arg5[%parallel_loop3A_142, %parallel_loop3A_143, %parallel_loop3A_144] {strides = array<i32>} : memref<2x112x224xf32, #tpu.memory_space<vmem>>, vector<16xf32>,
          %parallel_loop3A_146 = arith.index_cast %and3A_71 : i32 to index
          %parallel_loop3A_147 = arith.index_cast %parallel_loop3A_109 : i32 to index
          %parallel_loop3A_148 = arith.constant 144 : index
          %parallel_loop3A_149 = tpu.vector_load %arg5[%parallel_loop3A_146, %parallel_loop3A_147, %parallel_loop3A_148] {strides = array<i32>} : memref<2x112x224xf32, #tpu.memory_space<vmem>>, vector<16xf32>,
          %parallel_loop3A_150 = arith.index_cast %and3A_71 : i32 to index
          %parallel_loop3A_151 = arith.index_cast %parallel_loop3A_109 : i32 to index
          %parallel_loop3A_152 = arith.constant 160 : index
          %parallel_loop3A_153 = tpu.vector_load %arg5[%parallel_loop3A_150, %parallel_loop3A_151, %parallel_loop3A_152] {strides = array<i32>} : memref<2x112x224xf32, #tpu.memory_space<vmem>>, vector<16xf32>,
          %parallel_loop3A_154 = arith.index_cast %and3A_71 : i32 to index
          %parallel_loop3A_155 = arith.index_cast %parallel_loop3A_109 : i32 to index
          %parallel_loop3A_156 = arith.constant 176 : index
          %parallel_loop3A_157 = tpu.vector_load %arg5[%parallel_loop3A_154, %parallel_loop3A_155, %parallel_loop3A_156] {strides = array<i32>} : memref<2x112x224xf32, #tpu.memory_space<vmem>>, vector<16xf32>,
          %parallel_loop3A_158 = arith.index_cast %and3A_71 : i32 to index
          %parallel_loop3A_159 = arith.index_cast %parallel_loop3A_109 : i32 to index
          %parallel_loop3A_160 = arith.constant 192 : index
          %parallel_loop3A_161 = tpu.vector_load %arg5[%parallel_loop3A_158, %parallel_loop3A_159, %parallel_loop3A_160] {strides = array<i32>} : memref<2x112x224xf32, #tpu.memory_space<vmem>>, vector<16xf32>,
          %parallel_loop3A_162 = arith.index_cast %and3A_71 : i32 to index
          %parallel_loop3A_163 = arith.index_cast %parallel_loop3A_109 : i32 to index
          %parallel_loop3A_164 = arith.constant 208 : index
          %parallel_loop3A_165 = tpu.vector_load %arg5[%parallel_loop3A_162, %parallel_loop3A_163, %parallel_loop3A_164] {strides = array<i32>} : memref<2x112x224xf32, #tpu.memory_space<vmem>>, vector<16xf32>,
          %parallel_loop3A_166 = tpu.bitcast %parallel_loop3A_113 : vector<16xf32> -> vector<16xi32>
          %parallel_loop3A_167 = arith.constant 31 : i32
          %parallel_loop3A_168 = vector.broadcast %parallel_loop3A_167 : i32 to vector<16xi32>
          %parallel_loop3A_169 = arith.shrui %parallel_loop3A_166, %parallel_loop3A_168 : vector<16xi32>
          %parallel_loop3A_170 = arith.constant 0 : i32
          %parallel_loop3A_171 = vector.broadcast %parallel_loop3A_170 : i32 to vector<16xi32>
          %parallel_loop3A_172 = arith.subi %parallel_loop3A_171, %parallel_loop3A_169 : vector<16xi32>
          %parallel_loop3A_173 = arith.constant -2147483648 : i32
          %parallel_loop3A_174 = vector.broadcast %parallel_loop3A_173 : i32 to vector<16xi32>
          %parallel_loop3A_175 = arith.ori %parallel_loop3A_172, %parallel_loop3A_174 : vector<16xi32>
          %parallel_loop3A_176 = arith.xori %parallel_loop3A_166, %parallel_loop3A_175 : vector<16xi32>
          %parallel_loop3A_177 = tpu.bitcast %parallel_loop3A_117 : vector<16xf32> -> vector<16xi32>
          %parallel_loop3A_178 = arith.constant 31 : i32
          %parallel_loop3A_179 = vector.broadcast %parallel_loop3A_178 : i32 to vector<16xi32>
          %parallel_loop3A_180 = arith.shrui %parallel_loop3A_177, %parallel_loop3A_179 : vector<16xi32>
          %parallel_loop3A_181 = arith.constant 0 : i32
          %parallel_loop3A_182 = vector.broadcast %parallel_loop3A_181 : i32 to vector<16xi32>
          %parallel_loop3A_183 = arith.subi %parallel_loop3A_182, %parallel_loop3A_180 : vector<16xi32>
          %parallel_loop3A_184 = arith.constant -2147483648 : i32
          %parallel_loop3A_185 = vector.broadcast %parallel_loop3A_184 : i32 to vector<16xi32>
          %parallel_loop3A_186 = arith.ori %parallel_loop3A_183, %parallel_loop3A_185 : vector<16xi32>
          %parallel_loop3A_187 = arith.xori %parallel_loop3A_177, %parallel_loop3A_186 : vector<16xi32>
          %parallel_loop3A_188 = tpu.bitcast %parallel_loop3A_121 : vector<16xf32> -> vector<16xi32>
          %parallel_loop3A_189 = arith.constant 31 : i32
          %parallel_loop3A_190 = vector.broadcast %parallel_loop3A_189 : i32 to vector<16xi32>
          %parallel_loop3A_191 = arith.shrui %parallel_loop3A_188, %parallel_loop3A_190 : vector<16xi32>
          %parallel_loop3A_192 = arith.constant 0 : i32
          %parallel_loop3A_193 = vector.broadcast %parallel_loop3A_192 : i32 to vector<16xi32>
          %parallel_loop3A_194 = arith.subi %parallel_loop3A_193, %parallel_loop3A_191 : vector<16xi32>
          %parallel_loop3A_195 = arith.constant -2147483648 : i32
          %parallel_loop3A_196 = vector.broadcast %parallel_loop3A_195 : i32 to vector<16xi32>
          %parallel_loop3A_197 = arith.ori %parallel_loop3A_194, %parallel_loop3A_196 : vector<16xi32>
          %parallel_loop3A_198 = arith.xori %parallel_loop3A_188, %parallel_loop3A_197 : vector<16xi32>
          %parallel_loop3A_199 = tpu.bitcast %parallel_loop3A_125 : vector<16xf32> -> vector<16xi32>
          %parallel_loop3A_200 = arith.constant 31 : i32
          %parallel_loop3A_201 = vector.broadcast %parallel_loop3A_200 : i32 to vector<16xi32>
          %parallel_loop3A_202 = arith.shrui %parallel_loop3A_199, %parallel_loop3A_201 : vector<16xi32>
          %parallel_loop3A_203 = arith.constant 0 : i32
          %parallel_loop3A_204 = vector.broadcast %parallel_loop3A_203 : i32 to vector<16xi32>
          %parallel_loop3A_205 = arith.subi %parallel_loop3A_204, %parallel_loop3A_202 : vector<16xi32>
          %parallel_loop3A_206 = arith.constant -2147483648 : i32
          %parallel_loop3A_207 = vector.broadcast %parallel_loop3A_206 : i32 to vector<16xi32>
          %parallel_loop3A_208 = arith.ori %parallel_loop3A_205, %parallel_loop3A_207 : vector<16xi32>
          %parallel_loop3A_209 = arith.xori %parallel_loop3A_199, %parallel_loop3A_208 : vector<16xi32>
          %parallel_loop3A_210 = tpu.bitcast %parallel_loop3A_129 : vector<16xf32> -> vector<16xi32>
          %parallel_loop3A_211 = arith.constant 31 : i32
          %parallel_loop3A_212 = vector.broadcast %parallel_loop3A_211 : i32 to vector<16xi32>
          %parallel_loop3A_213 = arith.shrui %parallel_loop3A_210, %parallel_loop3A_212 : vector<16xi32>
          %parallel_loop3A_214 = arith.constant 0 : i32
          %parallel_loop3A_215 = vector.broadcast %parallel_loop3A_214 : i32 to vector<16xi32>
          %parallel_loop3A_216 = arith.subi %parallel_loop3A_215, %parallel_loop3A_213 : vector<16xi32>
          %parallel_loop3A_217 = arith.constant -2147483648 : i32
          %parallel_loop3A_218 = vector.broadcast %parallel_loop3A_217 : i32 to vector<16xi32>
          %parallel_loop3A_219 = arith.ori %parallel_loop3A_216, %parallel_loop3A_218 : vector<16xi32>
          %parallel_loop3A_220 = arith.xori %parallel_loop3A_210, %parallel_loop3A_219 : vector<16xi32>
          %parallel_loop3A_221 = tpu.bitcast %parallel_loop3A_133 : vector<16xf32> -> vector<16xi32>
          %parallel_loop3A_222 = arith.constant 31 : i32
          %parallel_loop3A_223 = vector.broadcast %parallel_loop3A_222 : i32 to vector<16xi32>
          %parallel_loop3A_224 = arith.shrui %parallel_loop3A_221, %parallel_loop3A_223 : vector<16xi32>
          %parallel_loop3A_225 = arith.constant 0 : i32
          %parallel_loop3A_226 = vector.broadcast %parallel_loop3A_225 : i32 to vector<16xi32>
          %parallel_loop3A_227 = arith.subi %parallel_loop3A_226, %parallel_loop3A_224 : vector<16xi32>
          %parallel_loop3A_228 = arith.constant -2147483648 : i32
          %parallel_loop3A_229 = vector.broadcast %parallel_loop3A_228 : i32 to vector<16xi32>
          %parallel_loop3A_230 = arith.ori %parallel_loop3A_227, %parallel_loop3A_229 : vector<16xi32>
          %parallel_loop3A_231 = arith.xori %parallel_loop3A_221, %parallel_loop3A_230 : vector<16xi32>
          %parallel_loop3A_232 = tpu.bitcast %parallel_loop3A_137 : vector<16xf32> -> vector<16xi32>
          %parallel_loop3A_233 = arith.constant 31 : i32
          %parallel_loop3A_234 = vector.broadcast %parallel_loop3A_233 : i32 to vector<16xi32>
          %parallel_loop3A_235 = arith.shrui %parallel_loop3A_232, %parallel_loop3A_234 : vector<16xi32>
          %parallel_loop3A_236 = arith.constant 0 : i32
          %parallel_loop3A_237 = vector.broadcast %parallel_loop3A_236 : i32 to vector<16xi32>
          %parallel_loop3A_238 = arith.subi %parallel_loop3A_237, %parallel_loop3A_235 : vector<16xi32>
          %parallel_loop3A_239 = arith.constant -2147483648 : i32
          %parallel_loop3A_240 = vector.broadcast %parallel_loop3A_239 : i32 to vector<16xi32>
          %parallel_loop3A_241 = arith.ori %parallel_loop3A_238, %parallel_loop3A_240 : vector<16xi32>
          %parallel_loop3A_242 = arith.xori %parallel_loop3A_232, %parallel_loop3A_241 : vector<16xi32>
          %parallel_loop3A_243 = tpu.bitcast %parallel_loop3A_141 : vector<16xf32> -> vector<16xi32>
          %parallel_loop3A_244 = arith.constant 31 : i32
          %parallel_loop3A_245 = vector.broadcast %parallel_loop3A_244 : i32 to vector<16xi32>
          %parallel_loop3A_246 = arith.shrui %parallel_loop3A_243, %parallel_loop3A_245 : vector<16xi32>
          %parallel_loop3A_247 = arith.constant 0 : i32
          %parallel_loop3A_248 = vector.broadcast %parallel_loop3A_247 : i32 to vector<16xi32>
          %parallel_loop3A_249 = arith.subi %parallel_loop3A_248, %parallel_loop3A_246 : vector<16xi32>
          %parallel_loop3A_250 = arith.constant -2147483648 : i32
          %parallel_loop3A_251 = vector.broadcast %parallel_loop3A_250 : i32 to vector<16xi32>
          %parallel_loop3A_252 = arith.ori %parallel_loop3A_249, %parallel_loop3A_251 : vector<16xi32>
          %parallel_loop3A_253 = arith.xori %parallel_loop3A_243, %parallel_loop3A_252 : vector<16xi32>
          %parallel_loop3A_254 = tpu.bitcast %parallel_loop3A_145 : vector<16xf32> -> vector<16xi32>
          %parallel_loop3A_255 = arith.constant 31 : i32
          %parallel_loop3A_256 = vector.broadcast %parallel_loop3A_255 : i32 to vector<16xi32>
          %parallel_loop3A_257 = arith.shrui %parallel_loop3A_254, %parallel_loop3A_256 : vector<16xi32>
          %parallel_loop3A_258 = arith.constant 0 : i32
          %parallel_loop3A_259 = vector.broadcast %parallel_loop3A_258 : i32 to vector<16xi32>
          %parallel_loop3A_260 = arith.subi %parallel_loop3A_259, %parallel_loop3A_257 : vector<16xi32>
          %parallel_loop3A_261 = arith.constant -2147483648 : i32
          %parallel_loop3A_262 = vector.broadcast %parallel_loop3A_261 : i32 to vector<16xi32>
          %parallel_loop3A_263 = arith.ori %parallel_loop3A_260, %parallel_loop3A_262 : vector<16xi32>
          %parallel_loop3A_264 = arith.xori %parallel_loop3A_254, %parallel_loop3A_263 : vector<16xi32>
          %parallel_loop3A_265 = tpu.bitcast %parallel_loop3A_149 : vector<16xf32> -> vector<16xi32>
          %parallel_loop3A_266 = arith.constant 31 : i32
          %parallel_loop3A_267 = vector.broadcast %parallel_loop3A_266 : i32 to vector<16xi32>
          %parallel_loop3A_268 = arith.shrui %parallel_loop3A_265, %parallel_loop3A_267 : vector<16xi32>
          %parallel_loop3A_269 = arith.constant 0 : i32
          %parallel_loop3A_270 = vector.broadcast %parallel_loop3A_269 : i32 to vector<16xi32>
          %parallel_loop3A_271 = arith.subi %parallel_loop3A_270, %parallel_loop3A_268 : vector<16xi32>
          %parallel_loop3A_272 = arith.constant -2147483648 : i32
          %parallel_loop3A_273 = vector.broadcast %parallel_loop3A_272 : i32 to vector<16xi32>
          %parallel_loop3A_274 = arith.ori %parallel_loop3A_271, %parallel_loop3A_273 : vector<16xi32>
          %parallel_loop3A_275 = arith.xori %parallel_loop3A_265, %parallel_loop3A_274 : vector<16xi32>
          %parallel_loop3A_276 = tpu.bitcast %parallel_loop3A_153 : vector<16xf32> -> vector<16xi32>
          %parallel_loop3A_277 = arith.constant 31 : i32
          %parallel_loop3A_278 = vector.broadcast %parallel_loop3A_277 : i32 to vector<16xi32>
          %parallel_loop3A_279 = arith.shrui %parallel_loop3A_276, %parallel_loop3A_278 : vector<16xi32>
          %parallel_loop3A_280 = arith.constant 0 : i32
          %parallel_loop3A_281 = vector.broadcast %parallel_loop3A_280 : i32 to vector<16xi32>
          %parallel_loop3A_282 = arith.subi %parallel_loop3A_281, %parallel_loop3A_279 : vector<16xi32>
          %parallel_loop3A_283 = arith.constant -2147483648 : i32
          %parallel_loop3A_284 = vector.broadcast %parallel_loop3A_283 : i32 to vector<16xi32>
          %parallel_loop3A_285 = arith.ori %parallel_loop3A_282, %parallel_loop3A_284 : vector<16xi32>
          %parallel_loop3A_286 = arith.xori %parallel_loop3A_276, %parallel_loop3A_285 : vector<16xi32>
          %parallel_loop3A_287 = tpu.bitcast %parallel_loop3A_157 : vector<16xf32> -> vector<16xi32>
          %parallel_loop3A_288 = arith.constant 31 : i32
          %parallel_loop3A_289 = vector.broadcast %parallel_loop3A_288 : i32 to vector<16xi32>
          %parallel_loop3A_290 = arith.shrui %parallel_loop3A_287, %parallel_loop3A_289 : vector<16xi32>
          %parallel_loop3A_291 = arith.constant 0 : i32
          %parallel_loop3A_292 = vector.broadcast %parallel_loop3A_291 : i32 to vector<16xi32>
          %parallel_loop3A_293 = arith.subi %parallel_loop3A_292, %parallel_loop3A_290 : vector<16xi32>
          %parallel_loop3A_294 = arith.constant -2147483648 : i32
          %parallel_loop3A_295 = vector.broadcast %parallel_loop3A_294 : i32 to vector<16xi32>
          %parallel_loop3A_296 = arith.ori %parallel_loop3A_293, %parallel_loop3A_295 : vector<16xi32>
          %parallel_loop3A_297 = arith.xori %parallel_loop3A_287, %parallel_loop3A_296 : vector<16xi32>
          %parallel_loop3A_298 = tpu.bitcast %parallel_loop3A_161 : vector<16xf32> -> vector<16xi32>
          %parallel_loop3A_299 = arith.constant 31 : i32
          %parallel_loop3A_300 = vector.broadcast %parallel_loop3A_299 : i32 to vector<16xi32>
          %parallel_loop3A_301 = arith.shrui %parallel_loop3A_298, %parallel_loop3A_300 : vector<16xi32>
          %parallel_loop3A_302 = arith.constant 0 : i32
          %parallel_loop3A_303 = vector.broadcast %parallel_loop3A_302 : i32 to vector<16xi32>
          %parallel_loop3A_304 = arith.subi %parallel_loop3A_303, %parallel_loop3A_301 : vector<16xi32>
          %parallel_loop3A_305 = arith.constant -2147483648 : i32
          %parallel_loop3A_306 = vector.broadcast %parallel_loop3A_305 : i32 to vector<16xi32>
          %parallel_loop3A_307 = arith.ori %parallel_loop3A_304, %parallel_loop3A_306 : vector<16xi32>
          %parallel_loop3A_308 = arith.xori %parallel_loop3A_298, %parallel_loop3A_307 : vector<16xi32>
          %parallel_loop3A_309 = tpu.bitcast %parallel_loop3A_165 : vector<16xf32> -> vector<16xi32>
          %parallel_loop3A_310 = arith.constant 31 : i32
          %parallel_loop3A_311 = vector.broadcast %parallel_loop3A_310 : i32 to vector<16xi32>
          %parallel_loop3A_312 = arith.shrui %parallel_loop3A_309, %parallel_loop3A_311 : vector<16xi32>
          %parallel_loop3A_313 = arith.constant 0 : i32
          %parallel_loop3A_314 = vector.broadcast %parallel_loop3A_313 : i32 to vector<16xi32>
          %parallel_loop3A_315 = arith.subi %parallel_loop3A_314, %parallel_loop3A_312 : vector<16xi32>
          %parallel_loop3A_316 = arith.constant -2147483648 : i32
          %parallel_loop3A_317 = vector.broadcast %parallel_loop3A_316 : i32 to vector<16xi32>
          %parallel_loop3A_318 = arith.ori %parallel_loop3A_315, %parallel_loop3A_317 : vector<16xi32>
          %parallel_loop3A_319 = arith.xori %parallel_loop3A_309, %parallel_loop3A_318 : vector<16xi32>
          %parallel_loop3A_320 = arith.constant 11 : i32
          %parallel_loop3A_321 = vector.broadcast %parallel_loop3A_320 : i32 to vector<16xi32>
          %parallel_loop3A_322 = arith.shli %parallel_loop3A_176, %parallel_loop3A_321 : vector<16xi32>
          %parallel_loop3A_323 = arith.constant 21 : i32
          %parallel_loop3A_324 = vector.broadcast %parallel_loop3A_323 : i32 to vector<16xi32>
          %parallel_loop3A_325 = arith.shrui %parallel_loop3A_322, %parallel_loop3A_324 : vector<16xi32>
          %parallel_loop3A_326 = tpu.bitcast %parallel_loop3A_325 : vector<16xi32> -> vector<16xi32>
          %parallel_loop3A_327 = arith.ori %mul3A_3, %parallel_loop3A_326 : vector<16xi32>
          %parallel_loop3A_328 = arith.constant 11 : i32
          %parallel_loop3A_329 = vector.broadcast %parallel_loop3A_328 : i32 to vector<16xi32>
          %parallel_loop3A_330 = arith.shli %parallel_loop3A_187, %parallel_loop3A_329 : vector<16xi32>
          %parallel_loop3A_331 = arith.constant 21 : i32
          %parallel_loop3A_332 = vector.broadcast %parallel_loop3A_331 : i32 to vector<16xi32>
          %parallel_loop3A_333 = arith.shrui %parallel_loop3A_330, %parallel_loop3A_332 : vector<16xi32>
          %parallel_loop3A_334 = tpu.bitcast %parallel_loop3A_333 : vector<16xi32> -> vector<16xi32>
          %parallel_loop3A_335 = arith.ori %mul3A_3, %parallel_loop3A_334 : vector<16xi32>
          %parallel_loop3A_336 = arith.constant 11 : i32
          %parallel_loop3A_337 = vector.broadcast %parallel_loop3A_336 : i32 to vector<16xi32>
          %parallel_loop3A_338 = arith.shli %parallel_loop3A_198, %parallel_loop3A_337 : vector<16xi32>
          %parallel_loop3A_339 = arith.constant 21 : i32
          %parallel_loop3A_340 = vector.broadcast %parallel_loop3A_339 : i32 to vector<16xi32>
          %parallel_loop3A_341 = arith.shrui %parallel_loop3A_338, %parallel_loop3A_340 : vector<16xi32>
          %parallel_loop3A_342 = tpu.bitcast %parallel_loop3A_341 : vector<16xi32> -> vector<16xi32>
          %parallel_loop3A_343 = arith.ori %mul3A_3, %parallel_loop3A_342 : vector<16xi32>
          %parallel_loop3A_344 = arith.constant 11 : i32
          %parallel_loop3A_345 = vector.broadcast %parallel_loop3A_344 : i32 to vector<16xi32>
          %parallel_loop3A_346 = arith.shli %parallel_loop3A_209, %parallel_loop3A_345 : vector<16xi32>
          %parallel_loop3A_347 = arith.constant 21 : i32
          %parallel_loop3A_348 = vector.broadcast %parallel_loop3A_347 : i32 to vector<16xi32>
          %parallel_loop3A_349 = arith.shrui %parallel_loop3A_346, %parallel_loop3A_348 : vector<16xi32>
          %parallel_loop3A_350 = tpu.bitcast %parallel_loop3A_349 : vector<16xi32> -> vector<16xi32>
          %parallel_loop3A_351 = arith.ori %mul3A_3, %parallel_loop3A_350 : vector<16xi32>
          %parallel_loop3A_352 = arith.constant 11 : i32
          %parallel_loop3A_353 = vector.broadcast %parallel_loop3A_352 : i32 to vector<16xi32>
          %parallel_loop3A_354 = arith.shli %parallel_loop3A_220, %parallel_loop3A_353 : vector<16xi32>
          %parallel_loop3A_355 = arith.constant 21 : i32
          %parallel_loop3A_356 = vector.broadcast %parallel_loop3A_355 : i32 to vector<16xi32>
          %parallel_loop3A_357 = arith.shrui %parallel_loop3A_354, %parallel_loop3A_356 : vector<16xi32>
          %parallel_loop3A_358 = tpu.bitcast %parallel_loop3A_357 : vector<16xi32> -> vector<16xi32>
          %parallel_loop3A_359 = arith.ori %mul3A_3, %parallel_loop3A_358 : vector<16xi32>
          %parallel_loop3A_360 = arith.constant 11 : i32
          %parallel_loop3A_361 = vector.broadcast %parallel_loop3A_360 : i32 to vector<16xi32>
          %parallel_loop3A_362 = arith.shli %parallel_loop3A_231, %parallel_loop3A_361 : vector<16xi32>
          %parallel_loop3A_363 = arith.constant 21 : i32
          %parallel_loop3A_364 = vector.broadcast %parallel_loop3A_363 : i32 to vector<16xi32>
          %parallel_loop3A_365 = arith.shrui %parallel_loop3A_362, %parallel_loop3A_364 : vector<16xi32>
          %parallel_loop3A_366 = tpu.bitcast %parallel_loop3A_365 : vector<16xi32> -> vector<16xi32>
          %parallel_loop3A_367 = arith.ori %mul3A_3, %parallel_loop3A_366 : vector<16xi32>
          %parallel_loop3A_368 = arith.constant 11 : i32
          %parallel_loop3A_369 = vector.broadcast %parallel_loop3A_368 : i32 to vector<16xi32>
          %parallel_loop3A_370 = arith.shli %parallel_loop3A_242, %parallel_loop3A_369 : vector<16xi32>
          %parallel_loop3A_371 = arith.constant 21 : i32
          %parallel_loop3A_372 = vector.broadcast %parallel_loop3A_371 : i32 to vector<16xi32>
          %parallel_loop3A_373 = arith.shrui %parallel_loop3A_370, %parallel_loop3A_372 : vector<16xi32>
          %parallel_loop3A_374 = tpu.bitcast %parallel_loop3A_373 : vector<16xi32> -> vector<16xi32>
          %parallel_loop3A_375 = arith.ori %mul3A_3, %parallel_loop3A_374 : vector<16xi32>
          %parallel_loop3A_376 = arith.constant 11 : i32
          %parallel_loop3A_377 = vector.broadcast %parallel_loop3A_376 : i32 to vector<16xi32>
          %parallel_loop3A_378 = arith.shli %parallel_loop3A_253, %parallel_loop3A_377 : vector<16xi32>
          %parallel_loop3A_379 = arith.constant 21 : i32
          %parallel_loop3A_380 = vector.broadcast %parallel_loop3A_379 : i32 to vector<16xi32>
          %parallel_loop3A_381 = arith.shrui %parallel_loop3A_378, %parallel_loop3A_380 : vector<16xi32>
          %parallel_loop3A_382 = tpu.bitcast %parallel_loop3A_381 : vector<16xi32> -> vector<16xi32>
          %parallel_loop3A_383 = arith.ori %mul3A_3, %parallel_loop3A_382 : vector<16xi32>
          %parallel_loop3A_384 = arith.constant 11 : i32
          %parallel_loop3A_385 = vector.broadcast %parallel_loop3A_384 : i32 to vector<16xi32>
          %parallel_loop3A_386 = arith.shli %parallel_loop3A_264, %parallel_loop3A_385 : vector<16xi32>
          %parallel_loop3A_387 = arith.constant 21 : i32
          %parallel_loop3A_388 = vector.broadcast %parallel_loop3A_387 : i32 to vector<16xi32>
          %parallel_loop3A_389 = arith.shrui %parallel_loop3A_386, %parallel_loop3A_388 : vector<16xi32>
          %parallel_loop3A_390 = tpu.bitcast %parallel_loop3A_389 : vector<16xi32> -> vector<16xi32>
          %parallel_loop3A_391 = arith.ori %mul3A_3, %parallel_loop3A_390 : vector<16xi32>
          %parallel_loop3A_392 = arith.constant 11 : i32
          %parallel_loop3A_393 = vector.broadcast %parallel_loop3A_392 : i32 to vector<16xi32>
          %parallel_loop3A_394 = arith.shli %parallel_loop3A_275, %parallel_loop3A_393 : vector<16xi32>
          %parallel_loop3A_395 = arith.constant 21 : i32
          %parallel_loop3A_396 = vector.broadcast %parallel_loop3A_395 : i32 to vector<16xi32>
          %parallel_loop3A_397 = arith.shrui %parallel_loop3A_394, %parallel_loop3A_396 : vector<16xi32>
          %parallel_loop3A_398 = tpu.bitcast %parallel_loop3A_397 : vector<16xi32> -> vector<16xi32>
          %parallel_loop3A_399 = arith.ori %mul3A_3, %parallel_loop3A_398 : vector<16xi32>
          %parallel_loop3A_400 = arith.constant 11 : i32
          %parallel_loop3A_401 = vector.broadcast %parallel_loop3A_400 : i32 to vector<16xi32>
          %parallel_loop3A_402 = arith.shli %parallel_loop3A_286, %parallel_loop3A_401 : vector<16xi32>
          %parallel_loop3A_403 = arith.constant 21 : i32
          %parallel_loop3A_404 = vector.broadcast %parallel_loop3A_403 : i32 to vector<16xi32>
          %parallel_loop3A_405 = arith.shrui %parallel_loop3A_402, %parallel_loop3A_404 : vector<16xi32>
          %parallel_loop3A_406 = tpu.bitcast %parallel_loop3A_405 : vector<16xi32> -> vector<16xi32>
          %parallel_loop3A_407 = arith.ori %mul3A_3, %parallel_loop3A_406 : vector<16xi32>
          %parallel_loop3A_408 = arith.constant 11 : i32
          %parallel_loop3A_409 = vector.broadcast %parallel_loop3A_408 : i32 to vector<16xi32>
          %parallel_loop3A_410 = arith.shli %parallel_loop3A_297, %parallel_loop3A_409 : vector<16xi32>
          %parallel_loop3A_411 = arith.constant 21 : i32
          %parallel_loop3A_412 = vector.broadcast %parallel_loop3A_411 : i32 to vector<16xi32>
          %parallel_loop3A_413 = arith.shrui %parallel_loop3A_410, %parallel_loop3A_412 : vector<16xi32>
          %parallel_loop3A_414 = tpu.bitcast %parallel_loop3A_413 : vector<16xi32> -> vector<16xi32>
          %parallel_loop3A_415 = arith.ori %mul3A_3, %parallel_loop3A_414 : vector<16xi32>
          %parallel_loop3A_416 = arith.constant 11 : i32
          %parallel_loop3A_417 = vector.broadcast %parallel_loop3A_416 : i32 to vector<16xi32>
          %parallel_loop3A_418 = arith.shli %parallel_loop3A_308, %parallel_loop3A_417 : vector<16xi32>
          %parallel_loop3A_419 = arith.constant 21 : i32
          %parallel_loop3A_420 = vector.broadcast %parallel_loop3A_419 : i32 to vector<16xi32>
          %parallel_loop3A_421 = arith.shrui %parallel_loop3A_418, %parallel_loop3A_420 : vector<16xi32>
          %parallel_loop3A_422 = tpu.bitcast %parallel_loop3A_421 : vector<16xi32> -> vector<16xi32>
          %parallel_loop3A_423 = arith.ori %mul3A_3, %parallel_loop3A_422 : vector<16xi32>
          %parallel_loop3A_424 = arith.constant 11 : i32
          %parallel_loop3A_425 = vector.broadcast %parallel_loop3A_424 : i32 to vector<16xi32>
          %parallel_loop3A_426 = arith.shli %parallel_loop3A_319, %parallel_loop3A_425 : vector<16xi32>
          %parallel_loop3A_427 = arith.constant 21 : i32
          %parallel_loop3A_428 = vector.broadcast %parallel_loop3A_427 : i32 to vector<16xi32>
          %parallel_loop3A_429 = arith.shrui %parallel_loop3A_426, %parallel_loop3A_428 : vector<16xi32>
          %parallel_loop3A_430 = tpu.bitcast %parallel_loop3A_429 : vector<16xi32> -> vector<16xi32>
          %parallel_loop3A_431 = arith.ori %mul3A_3, %parallel_loop3A_430 : vector<16xi32>
          %parallel_loop3A_432 = arith.constant 21 : i32
          %parallel_loop3A_433 = vector.broadcast %parallel_loop3A_432 : i32 to vector<16xi32>
          %parallel_loop3A_434 = arith.shrui %parallel_loop3A_176, %parallel_loop3A_433 : vector<16xi32>
          %parallel_loop3A_435 = arith.cmpi eq, %parallel_loop3A_434, %get3A_48 : vector<16xi32>
          %parallel_loop3A_436 = arith.constant 21 : i32
          %parallel_loop3A_437 = vector.broadcast %parallel_loop3A_436 : i32 to vector<16xi32>
          %parallel_loop3A_438 = arith.shrui %parallel_loop3A_187, %parallel_loop3A_437 : vector<16xi32>
          %parallel_loop3A_439 = arith.cmpi eq, %parallel_loop3A_438, %get3A_48 : vector<16xi32>
          %parallel_loop3A_440 = arith.constant 21 : i32
          %parallel_loop3A_441 = vector.broadcast %parallel_loop3A_440 : i32 to vector<16xi32>
          %parallel_loop3A_442 = arith.shrui %parallel_loop3A_198, %parallel_loop3A_441 : vector<16xi32>
          %parallel_loop3A_443 = arith.cmpi eq, %parallel_loop3A_442, %get3A_48 : vector<16xi32>
          %parallel_loop3A_444 = arith.constant 21 : i32
          %parallel_loop3A_445 = vector.broadcast %parallel_loop3A_444 : i32 to vector<16xi32>
          %parallel_loop3A_446 = arith.shrui %parallel_loop3A_209, %parallel_loop3A_445 : vector<16xi32>
          %parallel_loop3A_447 = arith.cmpi eq, %parallel_loop3A_446, %get3A_48 : vector<16xi32>
          %parallel_loop3A_448 = arith.constant 21 : i32
          %parallel_loop3A_449 = vector.broadcast %parallel_loop3A_448 : i32 to vector<16xi32>
          %parallel_loop3A_450 = arith.shrui %parallel_loop3A_220, %parallel_loop3A_449 : vector<16xi32>
          %parallel_loop3A_451 = arith.cmpi eq, %parallel_loop3A_450, %get3A_48 : vector<16xi32>
          %parallel_loop3A_452 = arith.constant 21 : i32
          %parallel_loop3A_453 = vector.broadcast %parallel_loop3A_452 : i32 to vector<16xi32>
          %parallel_loop3A_454 = arith.shrui %parallel_loop3A_231, %parallel_loop3A_453 : vector<16xi32>
          %parallel_loop3A_455 = arith.cmpi eq, %parallel_loop3A_454, %get3A_48 : vector<16xi32>
          %parallel_loop3A_456 = arith.constant 21 : i32
          %parallel_loop3A_457 = vector.broadcast %parallel_loop3A_456 : i32 to vector<16xi32>
          %parallel_loop3A_458 = arith.shrui %parallel_loop3A_242, %parallel_loop3A_457 : vector<16xi32>
          %parallel_loop3A_459 = arith.cmpi eq, %parallel_loop3A_458, %get3A_48 : vector<16xi32>
          %parallel_loop3A_460 = arith.constant 21 : i32
          %parallel_loop3A_461 = vector.broadcast %parallel_loop3A_460 : i32 to vector<16xi32>
          %parallel_loop3A_462 = arith.shrui %parallel_loop3A_253, %parallel_loop3A_461 : vector<16xi32>
          %parallel_loop3A_463 = arith.cmpi eq, %parallel_loop3A_462, %get3A_48 : vector<16xi32>
          %parallel_loop3A_464 = arith.constant 21 : i32
          %parallel_loop3A_465 = vector.broadcast %parallel_loop3A_464 : i32 to vector<16xi32>
          %parallel_loop3A_466 = arith.shrui %parallel_loop3A_264, %parallel_loop3A_465 : vector<16xi32>
          %parallel_loop3A_467 = arith.cmpi eq, %parallel_loop3A_466, %get3A_48 : vector<16xi32>
          %parallel_loop3A_468 = arith.constant 21 : i32
          %parallel_loop3A_469 = vector.broadcast %parallel_loop3A_468 : i32 to vector<16xi32>
          %parallel_loop3A_470 = arith.shrui %parallel_loop3A_275, %parallel_loop3A_469 : vector<16xi32>
          %parallel_loop3A_471 = arith.cmpi eq, %parallel_loop3A_470, %get3A_48 : vector<16xi32>
          %parallel_loop3A_472 = arith.constant 21 : i32
          %parallel_loop3A_473 = vector.broadcast %parallel_loop3A_472 : i32 to vector<16xi32>
          %parallel_loop3A_474 = arith.shrui %parallel_loop3A_286, %parallel_loop3A_473 : vector<16xi32>
          %parallel_loop3A_475 = arith.cmpi eq, %parallel_loop3A_474, %get3A_48 : vector<16xi32>
          %parallel_loop3A_476 = arith.constant 21 : i32
          %parallel_loop3A_477 = vector.broadcast %parallel_loop3A_476 : i32 to vector<16xi32>
          %parallel_loop3A_478 = arith.shrui %parallel_loop3A_297, %parallel_loop3A_477 : vector<16xi32>
          %parallel_loop3A_479 = arith.cmpi eq, %parallel_loop3A_478, %get3A_48 : vector<16xi32>
          %parallel_loop3A_480 = arith.constant 21 : i32
          %parallel_loop3A_481 = vector.broadcast %parallel_loop3A_480 : i32 to vector<16xi32>
          %parallel_loop3A_482 = arith.shrui %parallel_loop3A_308, %parallel_loop3A_481 : vector<16xi32>
          %parallel_loop3A_483 = arith.cmpi eq, %parallel_loop3A_482, %get3A_48 : vector<16xi32>
          %parallel_loop3A_484 = arith.constant 21 : i32
          %parallel_loop3A_485 = vector.broadcast %parallel_loop3A_484 : i32 to vector<16xi32>
          %parallel_loop3A_486 = arith.shrui %parallel_loop3A_319, %parallel_loop3A_485 : vector<16xi32>
          %parallel_loop3A_487 = arith.cmpi eq, %parallel_loop3A_486, %get3A_48 : vector<16xi32>
          tpu.vector_store_idx %arg8[%parallel_loop3A_327], %broadcast_in_dim3A_4 masked %parallel_loop3A_435 {add = true} : memref<32768xi32, #tpu.memory_space<vmem>>[vector<16xi32>], vector<16xi32>, vector<16xi1>
          tpu.vector_store_idx %arg8[%parallel_loop3A_335], %broadcast_in_dim3A_4 masked %parallel_loop3A_439 {add = true} : memref<32768xi32, #tpu.memory_space<vmem>>[vector<16xi32>], vector<16xi32>, vector<16xi1>
          tpu.vector_store_idx %arg8[%parallel_loop3A_343], %broadcast_in_dim3A_4 masked %parallel_loop3A_443 {add = true} : memref<32768xi32, #tpu.memory_space<vmem>>[vector<16xi32>], vector<16xi32>, vector<16xi1>
          tpu.vector_store_idx %arg8[%parallel_loop3A_351], %broadcast_in_dim3A_4 masked %parallel_loop3A_447 {add = true} : memref<32768xi32, #tpu.memory_space<vmem>>[vector<16xi32>], vector<16xi32>, vector<16xi1>
          tpu.vector_store_idx %arg8[%parallel_loop3A_359], %broadcast_in_dim3A_4 masked %parallel_loop3A_451 {add = true} : memref<32768xi32, #tpu.memory_space<vmem>>[vector<16xi32>], vector<16xi32>, vector<16xi1>
          tpu.vector_store_idx %arg8[%parallel_loop3A_367], %broadcast_in_dim3A_4 masked %parallel_loop3A_455 {add = true} : memref<32768xi32, #tpu.memory_space<vmem>>[vector<16xi32>], vector<16xi32>, vector<16xi1>
          tpu.vector_store_idx %arg8[%parallel_loop3A_375], %broadcast_in_dim3A_4 masked %parallel_loop3A_459 {add = true} : memref<32768xi32, #tpu.memory_space<vmem>>[vector<16xi32>], vector<16xi32>, vector<16xi1>
          tpu.vector_store_idx %arg8[%parallel_loop3A_383], %broadcast_in_dim3A_4 masked %parallel_loop3A_463 {add = true} : memref<32768xi32, #tpu.memory_space<vmem>>[vector<16xi32>], vector<16xi32>, vector<16xi1>
          tpu.vector_store_idx %arg8[%parallel_loop3A_391], %broadcast_in_dim3A_4 masked %parallel_loop3A_467 {add = true} : memref<32768xi32, #tpu.memory_space<vmem>>[vector<16xi32>], vector<16xi32>, vector<16xi1>
          tpu.vector_store_idx %arg8[%parallel_loop3A_399], %broadcast_in_dim3A_4 masked %parallel_loop3A_471 {add = true} : memref<32768xi32, #tpu.memory_space<vmem>>[vector<16xi32>], vector<16xi32>, vector<16xi1>
          tpu.vector_store_idx %arg8[%parallel_loop3A_407], %broadcast_in_dim3A_4 masked %parallel_loop3A_475 {add = true} : memref<32768xi32, #tpu.memory_space<vmem>>[vector<16xi32>], vector<16xi32>, vector<16xi1>
          tpu.vector_store_idx %arg8[%parallel_loop3A_415], %broadcast_in_dim3A_4 masked %parallel_loop3A_479 {add = true} : memref<32768xi32, #tpu.memory_space<vmem>>[vector<16xi32>], vector<16xi32>, vector<16xi1>
          tpu.vector_store_idx %arg8[%parallel_loop3A_423], %broadcast_in_dim3A_4 masked %parallel_loop3A_483 {add = true} : memref<32768xi32, #tpu.memory_space<vmem>>[vector<16xi32>], vector<16xi32>, vector<16xi1>
          tpu.vector_store_idx %arg8[%parallel_loop3A_431], %broadcast_in_dim3A_4 masked %parallel_loop3A_487 {add = true} : memref<32768xi32, #tpu.memory_space<vmem>>[vector<16xi32>], vector<16xi32>, vector<16xi1>
        } {sc.loop_unroll_factor = 1 : i64, sc.parallel_access}
        %scan3A_108 = arith.constant 0 : i32
        scf.yield %scan3A_108 : i32
      }
      %scan3A_55 = arith.constant 6 : i32
      %scan3A_56 = arith.constant 0 : i32
      %scan3A_57 = arith.constant 0 : i32
      %scan3A_58 = arith.constant 128 : i32
      %scan3A_59 = arith.addi %scan3A_57, %scan3A_58 : i32
      %scan3A_60 = arith.constant 1 : i32
      %scan3A_61 = scf.for %scan3A_69 = %scan3A_57 to %scan3A_59 step %scan3A_60 iter_args(%scan3A_70 = %scan3A_56) -> (i32)  : i32 {
        %mul3A_71 = arith.constant 16 : i32
        %mul3A_72 = arith.muli %scan3A_69, %mul3A_71 : i32
        %add3A_73 = arith.constant 0 : i32
        %add3A_74 = arith.addi %add3A_73, %mul3A_72 : i32
        %get3A_75 = arith.index_cast %add3A_74 : i32 to index
        %get3A_76 = tpu.vector_load %arg8[%get3A_75] {strides = array<i32>} : memref<32768xi32, #tpu.memory_space<vmem>>, vector<16xi32>,
        %add3A_77 = arith.addi %broadcast_in_dim3A_6, %get3A_76 : vector<16xi32>
        %swap3A = arith.index_cast %add3A_74 : i32 to index
        %swap3A_78 = tpu.vector_load %arg8[%swap3A] {strides = array<i32>} : memref<32768xi32, #tpu.memory_space<vmem>>, vector<16xi32>,
        tpu.vector_store %arg8[%swap3A], %broadcast_in_dim3A_6 {strides = array<i32>} : memref<32768xi32, #tpu.memory_space<vmem>>, vector<16xi32>,
        %mul3A_79 = arith.constant 16 : i32
        %mul3A_80 = arith.muli %scan3A_69, %mul3A_79 : i32
        %add3A_81 = arith.constant 2048 : i32
        %add3A_82 = arith.addi %add3A_81, %mul3A_80 : i32
        %get3A_83 = arith.index_cast %add3A_82 : i32 to index
        %get3A_84 = tpu.vector_load %arg8[%get3A_83] {strides = array<i32>} : memref<32768xi32, #tpu.memory_space<vmem>>, vector<16xi32>,
        %add3A_85 = arith.addi %add3A_77, %get3A_84 : vector<16xi32>
        %swap3A_86 = arith.index_cast %add3A_82 : i32 to index
        %swap3A_87 = tpu.vector_load %arg8[%swap3A_86] {strides = array<i32>} : memref<32768xi32, #tpu.memory_space<vmem>>, vector<16xi32>,
        tpu.vector_store %arg8[%swap3A_86], %broadcast_in_dim3A_6 {strides = array<i32>} : memref<32768xi32, #tpu.memory_space<vmem>>, vector<16xi32>,
        %mul3A_88 = arith.constant 16 : i32
        %mul3A_89 = arith.muli %scan3A_69, %mul3A_88 : i32
        %add3A_90 = arith.constant 4096 : i32
        %add3A_91 = arith.addi %add3A_90, %mul3A_89 : i32
        %get3A_92 = arith.index_cast %add3A_91 : i32 to index
        %get3A_93 = tpu.vector_load %arg8[%get3A_92] {strides = array<i32>} : memref<32768xi32, #tpu.memory_space<vmem>>, vector<16xi32>,
        %add3A_94 = arith.addi %add3A_85, %get3A_93 : vector<16xi32>
        %swap3A_95 = arith.index_cast %add3A_91 : i32 to index
        %swap3A_96 = tpu.vector_load %arg8[%swap3A_95] {strides = array<i32>} : memref<32768xi32, #tpu.memory_space<vmem>>, vector<16xi32>,
        tpu.vector_store %arg8[%swap3A_95], %broadcast_in_dim3A_6 {strides = array<i32>} : memref<32768xi32, #tpu.memory_space<vmem>>, vector<16xi32>,
        %mul3A_97 = arith.constant 16 : i32
        %mul3A_98 = arith.muli %scan3A_69, %mul3A_97 : i32
        %add3A_99 = arith.constant 6144 : i32
        %add3A_100 = arith.addi %add3A_99, %mul3A_98 : i32
        %get3A_101 = arith.index_cast %add3A_100 : i32 to index
        %get3A_102 = tpu.vector_load %arg8[%get3A_101] {strides = array<i32>} : memref<32768xi32, #tpu.memory_space<vmem>>, vector<16xi32>,
        %add3A_103 = arith.addi %add3A_94, %get3A_102 : vector<16xi32>
        %swap3A_104 = arith.index_cast %add3A_100 : i32 to index
        %swap3A_105 = tpu.vector_load %arg8[%swap3A_104] {strides = array<i32>} : memref<32768xi32, #tpu.memory_space<vmem>>, vector<16xi32>,
        tpu.vector_store %arg8[%swap3A_104], %broadcast_in_dim3A_6 {strides = array<i32>} : memref<32768xi32, #tpu.memory_space<vmem>>, vector<16xi32>,
        %mul3A_106 = arith.constant 16 : i32
        %mul3A_107 = arith.muli %scan3A_69, %mul3A_106 : i32
        %add3A_108 = arith.constant 8192 : i32
        %add3A_109 = arith.addi %add3A_108, %mul3A_107 : i32
        %get3A_110 = arith.index_cast %add3A_109 : i32 to index
        %get3A_111 = tpu.vector_load %arg8[%get3A_110] {strides = array<i32>} : memref<32768xi32, #tpu.memory_space<vmem>>, vector<16xi32>,
        %add3A_112 = arith.addi %add3A_103, %get3A_111 : vector<16xi32>
        %swap3A_113 = arith.index_cast %add3A_109 : i32 to index
        %swap3A_114 = tpu.vector_load %arg8[%swap3A_113] {strides = array<i32>} : memref<32768xi32, #tpu.memory_space<vmem>>, vector<16xi32>,
        tpu.vector_store %arg8[%swap3A_113], %broadcast_in_dim3A_6 {strides = array<i32>} : memref<32768xi32, #tpu.memory_space<vmem>>, vector<16xi32>,
        %mul3A_115 = arith.constant 16 : i32
        %mul3A_116 = arith.muli %scan3A_69, %mul3A_115 : i32
        %add3A_117 = arith.constant 10240 : i32
        %add3A_118 = arith.addi %add3A_117, %mul3A_116 : i32
        %get3A_119 = arith.index_cast %add3A_118 : i32 to index
        %get3A_120 = tpu.vector_load %arg8[%get3A_119] {strides = array<i32>} : memref<32768xi32, #tpu.memory_space<vmem>>, vector<16xi32>,
        %add3A_121 = arith.addi %add3A_112, %get3A_120 : vector<16xi32>
        %swap3A_122 = arith.index_cast %add3A_118 : i32 to index
        %swap3A_123 = tpu.vector_load %arg8[%swap3A_122] {strides = array<i32>} : memref<32768xi32, #tpu.memory_space<vmem>>, vector<16xi32>,
        tpu.vector_store %arg8[%swap3A_122], %broadcast_in_dim3A_6 {strides = array<i32>} : memref<32768xi32, #tpu.memory_space<vmem>>, vector<16xi32>,
        %mul3A_124 = arith.constant 16 : i32
        %mul3A_125 = arith.muli %scan3A_69, %mul3A_124 : i32
        %add3A_126 = arith.constant 12288 : i32
        %add3A_127 = arith.addi %add3A_126, %mul3A_125 : i32
        %get3A_128 = arith.index_cast %add3A_127 : i32 to index
        %get3A_129 = tpu.vector_load %arg8[%get3A_128] {strides = array<i32>} : memref<32768xi32, #tpu.memory_space<vmem>>, vector<16xi32>,
        %add3A_130 = arith.addi %add3A_121, %get3A_129 : vector<16xi32>
        %swap3A_131 = arith.index_cast %add3A_127 : i32 to index
        %swap3A_132 = tpu.vector_load %arg8[%swap3A_131] {strides = array<i32>} : memref<32768xi32, #tpu.memory_space<vmem>>, vector<16xi32>,
        tpu.vector_store %arg8[%swap3A_131], %broadcast_in_dim3A_6 {strides = array<i32>} : memref<32768xi32, #tpu.memory_space<vmem>>, vector<16xi32>,
        %mul3A_133 = arith.constant 16 : i32
        %mul3A_134 = arith.muli %scan3A_69, %mul3A_133 : i32
        %add3A_135 = arith.constant 14336 : i32
        %add3A_136 = arith.addi %add3A_135, %mul3A_134 : i32
        %get3A_137 = arith.index_cast %add3A_136 : i32 to index
        %get3A_138 = tpu.vector_load %arg8[%get3A_137] {strides = array<i32>} : memref<32768xi32, #tpu.memory_space<vmem>>, vector<16xi32>,
        %add3A_139 = arith.addi %add3A_130, %get3A_138 : vector<16xi32>
        %swap3A_140 = arith.index_cast %add3A_136 : i32 to index
        %swap3A_141 = tpu.vector_load %arg8[%swap3A_140] {strides = array<i32>} : memref<32768xi32, #tpu.memory_space<vmem>>, vector<16xi32>,
        tpu.vector_store %arg8[%swap3A_140], %broadcast_in_dim3A_6 {strides = array<i32>} : memref<32768xi32, #tpu.memory_space<vmem>>, vector<16xi32>,
        %mul3A_142 = arith.constant 16 : i32
        %mul3A_143 = arith.muli %scan3A_69, %mul3A_142 : i32
        %add3A_144 = arith.constant 16384 : i32
        %add3A_145 = arith.addi %add3A_144, %mul3A_143 : i32
        %get3A_146 = arith.index_cast %add3A_145 : i32 to index
        %get3A_147 = tpu.vector_load %arg8[%get3A_146] {strides = array<i32>} : memref<32768xi32, #tpu.memory_space<vmem>>, vector<16xi32>,
        %add3A_148 = arith.addi %add3A_139, %get3A_147 : vector<16xi32>
        %swap3A_149 = arith.index_cast %add3A_145 : i32 to index
        %swap3A_150 = tpu.vector_load %arg8[%swap3A_149] {strides = array<i32>} : memref<32768xi32, #tpu.memory_space<vmem>>, vector<16xi32>,
        tpu.vector_store %arg8[%swap3A_149], %broadcast_in_dim3A_6 {strides = array<i32>} : memref<32768xi32, #tpu.memory_space<vmem>>, vector<16xi32>,
        %mul3A_151 = arith.constant 16 : i32
        %mul3A_152 = arith.muli %scan3A_69, %mul3A_151 : i32
        %add3A_153 = arith.constant 18432 : i32
        %add3A_154 = arith.addi %add3A_153, %mul3A_152 : i32
        %get3A_155 = arith.index_cast %add3A_154 : i32 to index
        %get3A_156 = tpu.vector_load %arg8[%get3A_155] {strides = array<i32>} : memref<32768xi32, #tpu.memory_space<vmem>>, vector<16xi32>,
        %add3A_157 = arith.addi %add3A_148, %get3A_156 : vector<16xi32>
        %swap3A_158 = arith.index_cast %add3A_154 : i32 to index
        %swap3A_159 = tpu.vector_load %arg8[%swap3A_158] {strides = array<i32>} : memref<32768xi32, #tpu.memory_space<vmem>>, vector<16xi32>,
        tpu.vector_store %arg8[%swap3A_158], %broadcast_in_dim3A_6 {strides = array<i32>} : memref<32768xi32, #tpu.memory_space<vmem>>, vector<16xi32>,
        %mul3A_160 = arith.constant 16 : i32
        %mul3A_161 = arith.muli %scan3A_69, %mul3A_160 : i32
        %add3A_162 = arith.constant 20480 : i32
        %add3A_163 = arith.addi %add3A_162, %mul3A_161 : i32
        %get3A_164 = arith.index_cast %add3A_163 : i32 to index
        %get3A_165 = tpu.vector_load %arg8[%get3A_164] {strides = array<i32>} : memref<32768xi32, #tpu.memory_space<vmem>>, vector<16xi32>,
        %add3A_166 = arith.addi %add3A_157, %get3A_165 : vector<16xi32>
        %swap3A_167 = arith.index_cast %add3A_163 : i32 to index
        %swap3A_168 = tpu.vector_load %arg8[%swap3A_167] {strides = array<i32>} : memref<32768xi32, #tpu.memory_space<vmem>>, vector<16xi32>,
        tpu.vector_store %arg8[%swap3A_167], %broadcast_in_dim3A_6 {strides = array<i32>} : memref<32768xi32, #tpu.memory_space<vmem>>, vector<16xi32>,
        %mul3A_169 = arith.constant 16 : i32
        %mul3A_170 = arith.muli %scan3A_69, %mul3A_169 : i32
        %add3A_171 = arith.constant 22528 : i32
        %add3A_172 = arith.addi %add3A_171, %mul3A_170 : i32
        %get3A_173 = arith.index_cast %add3A_172 : i32 to index
        %get3A_174 = tpu.vector_load %arg8[%get3A_173] {strides = array<i32>} : memref<32768xi32, #tpu.memory_space<vmem>>, vector<16xi32>,
        %add3A_175 = arith.addi %add3A_166, %get3A_174 : vector<16xi32>
        %swap3A_176 = arith.index_cast %add3A_172 : i32 to index
        %swap3A_177 = tpu.vector_load %arg8[%swap3A_176] {strides = array<i32>} : memref<32768xi32, #tpu.memory_space<vmem>>, vector<16xi32>,
        tpu.vector_store %arg8[%swap3A_176], %broadcast_in_dim3A_6 {strides = array<i32>} : memref<32768xi32, #tpu.memory_space<vmem>>, vector<16xi32>,
        %mul3A_178 = arith.constant 16 : i32
        %mul3A_179 = arith.muli %scan3A_69, %mul3A_178 : i32
        %add3A_180 = arith.constant 24576 : i32
        %add3A_181 = arith.addi %add3A_180, %mul3A_179 : i32
        %get3A_182 = arith.index_cast %add3A_181 : i32 to index
        %get3A_183 = tpu.vector_load %arg8[%get3A_182] {strides = array<i32>} : memref<32768xi32, #tpu.memory_space<vmem>>, vector<16xi32>,
        %add3A_184 = arith.addi %add3A_175, %get3A_183 : vector<16xi32>
        %swap3A_185 = arith.index_cast %add3A_181 : i32 to index
        %swap3A_186 = tpu.vector_load %arg8[%swap3A_185] {strides = array<i32>} : memref<32768xi32, #tpu.memory_space<vmem>>, vector<16xi32>,
        tpu.vector_store %arg8[%swap3A_185], %broadcast_in_dim3A_6 {strides = array<i32>} : memref<32768xi32, #tpu.memory_space<vmem>>, vector<16xi32>,
        %mul3A_187 = arith.constant 16 : i32
        %mul3A_188 = arith.muli %scan3A_69, %mul3A_187 : i32
        %add3A_189 = arith.constant 26624 : i32
        %add3A_190 = arith.addi %add3A_189, %mul3A_188 : i32
        %get3A_191 = arith.index_cast %add3A_190 : i32 to index
        %get3A_192 = tpu.vector_load %arg8[%get3A_191] {strides = array<i32>} : memref<32768xi32, #tpu.memory_space<vmem>>, vector<16xi32>,
        %add3A_193 = arith.addi %add3A_184, %get3A_192 : vector<16xi32>
        %swap3A_194 = arith.index_cast %add3A_190 : i32 to index
        %swap3A_195 = tpu.vector_load %arg8[%swap3A_194] {strides = array<i32>} : memref<32768xi32, #tpu.memory_space<vmem>>, vector<16xi32>,
        tpu.vector_store %arg8[%swap3A_194], %broadcast_in_dim3A_6 {strides = array<i32>} : memref<32768xi32, #tpu.memory_space<vmem>>, vector<16xi32>,
        %mul3A_196 = arith.constant 16 : i32
        %mul3A_197 = arith.muli %scan3A_69, %mul3A_196 : i32
        %add3A_198 = arith.constant 28672 : i32
        %add3A_199 = arith.addi %add3A_198, %mul3A_197 : i32
        %get3A_200 = arith.index_cast %add3A_199 : i32 to index
        %get3A_201 = tpu.vector_load %arg8[%get3A_200] {strides = array<i32>} : memref<32768xi32, #tpu.memory_space<vmem>>, vector<16xi32>,
        %add3A_202 = arith.addi %add3A_193, %get3A_201 : vector<16xi32>
        %swap3A_203 = arith.index_cast %add3A_199 : i32 to index
        %swap3A_204 = tpu.vector_load %arg8[%swap3A_203] {strides = array<i32>} : memref<32768xi32, #tpu.memory_space<vmem>>, vector<16xi32>,
        tpu.vector_store %arg8[%swap3A_203], %broadcast_in_dim3A_6 {strides = array<i32>} : memref<32768xi32, #tpu.memory_space<vmem>>, vector<16xi32>,
        %mul3A_205 = arith.constant 16 : i32
        %mul3A_206 = arith.muli %scan3A_69, %mul3A_205 : i32
        %add3A_207 = arith.constant 30720 : i32
        %add3A_208 = arith.addi %add3A_207, %mul3A_206 : i32
        %get3A_209 = arith.index_cast %add3A_208 : i32 to index
        %get3A_210 = tpu.vector_load %arg8[%get3A_209] {strides = array<i32>} : memref<32768xi32, #tpu.memory_space<vmem>>, vector<16xi32>,
        %add3A_211 = arith.addi %add3A_202, %get3A_210 : vector<16xi32>
        %swap3A_212 = arith.index_cast %add3A_208 : i32 to index
        %swap3A_213 = tpu.vector_load %arg8[%swap3A_212] {strides = array<i32>} : memref<32768xi32, #tpu.memory_space<vmem>>, vector<16xi32>,
        tpu.vector_store %arg8[%swap3A_212], %broadcast_in_dim3A_6 {strides = array<i32>} : memref<32768xi32, #tpu.memory_space<vmem>>, vector<16xi32>,
        %mul3A_214 = arith.constant 16 : i32
        %mul3A_215 = arith.muli %scan3A_69, %mul3A_214 : i32
        %swap3A_216 = arith.index_cast %mul3A_215 : i32 to index
        %swap3A_217 = tpu.vector_load %arg7[%swap3A_216] {strides = array<i32>} : memref<2048xi32, #tpu.memory_space<vmem>>, vector<16xi32>,
        tpu.vector_store %arg7[%swap3A_216], %add3A_211 {strides = array<i32>} : memref<2048xi32, #tpu.memory_space<vmem>>, vector<16xi32>,
        %scan3A_218 = arith.constant 0 : i32
        scf.yield %scan3A_218 : i32
      }
      %scan3A_62 = arith.constant 128 : i32
      %mul3A_63 = arith.constant 8 : i32
      %mul3A_64 = arith.muli %add3A, %mul3A_63 : i32
      %add3A_65 = arith.addi %mul3A_64, %scan3A_44 : i32
      %mul3A_66 = arith.constant 2048 : i32
      %mul3A_67 = arith.muli %add3A_65, %mul3A_66 : i32
      "tpu.region"() ({
        %run_scoped3A = tpu.sem_alloc : memref<!tpu.dma_semaphore, #tpu.memory_space<semaphore_mem>>
        %dma_start3A_69 = tpu.memref_slice %arg4[%mul3A_67] : memref<524288xi32, #tpu.memory_space<hbm>> -> memref<2048xi32, #tpu.memory_space<hbm>>
        %dma_start3A_70 = tpu.memref_slice %arg4[%mul3A_67] : memref<524288xi32, #tpu.memory_space<hbm>> -> memref<2048xi32, #tpu.memory_space<hbm>>
        tpu.enqueue_dma source(%arg7 : memref<2048xi32, #tpu.memory_space<vmem>>) target(%dma_start3A_70 : memref<2048xi32, #tpu.memory_space<hbm>>) target_semaphore(%run_scoped3A : memref<!tpu.dma_semaphore, #tpu.memory_space<semaphore_mem>>)
        %dma_wait3A = tpu.memref_slice %arg4[%mul3A_67] : memref<524288xi32, #tpu.memory_space<hbm>> -> memref<2048xi32, #tpu.memory_space<hbm>>
        %dma_wait3A_71 = tpu.memref_slice %arg4[%mul3A_67] : memref<524288xi32, #tpu.memory_space<hbm>> -> memref<2048xi32, #tpu.memory_space<hbm>>
        tpu.wait_dma2 semaphore(%run_scoped3A : memref<!tpu.dma_semaphore, #tpu.memory_space<semaphore_mem>>) src(%arg7 : memref<2048xi32, #tpu.memory_space<vmem>>) dst(%dma_wait3A_71 : memref<2048xi32, #tpu.memory_space<hbm>>)
        tpu.yield
      }) : () -> ()
      %scan3A_68 = arith.constant 0 : i32
      scf.yield %scan3A_68 : i32
    }
    %scan3A_43 = arith.constant 8 : i32
    return
  }
}

module attributes {stable_mosaic.version = 14 : i64} {
  func.func @_mask_body(%arg0: i32, %arg1: i32, %arg2: memref<1x1x1x1xf32, #tpu.memory_space<smem>>, %arg3: memref<1x8x224x224xf32, #tpu.memory_space<vmem>>, %arg4: memref<1x8x224x224xf32, #tpu.memory_space<vmem>>) attributes {dimension_semantics = [#tpu.dimension_semantics<parallel>, #tpu.dimension_semantics<parallel>], iteration_bounds = array<i64: 8, 12>, scalar_prefetch = 0 : i64, scratch_operands = 0 : i64, tpu.core_type = #tpu.core_type<tc>, window_params = [{transform_indices = @transform_0, window_bounds = array<i64: 1, 1, 1, 1>}, {transform_indices = @transform_1, window_bounds = array<i64: 1, 8, 224, 224>}, {transform_indices = @transform_2, window_bounds = array<i64: 1, 8, 224, 224>}]} {
    %get3A = arith.constant 0 : index
    %get3A_0 = arith.constant 0 : index
    %get3A_1 = arith.constant 0 : index
    %get3A_2 = arith.constant 0 : index
    %get3A_3 = memref.load %arg2[%get3A, %get3A_0, %get3A_1, %get3A_2] : memref<1x1x1x1xf32, #tpu.memory_space<smem>>
    %get3A_4 = arith.constant 0 : index
    %get3A_5 = arith.constant 0 : index
    %get3A_6 = arith.constant 0 : index
    %get3A_7 = arith.constant 0 : index
    %get3A_8 = vector.load %arg3[%get3A_4, %get3A_5, %get3A_6, %get3A_7] : memref<1x8x224x224xf32, #tpu.memory_space<vmem>>, vector<1x8x224x224xf32>
    %ge3A = vector.broadcast %get3A_3 : f32 to vector<1x8x224x224xf32>
    %ge3A_9 = arith.cmpf oge, %get3A_8, %ge3A : vector<1x8x224x224xf32>
    %jit3A = arith.constant 0.000000e+00 : f32
    %broadcast_in_dim3A = vector.broadcast %jit3A : f32 to vector<1x8x224x224xf32>
    %select_n3A = arith.select %ge3A_9, %get3A_8, %broadcast_in_dim3A : vector<1x8x224x224xi1>, vector<1x8x224x224xf32>
    %swap3A = arith.constant 0 : index
    %swap3A_10 = arith.constant 0 : index
    %swap3A_11 = arith.constant 0 : index
    %swap3A_12 = arith.constant 0 : index
    %swap3A_13 = vector.load %arg4[%swap3A, %swap3A_10, %swap3A_11, %swap3A_12] : memref<1x8x224x224xf32, #tpu.memory_space<vmem>>, vector<1x8x224x224xf32>
    tpu.vector_store %arg4[%swap3A, %swap3A_10, %swap3A_11, %swap3A_12], %select_n3A {strides = array<i32>} : memref<1x8x224x224xf32, #tpu.memory_space<vmem>>, vector<1x8x224x224xf32>,
    return
  }
  func.func @transform_0(%arg0: i32, %arg1: i32) -> (i32, i32, i32, i32) {
    %c0_i32 = arith.constant 0 : i32
    %c0_i32_0 = arith.constant 0 : i32
    %c0_i32_1 = arith.constant 0 : i32
    %c0_i32_2 = arith.constant 0 : i32
    return %arg0, %c0_i32, %c0_i32_0, %c0_i32_1 : i32, i32, i32, i32
  }
  func.func @transform_1(%arg0: i32, %arg1: i32) -> (i32, i32, i32, i32) {
    %c0_i32 = arith.constant 0 : i32
    %c0_i32_0 = arith.constant 0 : i32
    %c0_i32_1 = arith.constant 0 : i32
    return %arg0, %arg1, %c0_i32, %c0_i32_0 : i32, i32, i32, i32
  }
  func.func @transform_2(%arg0: i32, %arg1: i32) -> (i32, i32, i32, i32) {
    %c0_i32 = arith.constant 0 : i32
    %c0_i32_0 = arith.constant 0 : i32
    %c0_i32_1 = arith.constant 0 : i32
    return %arg0, %arg1, %c0_i32, %c0_i32_0 : i32, i32, i32, i32
  }
}

</mosaic_0001>

<sc_bundles>
// kernel: kernel.12.cloned.1.call-start
scs
__scs_entry_jumppad:
0x0: {  	(pc) =	sbr.rel $0x88, $3  }
0x1: {  	(tag) =	ssettag $0x0;
	lr =	simm.s32 $0x1  }
0x2: {  	[smem:$0x3FA0] =	sst lr;
	_ =	strace $0xD0000000  }
0x3: {  	_ = 	snop  }
0x4: {  	_ = 	snop  }
0x5: {  	_ = 	snop  }
0x6: {  	_ = 	snop  }
0x7: {  	_ = 	snop  }
__scs_overlays_trampoline_lowered:
0x8: {  	[smem:$0x3FAF] =	sst s0  }
0x9: {  	[smem:$0x3FB0] =	sst s1  }
0xa: {  	[smem:$0x3FB1] =	sst s2  }
0xb: {  	[smem:$0x3FB2] =	sst s3  }
0xc: {  	[smem:$0x3FB3] =	sst s4  }
0xd: {  	[smem:$0x3FB4] =	sst s5  }
0xe: {  	[smem:$0x3FB5] =	sst s6  }
0xf: {  	[smem:$0x3FB6] =	sst s7  }
0x10: {  	[smem:$0x3FB7] =	sst s8  }
0x11: {  	[smem:$0x3FB8] =	sst s9;
	s0 =	simm.s32 @!p0 $0x0  }
0x12: {  	s1 =	sld [smem:$0x3F9E];
	s0 =	simm.s32 @p0 $0x1  }
0x13: {  	[smem:$0x3FB9] =	sst s0;
	s0 =	simm.s32 @!p1 $0x0  }
0x14: {  	s2 =	sld [smem:$0x3F9D];
	s0 =	simm.s32 @p1 $0x1  }
0x15: {  	[smem:$0x3FBA] =	sst s0;
	s0 =	simm.s32 @!p2 $0x0  }
0x16: {  	s3 =	sld [smem:$0x3FDB];
	s0 =	simm.s32 @p2 $0x1  }
0x17: {  	s4 =	simm.s32 $0x1BF5;
	[smem:$0x3FBC] =	sst s0  }
0x18: {  	s0 =	sld [smem:$0x3F9F];
	_ =	swait.ge [sflag:s4], $0x0  }
0x19: {  	s7 =	sld [smem:$0x3FA0]  }
0x1a: {  	s8 =	sadd.s32 $0xFFFFE003, lr  }
0x1b: {  	s9 =	sadd.s32 $0xFFFFFEF7, lr;
	s5 =	simm.s32 $0xFFFFFFFF;
	p2 =	slt.u32 s8, $0xFFFFF086  }
0x1c: {  	p1 =	slt.u32 s9, $0xF7A;
	s5 =	simm.s32 @!p2 $0x0  }
0x1d: {  	s5 =	simm.s32 @p1 $0x1;
	p0 =	seq.s32 s7, s2  }
0x1e: {  	s7 =	smul.u32 @!p0 $0xF7A, s2;
	p2 =	seq.s32 @!p0 s5, $0x0  }
0x1f: {  	s9 =	smul.u32 $0xF7A, s1;
	s8 =	simm.s32 @!p0 $0x1BF5;
	p2 =	por !p2, p0  }
0x20: {  	[sflag:s8] =	ssyncset.s32 @!p0 $0xFFFFF086;
	s6 =	sadd.s32 @!p0 s3, s7;
	s7 =	simm.s32 @!p0 $0x108  }
0x21: {  	s3 =	sadd.s32 s3, s9;
	s6 =	sadd.s32 @!p0 $0x88, s6;
	s7 =	simm.s32 @p2 $0x1082  }
0x22: {  	[simem:s7], [sflag:s8] =	dma.local @!p0 [hbm:s6], $0xF7A  }
0x23: {  	s9 =	sor.u32 $0xD0000000, s2;
	s6 =	simm.s32 $0x108;
	_ =	swait.ge @!p0 [sflag:s8], $0x0  }
0x24: {  	s3 =	sadd.s32 $0x88, s3;
	s6 =	simm.s32 @!p1 $0x1082;
	[sflag:s4] =	ssyncset.s32 $0xFFFFF086  }
0x25: {  	[simem:s6], [sflag:s4] =	dma.local [hbm:s3], $0xF7A  }
0x26: {  	[smem:$0x3FA0] =	sst s1;
	(tag) =	ssettag s2;
	_ =	strace s9  }
0x27: {  	s1 =	sld [smem:$0x3FB0]  }
0x28: {  	s2 =	sld [smem:$0x3FB1]  }
0x29: {  	s4 =	sld [smem:$0x3FB3]  }
0x2a: {  	p0 =	seq.s32 s5, $0x0;
	s5 =	sld [smem:$0x3FB4]  }
0x2b: {  	s6 =	sld [smem:$0x3FB5]  }
0x2c: {  	s7 =	sld [smem:$0x3FB6]  }
0x2d: {  	s3 =	simm.s32 $0x108;
	s8 =	sld [smem:$0x3FB7]  }
0x2e: {  	s3 =	simm.s32 @!p0 $0x1082;
	s9 =	sld [smem:$0x3FB8]  }
0x2f: {  	lr =	sadd.s32 s0, s3;
	s0 =	sld [smem:$0x3FAF]  }
0x30: {  	s3 =	sld [smem:$0x3FB2]  }
0x31: {  	[smem:$0x3FBB] =	sst s10  }
0x32: {  	s10 =	sld [smem:$0x3FB9];
	_ =	sdelay $0x3  }
0x33: {  	p0 =	seq.s32 s10, $0x1;
	s10 =	sld [smem:$0x3FBB];
	_ =	sdelay $0x3  }
0x34: {  	[smem:$0x3FBB] =	sst s10  }
0x35: {  	s10 =	sld [smem:$0x3FBA];
	_ =	sdelay $0x3  }
0x36: {  	p1 =	seq.s32 s10, $0x1;
	s10 =	sld [smem:$0x3FBB];
	_ =	sdelay $0x3  }
0x37: {  	[smem:$0x3FBB] =	sst s10  }
0x38: {  	s10 =	sld [smem:$0x3FBC]  }
0x39: {  	_ = 	snop;
	(pc) =	sbr.ind lr, $3  }
0x3a: {  	_ = 	snop  }
0x3b: {  	_ = 	snop  }
0x3c: {  	p2 =	seq.s32 s10, $0x1;
	s10 =	sld [smem:$0x3FBB]  }
0x3d: {  	_ =	shalt  }
0x3e: {  	_ =	shalt  }
0x3f: {  	_ =	shalt  }
0x40: {  	_ =	shalt  }
0x41: {  	_ =	shalt  }
0x42: {  	_ =	shalt  }
0x43: {  	_ =	shalt  }
0x44: {  	_ =	shalt  }
0x45: {  	_ =	shalt  }
0x46: {  	_ =	shalt  }
0x47: {  	_ =	shalt  }
0x48: {  	_ =	shalt  }
0x49: {  	_ =	shalt  }
0x4a: {  	_ =	shalt  }
0x4b: {  	_ =	shalt  }
0x4c: {  	_ =	shalt  }
0x4d: {  	_ =	shalt  }
0x4e: {  	_ =	shalt  }
0x4f: {  	_ =	shalt  }
0x50: {  	_ =	shalt  }
0x51: {  	_ =	shalt  }
0x52: {  	_ =	shalt  }
0x53: {  	_ =	shalt  }
0x54: {  	_ =	shalt  }
0x55: {  	_ =	shalt  }
0x56: {  	_ =	shalt  }
0x57: {  	_ =	shalt  }
0x58: {  	_ =	shalt  }
0x59: {  	_ =	shalt  }
0x5a: {  	_ =	shalt  }
0x5b: {  	_ =	shalt  }
0x5c: {  	_ =	shalt  }
0x5d: {  	_ =	shalt  }
0x5e: {  	_ =	shalt  }
0x5f: {  	_ =	shalt  }
0x60: {  	_ =	shalt  }
0x61: {  	_ =	shalt  }
0x62: {  	_ =	shalt  }
0x63: {  	_ =	shalt  }
0x64: {  	_ =	shalt  }
0x65: {  	_ =	shalt  }
0x66: {  	_ =	shalt  }
0x67: {  	_ =	shalt  }
0x68: {  	_ =	shalt  }
0x69: {  	_ =	shalt  }
0x6a: {  	_ =	shalt  }
0x6b: {  	_ =	shalt  }
0x6c: {  	_ =	shalt  }
0x6d: {  	_ =	shalt  }
0x6e: {  	_ =	shalt  }
0x6f: {  	_ =	shalt  }
0x70: {  	_ =	shalt  }
0x71: {  	_ =	shalt  }
0x72: {  	_ =	shalt  }
0x73: {  	_ =	shalt  }
0x74: {  	_ =	shalt  }
0x75: {  	_ =	shalt  }
0x76: {  	_ =	shalt  }
0x77: {  	_ =	shalt  }
0x78: {  	_ =	shalt  }
0x79: {  	_ =	shalt  }
0x7a: {  	_ =	shalt  }
0x7b: {  	_ =	shalt  }
0x7c: {  	_ =	shalt  }
0x7d: {  	_ =	shalt  }
0x7e: {  	_ =	shalt  }
0x7f: {  	_ =	shalt  }
0x80: {  	_ =	shalt  }
0x81: {  	_ =	shalt  }
0x82: {  	_ =	shalt  }
0x83: {  	_ =	shalt  }
0x84: {  	_ =	shalt  }
0x85: {  	_ =	shalt  }
0x86: {  	_ =	shalt  }
0x87: {  	_ =	shalt  }
.Lfunc_end0:
.L_simem_size_0:
called_computation.2_lowered:
.L_overlay_start_0:
0x88: {  	s2 =	sld [smem:$0x3FD9]  }
0x89: {  	s3 =	sld [smem:$0x3FFE];
	_ =	sdelay $0x1  }
0x8a: {  	s1 =	srdreg.scid  }
0x8b: {  	s0 =	sand.u32 $0x1, s1  }
0x8c: {  	s17 =	sshll.u32 s0, $0xA;
	s2 =	sadd.s32 s3, s2  }
0x8d: {  	s2 =	sadd.s32 s2, s17  }
0x8e: {  	[smem:$0x3FC7] =	sst s2  }
0x8f: {  	_ = 	snop  }
0x90: {  	s2 =	sld [smem:$0x3FC9]  }
0x91: {  	s18 =	sld [smem:$0x3FD0];
	(tm) =	ssettm $0x1  }
0x92: {  	s4 =	sld [smem:$0x3FFB];
	_ =	sdelay $0x3  }
0x93: {  	_ =	strace s4  }
0x94: {  	s4 =	sld [smem:$0x3FFC];
	_ =	sdelay $0x3  }
0x95: {  	_ =	strace s4  }
0x96: {  	s4 =	sld [smem:$0x3FFD];
	_ =	sdelay $0x3  }
0x97: {  	_ =	strace s4  }
0x98: {  	_ =	strace $0x8FFFFFFF  }
0x99: {  	s19 =	sld [smem:$0x3FDB];
	_ =	sdelay $0x1  }
0x9a: {  	s5 =	simm.s32 $_scs_section_size  }
0x9b: {  	s6 =	simm.s32 $_size__tile_overlayer_lowered;
	s7 =	simm.s32 $_tile_overlayer_lowered  }
0x9c: {  	s22 =	simm.s32 $0x1BFF;
	s21 =	sshll.u32 s7, $0x1;
	s4 =	sadd.s32 s5, s19  }
0x9d: {  	s8 =	simm.s32 $0x0;
	s20 =	sshll.u32 s6, $0x1;
	s6 =	sadd.s32 s21, s4  }
0x9e: {  	[timem:s8], [sflag:s22] =	dma.local [hbm:s6], s20  }
0x9f: {  	_ =	swait.ge [sflag:s22], s20  }
0xa0: {  	s5 =	ssub.s32 $0x0, s20;
	[sflag:s22] =	ssyncset.done $0x0  }
0xa1: {  	[sflag:s22] =	ssyncadd.s32 s5;
	_ =	sdelay $0x1  }
0xa2: {  	s23 =	simm.s32 $0x1B8B  }
0xa3: {  	_ =	swait.ge [sflag:s23], $0x1  }
0xa4: {  	[sflag:s23] =	ssyncset.done $0x0  }
0xa5: {  	s25 =	simm.s32 $0x1B8E;
	s24 =	sld [smem:$0x3FFE];
	[sflag:s23] =	ssyncadd.s32 $0xFFFFFFFF  }
0xa6: {  	s26 =	simm.s32 $execute0_lowered;
	[smem:$0x3FD2] =	sst s25  }
0xa7: {  	s6 =	sshll.u32 s26, $0x1;
	_ =	strace $0x8000004C;
	[dreg:$0x1] =	wrdreg $0xFFFFFFFF  }
0xa8: {  	s28 =	simm.s32 $_size_execute0_lowered;
	s4 =	sadd.s32 s4, s6;
	[dreg:$0x0] =	wrdreg $0x0  }
0xa9: {  	s6 =	sshll.u32 s28, $0x1;
	[dreg:$0x2] =	wrdreg s4  }
0xaa: {  	[dreg:$0x3] =	wrdreg s6  }
0xab: {  	[dreg:$0x4] =	wrdreg $0xC0  }
0xac: {  	_ =	task [dreg:s8], $0x5FFFF  }
0xad: {  	[dreg:$0x1] =	wrdreg $0xFFFFFFFF  }
0xae: {  	[dreg:$0x0] =	wrdreg $0x60  }
0xaf: {  	[dreg:$0x2] =	wrdreg s2  }
0xb0: {  	[dreg:$0x3] =	wrdreg s24  }
0xb1: {  	[dreg:$0x4] =	wrdreg s18  }
0xb2: {  	[dreg:$0x5] =	wrdreg $0x9  }
0xb3: {  	_ =	task.clear_ibuf [dreg:s8], $0x6FFFF;
	_ =	strace $0x9000004C  }
0xb4: {  	s29 =	simm.s32 $0x9;
	_ =	strace $0x8000004E  }
0xb5: {  	_ =	swait.ge [sflag:s29], $0x1  }
0xb6: {  	[sflag:s29] =	ssyncadd.s32 $0xFFFFFFFF  }
0xb7: {  	_ =	strace $0x9000004E  }
0xb8: {  	_ =	sfence  }
0xb9: {  	s30 =	sld [smem:$0x0];
	_ =	sdelay $0x2  }
0xba: {  	s31 =	sshll.u32 s1, $0xD;
	s1 =	sshrl.u32 s1, $0x2  }
0xbb: {  	s3 =	sand.u32 $0x4000, s31;
	s1 =	sadd.s32 s1, s30  }
0xbc: {  	s0 =	sor.u32 s3, s0;
	s1 =	sshll.u32 s1, $0x11  }
0xbd: {  	s0 =	sor.u32 s1, s0  }
0xbe: {  	s0 =	sadd.s32 $0x8F2B, s0  }
0xbf: {  	[sflag:s0] =	ssyncadd.remote.s32 $0x1  }
0xc0: {  	_ =	sfence.sel $0xFFFF  }
0xc1: {  	[dreg:$0x0] =	wrdreg $0xFFFFFFFF;
	(pc) =	sbr.abs _section_cstart, $3  }
0xc2: {  	[dreg:$0x1] =	wrdreg $0xFFFFFFFF  }
0xc3: {  	_ =	task.clear_ibuf [dreg:s8], $0x2FFFF;
	_ =	strace $0x9FFFFFFF  }
0xc4: {  	(tm) =	ssettm $0x7FFFFFFF  }
0xc5: {  	_ =	shalt  }
tec
execute0_lowered:
.L_overlay_start_1:
0x0: {  	(tag) =	ssettag $0x1  }
0x1: {  	s1 =	rddreg [dreg:$0x0]  }
0x2: {  	s4 =	rddreg [dreg:$0x1];
	s0 =	srdreg.scid  }
0x3: {  	s8 =	rddreg [dreg:$0x2];
	s2 =	stileid.u32  }
0x4: {  	s3 =	simm.s32 $0x0;
	s12 =	simm.s32 $0xE480;
	s13 =	simm.s32 $0xE080  }
0x5: {  	s14 =	simm.s32 $0x0;
	s5 =	sand.u32 $0x1, s0;
	s0 =	rddreg [dreg:$0x3]  }
0x6: {  	[smem:$0x7FF] =	sst s3;
	s4 =	sadd.s32 $0x200, s4;
	s6 =	sshll.u32 s5, $0x4  }
0x7: {  	s5 =	ssub.s32 $0x2, s5;
	_ =	strace $0x8000004D;
	s6 =	sor.u32 s2, s6  }
0x8: {  	s7 =	sshrl.u32 s5, $0x1;
	s9 =	smul.u32 $0x2A000, s6;
	s11 =	sshll.u32 s6, $0xA  }
0x9: {  	s10 =	ssub.s32 s5, s7;
	s5 =	smul.u32 $0x3, s6;
	s8 =	sadd.s32 s8, s11  }
0xa: {  	v1 =	vlaneseq.u32;
	s11 =	simm.s32 $0x3;
	s31 =	sshrl.u32 s9, $0x3;
	s7 =	sadd.s32 $0x540000, s9  }
0xb: {  	v0 =	vimm.s32 $0x0;
	v2 =	vimm.s32 $0x1;
	v1 =	vmul.u32 $0x400, v1;
	s9 =	smax.u32 s10, $0x1;
	s10 =	simm.s32 $0xE000;
	s6 =	sadd.s32 s1, s31  }
.LBB2_1:
0xc: {  	[tilespmem:s3], [sflag:$0x1] =	stream.linear.gather [hbm4b:s6+s3], $0x7000, $0x38;
	[tilespmem:$0x12480] =	vst v63  }
0xd: {  	s15 =	simm.s32 $0x40;
	s16 =	simm.s32 $0x0  }
.LBB2_2:
0xe: {  	p0 =	sne.s32 s15, $0xFFC0;
	[tilespmem:s16+$0xE480] =	vst v0;
	s16 =	smov.u32 s15;
	s15 =	sadd.s32 $0x40, s15  }
.Ltmp0:
0xf: {  	(pc) =	sbr.rel @p0 .LBB2_2-.Ltmp0, $2  }
0x10: {  	_ =	sdelay $0x2  }
0x11: {  	s16 =	sshra.s32 s16, $0x2  }
0x12: {  	[tilespmem:s16+$0xE480] =	vst v0;
	s15 =	simm.s32 $0x0;
	s16 =	simm.s32 $0x0  }
.LBB2_4:
0x13: {  	s17 =	sshll.u32 s16, $0x1  }
0x14: {  	s17 =	sadd.s32 s4, s17  }
0x15: {  	[tilespmem:s10], [sflag:$0x3] =	stream.linear.gather [hbm4b:s17+s15], $0x10, $0x38;
	[tilespmem:$0x12480] =	vst v63  }
0x16: {  	s17 =	smul.u32 $0x540000, s16;
	_ =	swait.ge [sflag:s11], $0x10  }
0x17: {  	[sflag:s11] =	ssyncset.done $0x0  }
0x18: {  	s18 =	sadd.s32 s17, s7;
	[sflag:s11] =	ssyncadd.s32 $0xFFFFFFF0  }
0x19: {  	s18 =	sshrl.u32 s18, $0x3;
	v3 =	vld [tilespmem:$0xE000]  }
0x1a: {  	s19 =	simm.s32 $0x0;
	s18 =	sadd.s32 s1, s18  }
.LBB2_5:
0x1b: {  	s20 =	sand.u32 $0x1, s19  }
0x1c: {  	p0 =	seq.s32 s19, $0x5;
	s21 =	sadd.s32 $0x1, s20  }
0x1d: {  	p1 =	seq.s32 @p0 s16, $0x7;
	_ =	swait.ge [sflag:s21], $0x7000  }
0x1e: {  	p1 =	por p1, !p0;
	[sflag:s21] =	ssyncset.done $0x0  }
0x1f: {  	s19 =	sadd.s32 $0x1, s19;
	[sflag:s21] =	ssyncadd.s32 $0xFFFF9000;
	s21 =	simm.s32 @!p1 $0x0  }
0x20: {  	[tilespmem:s21], [sflag:$0x1] =	stream.linear.gather @!p1 [hbm4b:s18+s21], $0x7000, $0x38;
	[tilespmem:$0x12480] =	vst v63  }
0x21: {  	s22 =	sand.u32 @!p0 $0x1, s19;
	s21 =	sshrl.u32 @!p0 s19, $0x1  }
0x22: {  	s23 =	smul.u32 @!p0 $0x7000, s22;
	s21 =	sadd.s32 @!p0 s5, s21  }
0x23: {  	s21 =	smul.u32 @!p0 $0xE000, s21  }
0x24: {  	s29 =	smul.u32 $0x1C000, s20;
	s23 =	sor.u32 @!p0 s17, s23  }
0x25: {  	s24 =	smul.u32 @!p0 $0x1C000, s22;
	s21 =	sadd.s32 @!p0 s21, s23  }
0x26: {  	s20 =	simm.s32 $0x0;
	s22 =	sadd.s32 @!p0 $0x1, s22;
	s21 =	sshrl.u32 @!p0 s21, $0x3  }
0x27: {  	s23 =	sshrl.u32 @!p0 s24, $0x2;
	s24 =	simm.s32 @!p0 $0x0;
	s21 =	sadd.s32 @!p0 s1, s21  }
0x28: {  	[tilespmem:s23], [sflag:s22] =	stream.linear.gather @!p0 [hbm4b:s21+s24], $0x7000, $0x38;
	[tilespmem:$0x12480] =	vst v63  }
0x29: {  	s30 =	sand.u32 $0x7800, s20;
	s21 =	sshrl.u32 s29, $0x2  }
0x2a: {  	s31 =	sand.u32 $0x380, s20;
	s22 =	sadd.s32 s30, s21  }
0x2b: {  	s22 =	sadd.s32 s31, s22  }
0x2c: {  	v10 =	vld [tilespmem:s22+$0x440]  }
0x2d: {  	v4 =	vld [tilespmem:s22+$0x430]  }
0x2e: {  	v6 =	vld [tilespmem:s22+$0x420]  }
0x2f: {  	v12 =	vld [tilespmem:s22+$0x20]  }
0x30: {  	v11 =	vld [tilespmem:s22+$0x60]  }
0x31: {  	v14 =	vld [tilespmem:s22+$0x70]  }
0x32: {  	v16 =	vld [tilespmem:s22+$0x40]  }
0x33: {  	v19 =	vld [tilespmem:s22+$0x50]  }
0x34: {  	v22 =	vld [tilespmem:s22+$0x10]  }
0x35: {  	v5 =	vld [tilespmem:s22+$0x410];
	_ =	sdelay $0x1  }
0x36: {  	v27 =	vld [tilespmem:s22+$0x0];
	v7 =	vshra.s32 v10, $0x1F;
	v8 =	vshra.s32 v6, $0x1F;
	v9 =	vshra.s32 v4, $0x1F  }
0x37: {  	v26 =	vshra.s32 v11, $0x1F;
	v21 =	vshra.s32 v14, $0x1F;
	v18 =	vshra.s32 v12, $0x1F  }
0x38: {  	v15 =	vld [tilespmem:s22+$0x30];
	v20 =	vshra.s32 v16, $0x1F;
	v28 =	vshra.s32 v19, $0x1F;
	v24 =	vshra.s32 v22, $0x1F  }
0x39: {  	v13 =	vor.u32 $0x80000000, v7;
	v7 =	vshra.s32 v5, $0x1F;
	v8 =	vor.u32 $0x80000000, v8  }
0x3a: {  	v23 =	vor.u32 $0x80000000, v18;
	v7 =	vor.u32 $0x80000000, v7;
	v6 =	vxor.u32 v6, v8  }
0x3b: {  	v12 =	vxor.u32 v12, v23;
	v23 =	vshra.s32 v27, $0x1F;
	v17 =	vxor.u32 v5, v7  }
0x3c: {  	v5 =	vor.u32 $0x80000000, v9;
	v7 =	vshrl.u32 v6, $0xA;
	v25 =	vshrl.u32 v12, $0xA  }
0x3d: {  	v8 =	vshrl.u32 v17, $0xA;
	v9 =	vand.u32 $0x3FF, v17;
	v17 =	vshra.s32 v15, $0x1F  }
0x3e: {  	v4 =	vxor.u32 v4, v5;
	v5 =	vand.u32 $0x3FF, v6;
	v17 =	vor.u32 $0x80000000, v17  }
0x3f: {  	v6 =	vshrl.u32 v4, $0xA;
	v4 =	vand.u32 $0x3FF, v4;
	v15 =	vxor.u32 v15, v17  }
0x40: {  	v17 =	vor.u32 $0x80000000, v20;
	v18 =	vshrl.u32 v15, $0xA;
	v20 =	vand.u32 $0x3FF, v15  }
0x41: {  	v15 =	vor.u32 $0x80000000, v24;
	v24 =	vand.u32 $0x3FF, v12;
	v12 =	vor.u32 $0x80000000, v28  }
0x42: {  	v16 =	vxor.u32 v16, v17;
	v15 =	vxor.u32 v22, v15;
	v12 =	vxor.u32 v19, v12  }
0x43: {  	v22 =	vshrl.u32 v16, $0xA;
	v17 =	vshrl.u32 v15, $0xA;
	v29 =	vand.u32 $0x3FF, v15;
	v15 =	vld [tilespmem:s22+$0x400]  }
0x44: {  	v19 =	vor.u32 $0x80000000, v23;
	v23 =	vand.u32 $0x3FF, v16;
	v30 =	vshrl.u32 v12, $0xA  }
0x45: {  	v12 =	vand.u32 $0x3FF, v12;
	v19 =	vxor.u32 v27, v19;
	v27 =	vor.u32 $0x80000000, v26  }
0x46: {  	v12 =	vor.u32 v1, v12;
	v16 =	vshrl.u32 v19, $0xA;
	vm1 =	veq.s32 v17, v3  }
0x47: {  	v17 =	vand.u32 $0x3FF, v19;
	vm0 =	veq.s32 v30, v3;
	v19 =	vor.u32 v1, v29  }
0x48: {  	s23 =	simm.s32 $0x100;
	v26 =	vld [tilespmem:s22+$0x450];
	vm3 =	veq.s32 v16, v3;
	v17 =	vor.u32 v1, v17;
	v28 =	vshra.s32 v15, $0x1F  }
.LBB2_6:
0x49: {  	s22 =	smov.u32 s23  }
0x4a: {  	s24 =	sand.u32 $0x7800, s23;
	v16 =	vor.u32 $0x80000000, v21;
	v10 =	vxor.u32 v10, v13;
	s20 =	sadd.s32 $0x80, s20;
	s22 =	sadd.s32 $0x100, s23  }
0x4b: {  	p0 =	seq.s32 s23, $0x6F00;
	s25 =	sand.u32 $0x380, s20;
	s24 =	sadd.s32 s24, s21;
	v13 =	vxor.u32 v14, v16;
	v14 =	vshrl.u32 v10, $0xA;
	v16 =	vand.u32 $0x3FF, v10  }
0x4c: {  	vm6 =	veq.s32 v25, v3;
	s23 =	sadd.s32 s25, s24;
	v21 =	vshrl.u32 v13, $0xA;
	v25 =	vand.u32 $0x3FF, v13  }
0x4d: {  	v24 =	vor.u32 v1, v24;
	vm2 =	veq.s32 v14, v3;
	v16 =	vor.u32 v1, v16;
	v10 =	vld [tilespmem:s23+$0x440]  }
0x4e: {  	v14 =	vor.u32 $0x80000000, v28;
	vm5 =	veq.s32 v21, v3;
	v13 =	vshra.s32 v26, $0x1F;
	v29 =	vld [tilespmem:s23+$0x430]  }
0x4f: {  	v27 =	vxor.u32 v11, v27;
	v20 =	vor.u32 v1, v20;
	v11 =	vor.u32 $0x80000000, v13;
	v21 =	vld [tilespmem:s23+$0x420]  }
0x50: {  	vm8 =	veq.s32 v18, v3;
	v18 =	vand.u32 $0x3FF, v27;
	v11 =	vxor.u32 v26, v11;
	v28 =	vld [tilespmem:s23+$0x410]  }
0x51: {  	vm7 =	veq.s32 v22, v3;
	v22 =	vshrl.u32 v11, $0xA;
	v11 =	vand.u32 $0x3FF, v11;
	v26 =	vld [tilespmem:s23+$0x20]  }
0x52: {  	v23 =	vor.u32 v1, v23;
	v31 =	vor.u32 v1, v11;
	v30 =	vld [tilespmem:s23+$0x40];
	v13 =	vshra.s32 v10, $0x1F  }
0x53: {  	v14 =	vxor.u32 v15, v14;
	vm4 =	veq.s32 v22, v3;
	v32 =	vld [tilespmem:s23+$0x30];
	v13 =	vor.u32 $0x80000000, v13  }
0x54: {  	v33 =	vor.u32 v1, v25;
	v22 =	vshrl.u32 v14, $0xA;
	v11 =	vld [tilespmem:s23+$0x60];
	v15 =	vshra.s32 v21, $0x1F  }
0x55: {  	v25 =	vshrl.u32 v27, $0xA;
	v14 =	vand.u32 $0x3FF, v14;
	v15 =	vor.u32 $0x80000000, v15  }
0x56: {  	v35 =	vor.u32 v1, v14;
	v34 =	vshra.s32 v28, $0x1F;
	v27 =	vld [tilespmem:s23+$0x0];
	v21 =	vxor.u32 v21, v15  }
0x57: {  	vm12 =	veq.s32 v25, v3;
	v25 =	vor.u32 v1, v18;
	v15 =	vor.u32 $0x80000000, v34;
	v14 =	vld [tilespmem:s23+$0x70]  }
0x58: {  	vm10 =	veq.s32 v22, v3;
	v18 =	vxor.u32 v28, v15;
	v28 =	vor.u32 v1, v9;
	v34 =	vld [tilespmem:s23+$0x10]  }
0x59: {  	vm11 =	veq.s32 v8, v3;
	v9 =	vshra.s32 v29, $0x1F;
	v8 =	vshrl.u32 v18, $0xA;
	v22 =	vld [tilespmem:s23+$0x50]  }
0x5a: {  	vm9 =	veq.s32 v7, v3;
	v7 =	vshrl.u32 v21, $0xA;
	v9 =	vor.u32 $0x80000000, v9  }
0x5b: {  	v36 =	vor.u32 v1, v5;
	v5 =	vand.u32 $0x3FF, v21;
	v29 =	vxor.u32 v29, v9;
	v15 =	vld [tilespmem:s23+$0x400]  }
0x5c: {  	v9 =	vand.u32 $0x3FF, v18;
	v37 =	vshrl.u32 v29, $0xA;
	v18 =	vand.u32 $0x3FF, v29;
	[tilespmem:v17+s12+$0x0] =	vst.idx.add.s32.msk vm3, v2  }
0x5d: {  	v29 =	vshra.s32 v11, $0x1F;
	v17 =	vshra.s32 v32, $0x1F;
	v21 =	vshra.s32 v14, $0x1F;
	[tilespmem:v19+s12+$0x0] =	vst.idx.add.s32.msk vm1, v2  }
0x5e: {  	v39 =	vor.u32 v1, v4;
	v38 =	vshra.s32 v30, $0x1F;
	v4 =	vmovc v18;
	v19 =	vshra.s32 v26, $0x1F;
	[tilespmem:v24+s12+$0x0] =	vst.idx.add.s32.msk vm6, v2  }
0x5f: {  	v17 =	vor.u32 $0x80000000, v17;
	vm1 =	veq.s32 v6, v3;
	v6 =	vmovc v37;
	v19 =	vor.u32 $0x80000000, v19;
	[tilespmem:v20+s12+$0x0] =	vst.idx.add.s32.msk vm8, v2  }
0x60: {  	v17 =	vxor.u32 v32, v17;
	v24 =	vor.u32 $0x80000000, v38;
	v32 =	vshra.s32 v22, $0x1F;
	[tilespmem:v23+s12+$0x0] =	vst.idx.add.s32.msk vm7, v2  }
0x61: {  	v18 =	vshrl.u32 v17, $0xA;
	v20 =	vand.u32 $0x3FF, v17;
	v23 =	vshra.s32 v34, $0x1F;
	[tilespmem:v12+s12+$0x0] =	vst.idx.add.s32.msk vm0, v2  }
0x62: {  	v17 =	vxor.u32 v26, v19;
	v19 =	vxor.u32 v30, v24;
	v12 =	vor.u32 $0x80000000, v23;
	[tilespmem:v25+s12+$0x0] =	vst.idx.add.s32.msk vm12, v2  }
0x63: {  	v24 =	vand.u32 $0x3FF, v17;
	v12 =	vxor.u32 v34, v12;
	v25 =	vshrl.u32 v17, $0xA;
	[tilespmem:v33+s12+$0x0] =	vst.idx.add.s32.msk vm5, v2  }
0x64: {  	v17 =	vor.u32 $0x80000000, v32;
	v26 =	vshrl.u32 v12, $0xA;
	v30 =	vand.u32 $0x3FF, v12;
	[tilespmem:v35+s12+$0x0] =	vst.idx.add.s32.msk vm10, v2  }
0x65: {  	v12 =	vshra.s32 v27, $0x1F;
	v17 =	vxor.u32 v22, v17;
	v22 =	vshrl.u32 v19, $0xA;
	[tilespmem:v28+s12+$0x0] =	vst.idx.add.s32.msk vm11, v2  }
.Ltmp1:
0x66: {  	v12 =	vor.u32 $0x80000000, v12;
	v32 =	vshrl.u32 v17, $0xA;
	v17 =	vand.u32 $0x3FF, v17;
	[tilespmem:v36+s12+$0x0] =	vst.idx.add.s32.msk vm9, v2;
	(pc) =	sbr.rel @!p0 .LBB2_6-.Ltmp1, $4  }
0x67: {  	v23 =	vand.u32 $0x3FF, v19;
	v27 =	vxor.u32 v27, v12;
	v12 =	vor.u32 v1, v17;
	[tilespmem:v39+s12+$0x0] =	vst.idx.add.s32.msk vm1, v2  }
0x68: {  	v17 =	vshrl.u32 v27, $0xA;
	v19 =	vand.u32 $0x3FF, v27;
	vm1 =	veq.s32 v26, v3;
	[tilespmem:v16+s12+$0x0] =	vst.idx.add.s32.msk vm2, v2  }
0x69: {  	v27 =	vor.u32 $0x80000000, v29;
	vm3 =	veq.s32 v17, v3;
	v17 =	vor.u32 v1, v19;
	[tilespmem:v31+s12+$0x0] =	vst.idx.add.s32.msk vm4, v2  }
0x6a: {  	v28 =	vshra.s32 v15, $0x1F;
	vm0 =	veq.s32 v32, v3;
	v19 =	vor.u32 v1, v30;
	v26 =	vld [tilespmem:s23+$0x450];
	s23 =	smov.u32 s22  }
0x6b: {  	v16 =	vor.u32 $0x80000000, v21  }
0x6c: {  	v10 =	vxor.u32 v10, v13;
	vm4 =	veq.s32 v25, v3;
	v50 =	vor.u32 v1, v24  }
0x6d: {  	v51 =	vor.u32 $0x80000000, v28;
	vm5 =	veq.s32 v18, v3;
	v11 =	vxor.u32 v11, v27  }
0x6e: {  	v53 =	vor.u32 v1, v20;
	vm6 =	veq.s32 v22, v3;
	v55 =	vor.u32 v1, v23  }
0x6f: {  	vm11 =	veq.s32 v8, v3;
	v9 =	vor.u32 v1, v9;
	v14 =	vxor.u32 v14, v16  }
0x70: {  	v56 =	vshrl.u32 v11, $0xA;
	v11 =	vand.u32 $0x3FF, v11;
	v15 =	vxor.u32 v15, v51  }
0x71: {  	[tilespmem:v17+s12+$0x0] =	vst.idx.add.s32.msk vm3, v2;
	v49 =	vshrl.u32 v14, $0xA;
	v14 =	vand.u32 $0x3FF, v14;
	vm7 =	veq.s32 v56, v3  }
0x72: {  	[tilespmem:v19+s12+$0x0] =	vst.idx.add.s32.msk vm1, v2;
	v58 =	vshrl.u32 v15, $0xA;
	v11 =	vor.u32 v1, v11;
	vm2 =	veq.s32 v49, v3  }
0x73: {  	v15 =	vand.u32 $0x3FF, v15;
	v14 =	vor.u32 v1, v14;
	vm10 =	veq.s32 v58, v3;
	[tilespmem:v50+s12+$0x0] =	vst.idx.add.s32.msk vm4, v2  }
0x74: {  	vm12 =	veq.s32 v7, v3;
	v15 =	vor.u32 v1, v15;
	v52 =	vshra.s32 v26, $0x1F;
	[tilespmem:v53+s12+$0x0] =	vst.idx.add.s32.msk vm5, v2  }
0x75: {  	v5 =	vor.u32 v1, v5;
	vm13 =	veq.s32 v6, v3;
	v54 =	vor.u32 $0x80000000, v52;
	[tilespmem:v55+s12+$0x0] =	vst.idx.add.s32.msk vm6, v2  }
0x76: {  	v4 =	vor.u32 v1, v4;
	v59 =	vshrl.u32 v10, $0xA;
	v57 =	vxor.u32 v26, v54;
	[tilespmem:v12+s12+$0x0] =	vst.idx.add.s32.msk vm0, v2  }
0x77: {  	v60 =	vand.u32 $0x3FF, v10;
	vm14 =	veq.s32 v59, v3;
	v61 =	vshrl.u32 v57, $0xA;
	[tilespmem:v11+s12+$0x0] =	vst.idx.add.s32.msk vm7, v2  }
0x78: {  	v7 =	vor.u32 v1, v60;
	v62 =	vand.u32 $0x3FF, v57;
	vm15 =	veq.s32 v61, v3;
	[tilespmem:v14+s12+$0x0] =	vst.idx.add.s32.msk vm2, v2  }
0x79: {  	p0 =	seq.s32 s19, $0x6;
	v63 =	vor.u32 v1, v62;
	[tilespmem:v15+s12+$0x0] =	vst.idx.add.s32.msk vm10, v2  }
.Ltmp2:
0x7a: {  	[tilespmem:v9+s12+$0x0] =	vst.idx.add.s32.msk vm11, v2;
	(pc) =	sbr.rel @!p0 .LBB2_5-.Ltmp2, $4  }
0x7b: {  	[tilespmem:v5+s12+$0x0] =	vst.idx.add.s32.msk vm12, v2  }
0x7c: {  	[tilespmem:v4+s12+$0x0] =	vst.idx.add.s32.msk vm13, v2  }
0x7d: {  	[tilespmem:v7+s12+$0x0] =	vst.idx.add.s32.msk vm14, v2  }
0x7e: {  	[tilespmem:v63+s12+$0x0] =	vst.idx.add.s32.msk vm15, v2  }
0x7f: {  	s19 =	simm.s32 $0x0;
	s18 =	simm.s32 $0xE480  }
0x80: {  	v3 =	vld [tilespmem:s18+$0x0];
	[tilespmem:s18+$0x0] =	vst v0;
	s20 =	sand.u32 $0x3F0, s19  }
0x81: {  	v4 =	vld [tilespmem:s20+$0xE880]  }
0x82: {  	v5 =	vld [tilespmem:s20+$0xEC80]  }
0x83: {  	v6 =	vld [tilespmem:s20+$0xF080]  }
0x84: {  	v7 =	vld [tilespmem:s20+$0xF480]  }
0x85: {  	v8 =	vld [tilespmem:s20+$0xF880]  }
0x86: {  	[tilespmem:s20+$0xE880] =	vst v0;
	v3 =	vadd.s32 v3, v4;
	v4 =	vld [tilespmem:s20+$0xFC80]  }
0x87: {  	[tilespmem:s20+$0xEC80] =	vst v0;
	v3 =	vadd.s32 v5, v3;
	v5 =	vld [tilespmem:s20+$0x10080]  }
0x88: {  	[tilespmem:s20+$0xF080] =	vst v0;
	v58 =	vld [tilespmem:s20+$0x10480];
	v3 =	vadd.s32 v6, v3  }
0x89: {  	[tilespmem:s20+$0xF480] =	vst v0;
	v59 =	vld [tilespmem:s20+$0x10880];
	v3 =	vadd.s32 v7, v3  }
0x8a: {  	[tilespmem:s20+$0xF880] =	vst v0;
	v60 =	vld [tilespmem:s20+$0x10C80];
	v3 =	vadd.s32 v8, v3  }
0x8b: {  	[tilespmem:s20+$0x10480] =	vst v0;
	v3 =	vadd.s32 v4, v3;
	v4 =	vld [tilespmem:s20+$0x11080]  }
0x8c: {  	[tilespmem:s20+$0x10880] =	vst v0;
	v3 =	vadd.s32 v5, v3;
	v5 =	vld [tilespmem:s20+$0x11480]  }
0x8d: {  	v61 =	vld [tilespmem:s20+$0x11880];
	[tilespmem:s20+$0x10C80] =	vst v0;
	v3 =	vadd.s32 v58, v3  }
0x8e: {  	v62 =	vld [tilespmem:s20+$0x11C80];
	[tilespmem:s20+$0x11880] =	vst v0;
	v3 =	vadd.s32 v59, v3  }
0x8f: {  	v63 =	vld [tilespmem:s20+$0x12080];
	[tilespmem:s20+$0x11C80] =	vst v0;
	v3 =	vadd.s32 v60, v3  }
0x90: {  	[tilespmem:s20+$0x12080] =	vst v0;
	v3 =	vadd.s32 v4, v3  }
0x91: {  	[tilespmem:s20+$0xFC80] =	vst v0;
	v3 =	vadd.s32 v5, v3  }
0x92: {  	[tilespmem:s20+$0x10080] =	vst v0;
	v3 =	vadd.s32 v61, v3  }
0x93: {  	[tilespmem:s20+$0x11080] =	vst v0;
	v3 =	vadd.s32 v62, v3  }
0x94: {  	s17 =	simm.s32 $0xE080;
	s19 =	simm.s32 $0x10;
	[tilespmem:s20+$0x11480] =	vst v0;
	v3 =	vadd.s32 v63, v3  }
.LBB2_9:
0x95: {  	p0 =	sne.s32 s19, $0x3F0;
	[tilespmem:s17+$0x0] =	vst v3;
	s18 =	sadd.s32 $0x10, s18;
	s17 =	sadd.s32 $0x10, s17  }
0x96: {  	s20 =	smov.u32 s19;
	s19 =	sadd.s32 $0x10, s19;
	v3 =	vld [tilespmem:s18+$0x0]  }
0x97: {  	s20 =	sand.u32 $0x3F0, s20;
	[tilespmem:s18+$0x0] =	vst v0  }
0x98: {  	v4 =	vld [tilespmem:s20+$0xE880]  }
0x99: {  	[tilespmem:s20+$0xE880] =	vst v0;
	v5 =	vld [tilespmem:s20+$0xEC80]  }
0x9a: {  	[tilespmem:s20+$0xEC80] =	vst v0;
	v6 =	vld [tilespmem:s20+$0xF080]  }
0x9b: {  	[tilespmem:s20+$0xF080] =	vst v0;
	v7 =	vld [tilespmem:s20+$0xF480]  }
0x9c: {  	[tilespmem:s20+$0xF480] =	vst v0;
	v8 =	vld [tilespmem:s20+$0xF880]  }
0x9d: {  	v3 =	vadd.s32 v3, v4;
	[tilespmem:s20+$0xF880] =	vst v0;
	v4 =	vld [tilespmem:s20+$0xFC80]  }
0x9e: {  	v3 =	vadd.s32 v5, v3;
	[tilespmem:s20+$0xFC80] =	vst v0;
	v5 =	vld [tilespmem:s20+$0x10080]  }
0x9f: {  	v3 =	vadd.s32 v6, v3;
	[tilespmem:s20+$0x10080] =	vst v0;
	v6 =	vld [tilespmem:s20+$0x10480]  }
0xa0: {  	v3 =	vadd.s32 v7, v3;
	[tilespmem:s20+$0x10480] =	vst v0;
	v7 =	vld [tilespmem:s20+$0x10880]  }
0xa1: {  	v3 =	vadd.s32 v8, v3;
	[tilespmem:s20+$0x10880] =	vst v0;
	v8 =	vld [tilespmem:s20+$0x10C80]  }
0xa2: {  	v3 =	vadd.s32 v4, v3;
	[tilespmem:s20+$0x10C80] =	vst v0;
	v4 =	vld [tilespmem:s20+$0x11080]  }
0xa3: {  	v3 =	vadd.s32 v5, v3;
	[tilespmem:s20+$0x11080] =	vst v0;
	v5 =	vld [tilespmem:s20+$0x11480]  }
0xa4: {  	v3 =	vadd.s32 v6, v3;
	[tilespmem:s20+$0x11480] =	vst v0;
	v6 =	vld [tilespmem:s20+$0x11880]  }
0xa5: {  	v3 =	vadd.s32 v7, v3;
	[tilespmem:s20+$0x11880] =	vst v0;
	v7 =	vld [tilespmem:s20+$0x11C80]  }
0xa6: {  	v3 =	vadd.s32 v8, v3;
	[tilespmem:s20+$0x11C80] =	vst v0;
	v8 =	vld [tilespmem:s20+$0x12080]  }
.Ltmp3:
0xa7: {  	v3 =	vadd.s32 v4, v3;
	[tilespmem:s20+$0x12080] =	vst v0;
	(pc) =	sbr.rel @p0 .LBB2_9-.Ltmp3, $4  }
0xa8: {  	v3 =	vadd.s32 v5, v3  }
0xa9: {  	v3 =	vadd.s32 v6, v3  }
0xaa: {  	v3 =	vadd.s32 v7, v3  }
0xab: {  	v3 =	vadd.s32 v8, v3  }
0xac: {  	s18 =	sshll.u32 s16, $0x7;
	s16 =	sadd.s32 $0x1, s16  }
0xad: {  	p0 =	sne.s32 s16, $0x8  }
.Ltmp4:
0xae: {  	[tilespmem:s17+$0x0] =	vst v3;
	s31 =	sadd.s32 s18, s8;
	(pc) =	sbr.rel @p0 .LBB2_4-.Ltmp4, $4  }
0xaf: {  	[hbm4b:s31+s3] =	stream.linear.scatter [tilespmem:s13], [sflag:$0x3], $0x400, $0x38;
	[tilespmem:$0x12480] =	vst v63  }
0xb0: {  	_ =	swait.ge [sflag:s11], $0x400  }
0xb1: {  	[sflag:s11] =	ssyncset.done $0x0  }
0xb2: {  	[sflag:s11] =	ssyncadd.s32 $0xFFFFFC00  }
0xb3: {  	s14 =	sadd.s32 $0x1, s14  }
0xb4: {  	p0 =	sne.s32 s14, s9  }
.Ltmp5:
0xb5: {  	_ = 	snop;
	(pc) =	sbr.rel @p0 .LBB2_1-.Ltmp5, $1  }
0xb6: {  	_ =	sdelay $0x3  }
0xb7: {  	_ =	sfence.sel $0x180000  }
0xb8: {  	[bflag:$0x0] =	sbarrier.arrive $0xFFFF  }
0xb9: {  	p0 =	sne.s32 s2, $0x0;
	_ =	strace $0x9000004D  }
0xba: {  	s0 =	sadd.s32 @!p0 $0x100000, s0;
	[bflag:$0x2] =	sbarrier.arrive $0xFFFF  }
0xbb: {  	[sflag:s0] =	ssyncadd.tile.s32 @!p0 $0x1;
	_ =	shalt  }
.Lfunc_end2:
_tile_overlayer_lowered:
.L_overlay_start_2:
0xbc: {  	(tag) =	ssettag $0x2  }
0xbd: {  	s0 =	rddreg [dreg:$0x0];
	s2 =	stileid.u32  }
0xbe: {  	s1 =	rddreg [dreg:$0x1];
	p0 =	sne.s32 s2, $0x0  }
0xbf: {  	s3 =	rddreg [dreg:$0x2];
	[bflag:$0x3] =	sbarrier.arrive $0xFFFF;
	s2 =	simm.s32 @!p0 $0x1C03  }
0xc0: {  	[timem:s3], [sflag:s2] =	dma.local @!p0 [hbm:s0], s1  }
0xc1: {  	s0 =	simm.s32 @!p0 $0x3  }
0xc2: {  	_ =	swait.ge @!p0 [sflag:s0], s1  }
0xc3: {  	s1 =	ssub.s32 @!p0 $0x0, s1;
	[sflag:s0] =	ssyncset.done @!p0 $0x0  }
0xc4: {  	[sflag:s0] =	ssyncadd.s32 @!p0 s1  }
0xc5: {  	[bflag:$0x3] =	sbarrier.arrive $0xFFFF  }
0xc6: {  	_ =	shalt  }

// kernel: kernel.6.cloned.1.call-start
scs
__scs_entry_jumppad:
0x0: {  	(pc) =	sbr.rel $0x88, $3  }
0x1: {  	(tag) =	ssettag $0x0;
	lr =	simm.s32 $0x1  }
0x2: {  	[smem:$0x3FA0] =	sst lr;
	_ =	strace $0xD0000000  }
0x3: {  	_ = 	snop  }
0x4: {  	_ = 	snop  }
0x5: {  	_ = 	snop  }
0x6: {  	_ = 	snop  }
0x7: {  	_ = 	snop  }
__scs_overlays_trampoline_lowered:
0x8: {  	[smem:$0x3FAF] =	sst s0  }
0x9: {  	[smem:$0x3FB0] =	sst s1  }
0xa: {  	[smem:$0x3FB1] =	sst s2  }
0xb: {  	[smem:$0x3FB2] =	sst s3  }
0xc: {  	[smem:$0x3FB3] =	sst s4  }
0xd: {  	[smem:$0x3FB4] =	sst s5  }
0xe: {  	[smem:$0x3FB5] =	sst s6  }
0xf: {  	[smem:$0x3FB6] =	sst s7  }
0x10: {  	[smem:$0x3FB7] =	sst s8  }
0x11: {  	[smem:$0x3FB8] =	sst s9;
	s0 =	simm.s32 @!p0 $0x0  }
0x12: {  	s1 =	sld [smem:$0x3F9E];
	s0 =	simm.s32 @p0 $0x1  }
0x13: {  	[smem:$0x3FB9] =	sst s0;
	s0 =	simm.s32 @!p1 $0x0  }
0x14: {  	s2 =	sld [smem:$0x3F9D];
	s0 =	simm.s32 @p1 $0x1  }
0x15: {  	[smem:$0x3FBA] =	sst s0;
	s0 =	simm.s32 @!p2 $0x0  }
0x16: {  	s3 =	sld [smem:$0x3FDB];
	s0 =	simm.s32 @p2 $0x1  }
0x17: {  	s4 =	simm.s32 $0x1BF5;
	[smem:$0x3FBC] =	sst s0  }
0x18: {  	s0 =	sld [smem:$0x3F9F];
	_ =	swait.ge [sflag:s4], $0x0  }
0x19: {  	s7 =	sld [smem:$0x3FA0]  }
0x1a: {  	s8 =	sadd.s32 $0xFFFFE003, lr  }
0x1b: {  	s9 =	sadd.s32 $0xFFFFFEF7, lr;
	s5 =	simm.s32 $0xFFFFFFFF;
	p2 =	slt.u32 s8, $0xFFFFF086  }
0x1c: {  	p1 =	slt.u32 s9, $0xF7A;
	s5 =	simm.s32 @!p2 $0x0  }
0x1d: {  	s5 =	simm.s32 @p1 $0x1;
	p0 =	seq.s32 s7, s2  }
0x1e: {  	s7 =	smul.u32 @!p0 $0xF7A, s2;
	p2 =	seq.s32 @!p0 s5, $0x0  }
0x1f: {  	s9 =	smul.u32 $0xF7A, s1;
	s8 =	simm.s32 @!p0 $0x1BF5;
	p2 =	por !p2, p0  }
0x20: {  	[sflag:s8] =	ssyncset.s32 @!p0 $0xFFFFF086;
	s6 =	sadd.s32 @!p0 s3, s7;
	s7 =	simm.s32 @!p0 $0x108  }
0x21: {  	s3 =	sadd.s32 s3, s9;
	s6 =	sadd.s32 @!p0 $0x88, s6;
	s7 =	simm.s32 @p2 $0x1082  }
0x22: {  	[simem:s7], [sflag:s8] =	dma.local @!p0 [hbm:s6], $0xF7A  }
0x23: {  	s9 =	sor.u32 $0xD0000000, s2;
	s6 =	simm.s32 $0x108;
	_ =	swait.ge @!p0 [sflag:s8], $0x0  }
0x24: {  	s3 =	sadd.s32 $0x88, s3;
	s6 =	simm.s32 @!p1 $0x1082;
	[sflag:s4] =	ssyncset.s32 $0xFFFFF086  }
0x25: {  	[simem:s6], [sflag:s4] =	dma.local [hbm:s3], $0xF7A  }
0x26: {  	[smem:$0x3FA0] =	sst s1;
	(tag) =	ssettag s2;
	_ =	strace s9  }
0x27: {  	s1 =	sld [smem:$0x3FB0]  }
0x28: {  	s2 =	sld [smem:$0x3FB1]  }
0x29: {  	s4 =	sld [smem:$0x3FB3]  }
0x2a: {  	p0 =	seq.s32 s5, $0x0;
	s5 =	sld [smem:$0x3FB4]  }
0x2b: {  	s6 =	sld [smem:$0x3FB5]  }
0x2c: {  	s7 =	sld [smem:$0x3FB6]  }
0x2d: {  	s3 =	simm.s32 $0x108;
	s8 =	sld [smem:$0x3FB7]  }
0x2e: {  	s3 =	simm.s32 @!p0 $0x1082;
	s9 =	sld [smem:$0x3FB8]  }
0x2f: {  	lr =	sadd.s32 s0, s3;
	s0 =	sld [smem:$0x3FAF]  }
0x30: {  	s3 =	sld [smem:$0x3FB2]  }
0x31: {  	[smem:$0x3FBB] =	sst s10  }
0x32: {  	s10 =	sld [smem:$0x3FB9];
	_ =	sdelay $0x3  }
0x33: {  	p0 =	seq.s32 s10, $0x1;
	s10 =	sld [smem:$0x3FBB];
	_ =	sdelay $0x3  }
0x34: {  	[smem:$0x3FBB] =	sst s10  }
0x35: {  	s10 =	sld [smem:$0x3FBA];
	_ =	sdelay $0x3  }
0x36: {  	p1 =	seq.s32 s10, $0x1;
	s10 =	sld [smem:$0x3FBB];
	_ =	sdelay $0x3  }
0x37: {  	[smem:$0x3FBB] =	sst s10  }
0x38: {  	s10 =	sld [smem:$0x3FBC]  }
0x39: {  	_ = 	snop;
	(pc) =	sbr.ind lr, $3  }
0x3a: {  	_ = 	snop  }
0x3b: {  	_ = 	snop  }
0x3c: {  	p2 =	seq.s32 s10, $0x1;
	s10 =	sld [smem:$0x3FBB]  }
0x3d: {  	_ =	shalt  }
0x3e: {  	_ =	shalt  }
0x3f: {  	_ =	shalt  }
0x40: {  	_ =	shalt  }
0x41: {  	_ =	shalt  }
0x42: {  	_ =	shalt  }
0x43: {  	_ =	shalt  }
0x44: {  	_ =	shalt  }
0x45: {  	_ =	shalt  }
0x46: {  	_ =	shalt  }
0x47: {  	_ =	shalt  }
0x48: {  	_ =	shalt  }
0x49: {  	_ =	shalt  }
0x4a: {  	_ =	shalt  }
0x4b: {  	_ =	shalt  }
0x4c: {  	_ =	shalt  }
0x4d: {  	_ =	shalt  }
0x4e: {  	_ =	shalt  }
0x4f: {  	_ =	shalt  }
0x50: {  	_ =	shalt  }
0x51: {  	_ =	shalt  }
0x52: {  	_ =	shalt  }
0x53: {  	_ =	shalt  }
0x54: {  	_ =	shalt  }
0x55: {  	_ =	shalt  }
0x56: {  	_ =	shalt  }
0x57: {  	_ =	shalt  }
0x58: {  	_ =	shalt  }
0x59: {  	_ =	shalt  }
0x5a: {  	_ =	shalt  }
0x5b: {  	_ =	shalt  }
0x5c: {  	_ =	shalt  }
0x5d: {  	_ =	shalt  }
0x5e: {  	_ =	shalt  }
0x5f: {  	_ =	shalt  }
0x60: {  	_ =	shalt  }
0x61: {  	_ =	shalt  }
0x62: {  	_ =	shalt  }
0x63: {  	_ =	shalt  }
0x64: {  	_ =	shalt  }
0x65: {  	_ =	shalt  }
0x66: {  	_ =	shalt  }
0x67: {  	_ =	shalt  }
0x68: {  	_ =	shalt  }
0x69: {  	_ =	shalt  }
0x6a: {  	_ =	shalt  }
0x6b: {  	_ =	shalt  }
0x6c: {  	_ =	shalt  }
0x6d: {  	_ =	shalt  }
0x6e: {  	_ =	shalt  }
0x6f: {  	_ =	shalt  }
0x70: {  	_ =	shalt  }
0x71: {  	_ =	shalt  }
0x72: {  	_ =	shalt  }
0x73: {  	_ =	shalt  }
0x74: {  	_ =	shalt  }
0x75: {  	_ =	shalt  }
0x76: {  	_ =	shalt  }
0x77: {  	_ =	shalt  }
0x78: {  	_ =	shalt  }
0x79: {  	_ =	shalt  }
0x7a: {  	_ =	shalt  }
0x7b: {  	_ =	shalt  }
0x7c: {  	_ =	shalt  }
0x7d: {  	_ =	shalt  }
0x7e: {  	_ =	shalt  }
0x7f: {  	_ =	shalt  }
0x80: {  	_ =	shalt  }
0x81: {  	_ =	shalt  }
0x82: {  	_ =	shalt  }
0x83: {  	_ =	shalt  }
0x84: {  	_ =	shalt  }
0x85: {  	_ =	shalt  }
0x86: {  	_ =	shalt  }
0x87: {  	_ =	shalt  }
.Lfunc_end0:
.L_simem_size_0:
called_computation_lowered:
.L_overlay_start_0:
0x88: {  	s2 =	sld [smem:$0x3FD9]  }
0x89: {  	s3 =	sld [smem:$0x3FFE];
	_ =	sdelay $0x1  }
0x8a: {  	s1 =	srdreg.scid  }
0x8b: {  	s0 =	sand.u32 $0x1, s1  }
0x8c: {  	s18 =	sshll.u32 s0, $0xA;
	s2 =	sadd.s32 s3, s2  }
0x8d: {  	s2 =	sadd.s32 s2, s18  }
0x8e: {  	[smem:$0x3FC7] =	sst s2  }
0x8f: {  	_ = 	snop  }
0x90: {  	s2 =	sld [smem:$0x3FC9]  }
0x91: {  	s19 =	sld [smem:$0x3FD0];
	(tm) =	ssettm $0x1  }
0x92: {  	s4 =	sld [smem:$0x3FFB];
	_ =	sdelay $0x3  }
0x93: {  	_ =	strace s4  }
0x94: {  	s4 =	sld [smem:$0x3FFC];
	_ =	sdelay $0x3  }
0x95: {  	_ =	strace s4  }
0x96: {  	s4 =	sld [smem:$0x3FFD];
	_ =	sdelay $0x3  }
0x97: {  	_ =	strace s4  }
0x98: {  	_ =	strace $0x8FFFFFFF  }
0x99: {  	s20 =	sld [smem:$0x3FDB];
	_ =	sdelay $0x1  }
0x9a: {  	s5 =	simm.s32 $_scs_section_size  }
0x9b: {  	s6 =	simm.s32 $_size__tile_overlayer_lowered;
	s7 =	simm.s32 $_tile_overlayer_lowered  }
0x9c: {  	s23 =	simm.s32 $0x1BFF;
	s22 =	sshll.u32 s7, $0x1;
	s4 =	sadd.s32 s5, s20  }
0x9d: {  	s8 =	simm.s32 $0x0;
	s21 =	sshll.u32 s6, $0x1;
	s6 =	sadd.s32 s22, s4  }
0x9e: {  	[timem:s8], [sflag:s23] =	dma.local [hbm:s6], s21  }
0x9f: {  	_ =	swait.ge [sflag:s23], s21  }
0xa0: {  	s5 =	ssub.s32 $0x0, s21;
	[sflag:s23] =	ssyncset.done $0x0  }
0xa1: {  	[sflag:s23] =	ssyncadd.s32 s5;
	_ =	sdelay $0x1  }
0xa2: {  	s24 =	simm.s32 $0x1B8B  }
0xa3: {  	_ =	swait.ge [sflag:s24], $0x1  }
0xa4: {  	[sflag:s24] =	ssyncset.done $0x0  }
0xa5: {  	s25 =	simm.s32 $0x1B8E;
	[sflag:s24] =	ssyncadd.s32 $0xFFFFFFFF  }
0xa6: {  	s26 =	simm.s32 $execute0_lowered;
	[smem:$0x3FD2] =	sst s25  }
0xa7: {  	s5 =	sshll.u32 s26, $0x1;
	_ =	strace $0x80000046;
	[dreg:$0x1] =	wrdreg $0xFFFFFFFF  }
0xa8: {  	s28 =	simm.s32 $_size_execute0_lowered;
	s4 =	sadd.s32 s4, s5;
	[dreg:$0x0] =	wrdreg $0x0  }
0xa9: {  	s5 =	sshll.u32 s28, $0x1;
	[dreg:$0x2] =	wrdreg s4  }
0xaa: {  	[dreg:$0x3] =	wrdreg s5  }
0xab: {  	[dreg:$0x4] =	wrdreg $0xC0  }
0xac: {  	_ =	task [dreg:s8], $0x5FFFF  }
0xad: {  	[dreg:$0x1] =	wrdreg $0xFFFFFFFF  }
0xae: {  	[dreg:$0x0] =	wrdreg $0x60  }
0xaf: {  	[dreg:$0x2] =	wrdreg s2  }
0xb0: {  	[dreg:$0x3] =	wrdreg s19  }
0xb1: {  	[dreg:$0x4] =	wrdreg $0x9  }
0xb2: {  	_ =	task.clear_ibuf [dreg:s8], $0x5FFFF;
	_ =	strace $0x90000046  }
0xb3: {  	s29 =	simm.s32 $0x9;
	_ =	strace $0x80000048  }
0xb4: {  	_ =	swait.ge [sflag:s29], $0x1  }
0xb5: {  	[sflag:s29] =	ssyncadd.s32 $0xFFFFFFFF  }
0xb6: {  	_ =	strace $0x90000048  }
0xb7: {  	_ =	sfence  }
0xb8: {  	s30 =	sld [smem:$0x0];
	_ =	sdelay $0x2  }
0xb9: {  	s31 =	sshll.u32 s1, $0xD;
	s1 =	sshrl.u32 s1, $0x2  }
0xba: {  	s3 =	sand.u32 $0x4000, s31;
	s1 =	sadd.s32 s1, s30  }
0xbb: {  	s0 =	sor.u32 s3, s0;
	s1 =	sshll.u32 s1, $0x11  }
0xbc: {  	s0 =	sor.u32 s1, s0  }
0xbd: {  	s0 =	sadd.s32 $0x8F2B, s0  }
0xbe: {  	[sflag:s0] =	ssyncadd.remote.s32 $0x1  }
0xbf: {  	_ =	sfence.sel $0xFFFF  }
0xc0: {  	[dreg:$0x0] =	wrdreg $0xFFFFFFFF;
	(pc) =	sbr.abs _section_cstart, $3  }
0xc1: {  	[dreg:$0x1] =	wrdreg $0xFFFFFFFF  }
0xc2: {  	_ =	task.clear_ibuf [dreg:s8], $0x2FFFF;
	_ =	strace $0x9FFFFFFF  }
0xc3: {  	(tm) =	ssettm $0x7FFFFFFF  }
tec
execute0_lowered:
.L_overlay_start_1:
0x0: {  	(tag) =	ssettag $0x1  }
0x1: {  	s0 =	srdreg.scid;
	s2 =	rddreg [dreg:$0x0]  }
0x2: {  	s7 =	rddreg [dreg:$0x1];
	s1 =	stileid.u32;
	s3 =	simm.s32 $0x0  }
0x3: {  	s10 =	simm.s32 $0xE000;
	s11 =	simm.s32 $0x3;
	s4 =	sand.u32 $0x1, s0  }
0x4: {  	s12 =	simm.s32 $0x0;
	s0 =	rddreg [dreg:$0x2];
	s5 =	sshll.u32 s4, $0x4  }
0x5: {  	[smem:$0x7FF] =	sst s3;
	s4 =	ssub.s32 $0x2, s4;
	s8 =	sor.u32 s1, s5  }
0x6: {  	_ =	strace $0x80000047;
	s30 =	sshrl.u32 s4, $0x1;
	s6 =	smul.u32 $0x2A000, s8  }
0x7: {  	s9 =	ssub.s32 s4, s30;
	s4 =	smul.u32 $0x3, s8;
	s8 =	sshll.u32 s8, $0xB  }
0x8: {  	v1 =	vlaneseq.u32;
	s7 =	sadd.s32 s7, s8;
	s8 =	smax.u32 s9, $0x1;
	s31 =	sshrl.u32 s6, $0x3  }
0x9: {  	v0 =	vimm.s32 $0x0;
	v2 =	vimm.s32 $0x1;
	v1 =	vmul.u32 $0x800, v1;
	s9 =	simm.s32 $0xE800;
	s6 =	sadd.s32 $0x540000, s6;
	s5 =	sadd.s32 s2, s31  }
.LBB2_1:
0xa: {  	[tilespmem:s3], [sflag:$0x1] =	stream.linear.gather [hbm4b:s5+s3], $0x7000, $0x38;
	[tilespmem:$0x16800] =	vst v63  }
0xb: {  	s13 =	simm.s32 $0x40;
	s14 =	simm.s32 $0x0  }
.LBB2_2:
0xc: {  	p0 =	sne.s32 s13, $0x1FFC0;
	[tilespmem:s14+$0xE800] =	vst v0;
	s14 =	smov.u32 s13;
	s13 =	sadd.s32 $0x40, s13  }
.Ltmp0:
0xd: {  	(pc) =	sbr.rel @p0 .LBB2_2-.Ltmp0, $2  }
0xe: {  	_ =	sdelay $0x2  }
0xf: {  	s14 =	sshra.s32 s14, $0x2  }
0x10: {  	[tilespmem:s14+$0xE800] =	vst v0;
	s13 =	simm.s32 $0x0  }
.LBB2_4:
0x11: {  	s14 =	smul.u32 $0x540000, s13;
	_ =	sdelay $0x1  }
0x12: {  	s15 =	sadd.s32 s14, s6  }
0x13: {  	s15 =	sshrl.u32 s15, $0x3  }
0x14: {  	s16 =	simm.s32 $0x0;
	s15 =	sadd.s32 s2, s15  }
.LBB2_5:
0x15: {  	s17 =	sand.u32 $0x1, s16  }
0x16: {  	p0 =	seq.s32 s16, $0x5;
	s18 =	sadd.s32 $0x1, s17  }
0x17: {  	p1 =	seq.s32 @p0 s13, $0x7;
	_ =	swait.ge [sflag:s18], $0x7000  }
0x18: {  	p1 =	por p1, !p0;
	[sflag:s18] =	ssyncset.done $0x0  }
0x19: {  	s16 =	sadd.s32 $0x1, s16;
	[sflag:s18] =	ssyncadd.s32 $0xFFFF9000;
	s18 =	simm.s32 @!p1 $0x0  }
0x1a: {  	[tilespmem:s18], [sflag:$0x1] =	stream.linear.gather @!p1 [hbm4b:s15+s18], $0x7000, $0x38;
	[tilespmem:$0x16800] =	vst v63  }
0x1b: {  	s19 =	sand.u32 @!p0 $0x1, s16;
	s18 =	sshrl.u32 @!p0 s16, $0x1  }
0x1c: {  	s20 =	smul.u32 @!p0 $0x7000, s19;
	s18 =	sadd.s32 @!p0 s4, s18  }
0x1d: {  	s18 =	smul.u32 @!p0 $0xE000, s18  }
0x1e: {  	s29 =	smul.u32 $0x1C000, s17;
	s20 =	sor.u32 @!p0 s14, s20  }
0x1f: {  	s21 =	smul.u32 @!p0 $0x1C000, s19;
	s18 =	sadd.s32 @!p0 s18, s20  }
0x20: {  	s17 =	simm.s32 $0x0;
	s19 =	sadd.s32 @!p0 $0x1, s19;
	s18 =	sshrl.u32 @!p0 s18, $0x3  }
0x21: {  	s20 =	sshrl.u32 @!p0 s21, $0x2;
	s21 =	simm.s32 @!p0 $0x0;
	s18 =	sadd.s32 @!p0 s2, s18  }
0x22: {  	[tilespmem:s20], [sflag:s19] =	stream.linear.gather @!p0 [hbm4b:s18+s21], $0x7000, $0x38;
	[tilespmem:$0x16800] =	vst v63  }
0x23: {  	s30 =	sand.u32 $0x7800, s17;
	s18 =	sshrl.u32 s29, $0x2  }
0x24: {  	s31 =	sand.u32 $0x380, s17;
	s19 =	sadd.s32 s30, s18  }
0x25: {  	s19 =	sadd.s32 s31, s19  }
0x26: {  	v3 =	vld [tilespmem:s19+$0x450]  }
0x27: {  	v4 =	vld [tilespmem:s19+$0x430]  }
0x28: {  	v12 =	vld [tilespmem:s19+$0x420]  }
0x29: {  	v14 =	vld [tilespmem:s19+$0x440]  }
0x2a: {  	v7 =	vld [tilespmem:s19+$0x400]  }
0x2b: {  	v10 =	vld [tilespmem:s19+$0x50]  }
0x2c: {  	v17 =	vld [tilespmem:s19+$0x20]  }
0x2d: {  	v18 =	vld [tilespmem:s19+$0x10];
	_ =	sdelay $0x2  }
0x2e: {  	v6 =	vld [tilespmem:s19+$0x410];
	v5 =	vshra.s32 v3, $0x1F;
	v8 =	vshra.s32 v4, $0x1F  }
0x2f: {  	v15 =	vshra.s32 v12, $0x1F;
	v9 =	vshra.s32 v7, $0x1F;
	v16 =	vshra.s32 v14, $0x1F  }
0x30: {  	v11 =	vld [tilespmem:s19+$0x30];
	v19 =	vshra.s32 v10, $0x1F;
	v22 =	vshra.s32 v17, $0x1F;
	v23 =	vshra.s32 v18, $0x1F  }
0x31: {  	v20 =	vld [tilespmem:s19+$0x40];
	v5 =	vor.u32 $0x80000000, v5;
	v8 =	vor.u32 $0x80000000, v8;
	v9 =	vor.u32 $0x80000000, v9  }
0x32: {  	v22 =	vor.u32 $0x80000000, v22;
	v16 =	vor.u32 $0x80000000, v16;
	v19 =	vor.u32 $0x80000000, v19  }
0x33: {  	v15 =	vor.u32 $0x80000000, v15;
	v4 =	vxor.u32 v4, v8;
	v8 =	vshra.s32 v6, $0x1F  }
0x34: {  	v3 =	vxor.u32 v3, v5;
	v7 =	vxor.u32 v7, v9;
	v8 =	vor.u32 $0x80000000, v8  }
0x35: {  	v17 =	vxor.u32 v17, v22;
	v6 =	vxor.u32 v6, v8;
	v8 =	vshra.s32 v11, $0x1F  }
0x36: {  	v14 =	vxor.u32 v14, v16;
	v16 =	vshra.s32 v20, $0x1F;
	v8 =	vor.u32 $0x80000000, v8  }
0x37: {  	v12 =	vxor.u32 v12, v15;
	v13 =	vshrl.u32 v7, $0x15;
	v7 =	vxor.u32 v11, v8  }
0x38: {  	v5 =	vshrl.u32 v3, $0x15;
	v4 =	vshrl.u32 v4, $0x15;
	v7 =	vshrl.u32 v7, $0x15  }
0x39: {  	v22 =	vshrl.u32 v17, $0x15;
	v16 =	vor.u32 $0x80000000, v16;
	v21 =	vand.u32 $0x780, v7  }
0x3a: {  	v17 =	vshrl.u32 v14, $0x15;
	v7 =	vand.u32 $0x7F, v7;
	v21 =	vor.u32 v1, v21  }
0x3b: {  	v12 =	vshrl.u32 v12, $0x15;
	v7 =	vor.u32 v7, v21;
	v21 =	vor.u32 $0x80000000, v23;
	v23 =	vld [tilespmem:s19+$0x70]  }
0x3c: {  	v3 =	vand.u32 $0x780, v4;
	v4 =	vand.u32 $0x7F, v4;
	v16 =	vxor.u32 v20, v16  }
0x3d: {  	v14 =	vand.u32 $0x780, v22;
	v22 =	vand.u32 $0x7F, v22;
	v9 =	vshrl.u32 v6, $0x15  }
0x3e: {  	v6 =	vand.u32 $0x780, v13;
	v16 =	vshrl.u32 v16, $0x15;
	v26 =	vor.u32 v1, v14  }
0x3f: {  	v20 =	vld [tilespmem:s19+$0x0];
	v11 =	vand.u32 $0x780, v9;
	v8 =	vand.u32 $0x780, v5;
	v24 =	vand.u32 $0x780, v16  }
0x40: {  	v16 =	vand.u32 $0x7F, v16;
	v14 =	vor.u32 v1, v24;
	v24 =	vshra.s32 v23, $0x1F  }
0x41: {  	v15 =	vor.u32 v22, v26;
	v11 =	vor.u32 v1, v11;
	v24 =	vor.u32 $0x80000000, v24  }
0x42: {  	v21 =	vxor.u32 v18, v21;
	v23 =	vxor.u32 v23, v24;
	v24 =	vand.u32 $0x780, v12  }
0x43: {  	v14 =	vor.u32 v16, v14;
	v25 =	vshrl.u32 v21, $0x15;
	v26 =	vor.u32 v1, v24;
	v24 =	vld [tilespmem:s19+$0x60]  }
0x44: {  	v22 =	vshra.s32 v20, $0x1F;
	v18 =	vand.u32 $0x780, v17;
	v21 =	vand.u32 $0x7F, v25  }
0x45: {  	v16 =	vand.u32 $0x780, v25;
	v12 =	vand.u32 $0x7F, v12;
	v23 =	vshrl.u32 v23, $0x15  }
0x46: {  	s20 =	simm.s32 $0x100;
	v25 =	vor.u32 $0x80000000, v22;
	v22 =	vand.u32 $0x780, v23;
	v12 =	vor.u32 v12, v26  }
.LBB2_6:
0x47: {  	s19 =	smov.u32 s20  }
0x48: {  	s21 =	sand.u32 $0x7800, s20;
	v10 =	vxor.u32 v10, v19;
	v19 =	vshra.s32 v24, $0x1F;
	v13 =	vand.u32 $0x7F, v13;
	s17 =	sadd.s32 $0x80, s17;
	s19 =	sadd.s32 $0x100, s20  }
0x49: {  	p0 =	seq.s32 s20, $0x6F00;
	v18 =	vor.u32 v1, v18;
	s22 =	sand.u32 $0x380, s17;
	s21 =	sadd.s32 s21, s18;
	v19 =	vor.u32 $0x80000000, v19;
	v26 =	vshrl.u32 v10, $0x15  }
0x4a: {  	v5 =	vand.u32 $0x7F, v5;
	s20 =	sadd.s32 s22, s21;
	v10 =	vxor.u32 v24, v19;
	v19 =	vand.u32 $0x780, v26  }
0x4b: {  	v27 =	vor.u32 v1, v16;
	v17 =	vand.u32 $0x7F, v17;
	v10 =	vshrl.u32 v10, $0x15;
	v24 =	vld [tilespmem:s20+$0x450]  }
0x4c: {  	v23 =	vand.u32 $0x7F, v23;
	v21 =	vor.u32 v21, v27;
	v27 =	vand.u32 $0x780, v10;
	v16 =	vld [tilespmem:s20+$0x420]  }
0x4d: {  	v20 =	vxor.u32 v20, v25;
	v10 =	vand.u32 $0x7F, v10;
	v25 =	vor.u32 v1, v27;
	v28 =	vld [tilespmem:s20+$0x430]  }
0x4e: {  	v20 =	vshrl.u32 v20, $0x15;
	v25 =	vor.u32 v10, v25;
	v10 =	vor.u32 v1, v22;
	v27 =	vld [tilespmem:s20+$0x440]  }
0x4f: {  	v9 =	vand.u32 $0x7F, v9;
	v29 =	vand.u32 $0x7F, v20;
	v23 =	vor.u32 v23, v10;
	v22 =	vld [tilespmem:s20+$0x410]  }
0x50: {  	v20 =	vand.u32 $0x780, v20;
	v19 =	vor.u32 v1, v19;
	v30 =	vld [tilespmem:s20+$0x400];
	v10 =	vshra.s32 v24, $0x1F  }
0x51: {  	v8 =	vor.u32 v1, v8;
	v32 =	vor.u32 v9, v11;
	v20 =	vor.u32 v1, v20;
	v31 =	vld [tilespmem:s20+$0x30]  }
0x52: {  	v11 =	vor.u32 v29, v20;
	v10 =	vor.u32 $0x80000000, v10;
	v33 =	vld [tilespmem:s20+$0x40];
	v9 =	vshra.s32 v28, $0x1F  }
0x53: {  	v29 =	vor.u32 v5, v8;
	v24 =	vxor.u32 v24, v10;
	v20 =	vld [tilespmem:s20+$0x10];
	v9 =	vor.u32 $0x80000000, v9  }
0x54: {  	v6 =	vor.u32 v1, v6;
	v5 =	vshrl.u32 v24, $0x15;
	v10 =	vld [tilespmem:s20+$0x50];
	v8 =	vxor.u32 v28, v9  }
0x55: {  	v24 =	vand.u32 $0x7F, v26;
	v9 =	vshra.s32 v22, $0x1F;
	v28 =	vld [tilespmem:s20+$0x70];
	v8 =	vshrl.u32 v8, $0x15  }
0x56: {  	v34 =	vshra.s32 v16, $0x1F;
	v19 =	vor.u32 v24, v19;
	v26 =	vld [tilespmem:s20+$0x20];
	v35 =	vand.u32 $0x780, v8  }
0x57: {  	v36 =	vshra.s32 v27, $0x1F;
	v24 =	vshra.s32 v30, $0x1F;
	v9 =	vor.u32 $0x80000000, v9;
	[tilespmem:v11+s9+$0x0] =	vst.idx.add.s32.msk $0xffff, v2  }
0x58: {  	v9 =	vxor.u32 v22, v9;
	v11 =	vor.u32 $0x80000000, v24;
	[tilespmem:v21+s9+$0x0] =	vst.idx.add.s32.msk $0xffff, v2;
	v21 =	vor.u32 v13, v6  }
0x59: {  	v8 =	vand.u32 $0x7F, v8;
	v22 =	vor.u32 v1, v3;
	v6 =	vxor.u32 v30, v11;
	[tilespmem:v15+s9+$0x0] =	vst.idx.add.s32.msk $0xffff, v2  }
0x5a: {  	v3 =	vmovc v35;
	v11 =	vshra.s32 v31, $0x1F;
	v13 =	vshrl.u32 v6, $0x15;
	v15 =	vor.u32 v4, v22;
	[tilespmem:v7+s9+$0x0] =	vst.idx.add.s32.msk $0xffff, v2  }
0x5b: {  	v9 =	vshrl.u32 v9, $0x15;
	v4 =	vmovc v8;
	v7 =	vor.u32 $0x80000000, v11;
	v6 =	vand.u32 $0x780, v13;
	[tilespmem:v14+s9+$0x0] =	vst.idx.add.s32.msk $0xffff, v2  }
0x5c: {  	v8 =	vand.u32 $0x780, v5;
	v11 =	vand.u32 $0x780, v9;
	v7 =	vxor.u32 v31, v7;
	[tilespmem:v19+s9+$0x0] =	vst.idx.add.s32.msk $0xffff, v2  }
0x5d: {  	v17 =	vor.u32 v17, v18;
	v14 =	vshra.s32 v10, $0x1F;
	v7 =	vshrl.u32 v7, $0x15;
	[tilespmem:v25+s9+$0x0] =	vst.idx.add.s32.msk $0xffff, v2  }
0x5e: {  	v11 =	vor.u32 v1, v11;
	v18 =	vand.u32 $0x780, v7;
	v7 =	vand.u32 $0x7F, v7;
	[tilespmem:v23+s9+$0x0] =	vst.idx.add.s32.msk $0xffff, v2  }
0x5f: {  	v22 =	vshra.s32 v26, $0x1F;
	v19 =	vshra.s32 v20, $0x1F;
	v18 =	vor.u32 v1, v18;
	[tilespmem:v21+s9+$0x0] =	vst.idx.add.s32.msk $0xffff, v2  }
0x60: {  	v21 =	vor.u32 $0x80000000, v22;
	v22 =	vor.u32 $0x80000000, v36;
	v7 =	vor.u32 v7, v18;
	[tilespmem:v32+s9+$0x0] =	vst.idx.add.s32.msk $0xffff, v2  }
0x61: {  	v18 =	vor.u32 $0x80000000, v19;
	v21 =	vxor.u32 v26, v21;
	v22 =	vxor.u32 v27, v22;
	[tilespmem:v12+s9+$0x0] =	vst.idx.add.s32.msk $0xffff, v2  }
0x62: {  	v19 =	vor.u32 $0x80000000, v14;
	v12 =	vshra.s32 v33, $0x1F;
	v14 =	vshrl.u32 v21, $0x15;
	[tilespmem:v15+s9+$0x0] =	vst.idx.add.s32.msk $0xffff, v2  }
0x63: {  	v15 =	vxor.u32 v20, v18;
	v12 =	vor.u32 $0x80000000, v12;
	v21 =	vand.u32 $0x780, v14;
	[tilespmem:v17+s9+$0x0] =	vst.idx.add.s32.msk $0xffff, v2  }
0x64: {  	v12 =	vxor.u32 v33, v12;
	v17 =	vshrl.u32 v22, $0x15;
	[tilespmem:v29+s9+$0x0] =	vst.idx.add.s32.msk $0xffff, v2  }
0x65: {  	v12 =	vshrl.u32 v12, $0x15;
	v18 =	vand.u32 $0x780, v17  }
0x66: {  	v22 =	vand.u32 $0x7F, v14;
	v14 =	vand.u32 $0x780, v12;
	v12 =	vand.u32 $0x7F, v12;
	v20 =	vld [tilespmem:s20+$0x0]  }
0x67: {  	v15 =	vshrl.u32 v15, $0x15;
	v23 =	vor.u32 v1, v21;
	v14 =	vor.u32 v1, v14  }
0x68: {  	v25 =	vor.u32 $0x80000000, v34;
	v21 =	vand.u32 $0x7F, v15;
	v14 =	vor.u32 v12, v14  }
.Ltmp1:
0x69: {  	v25 =	vxor.u32 v16, v25;
	v16 =	vand.u32 $0x780, v15;
	v12 =	vshra.s32 v28, $0x1F;
	v24 =	vld [tilespmem:s20+$0x60];
	(pc) =	sbr.rel @!p0 .LBB2_6-.Ltmp1, $4  }
0x6a: {  	v25 =	vshrl.u32 v25, $0x15;
	v15 =	vor.u32 v22, v23;
	v12 =	vor.u32 $0x80000000, v12  }
0x6b: {  	v26 =	vand.u32 $0x780, v25;
	v12 =	vxor.u32 v28, v12;
	v22 =	vshra.s32 v20, $0x1F  }
0x6c: {  	v26 =	vor.u32 v1, v26;
	v23 =	vshrl.u32 v12, $0x15;
	v12 =	vand.u32 $0x7F, v25  }
0x6d: {  	s20 =	smov.u32 s19;
	v12 =	vor.u32 v12, v26;
	v25 =	vor.u32 $0x80000000, v22;
	v22 =	vand.u32 $0x780, v23  }
0x6e: {  	v20 =	vxor.u32 v20, v25  }
0x6f: {  	v20 =	vshrl.u32 v20, $0x15  }
0x70: {  	v50 =	vand.u32 $0x780, v20  }
0x71: {  	v20 =	vand.u32 $0x7F, v20;
	v25 =	vor.u32 v1, v50  }
0x72: {  	v51 =	vshra.s32 v24, $0x1F;
	v16 =	vor.u32 v1, v16;
	v20 =	vor.u32 v20, v25  }
0x73: {  	v10 =	vxor.u32 v10, v19;
	v52 =	vor.u32 $0x80000000, v51;
	v16 =	vor.u32 v21, v16  }
0x74: {  	v10 =	vshrl.u32 v10, $0x15;
	v19 =	vxor.u32 v24, v52  }
0x75: {  	v53 =	vand.u32 $0x780, v10;
	v19 =	vshrl.u32 v19, $0x15  }
0x76: {  	v10 =	vand.u32 $0x7F, v10;
	v21 =	vor.u32 v1, v53;
	v54 =	vand.u32 $0x780, v19  }
0x77: {  	v19 =	vand.u32 $0x7F, v19;
	v10 =	vor.u32 v10, v21;
	v24 =	vor.u32 v1, v54;
	[tilespmem:v20+s9+$0x0] =	vst.idx.add.s32.msk $0xffff, v2  }
0x78: {  	v55 =	vand.u32 $0x7F, v23;
	v56 =	vor.u32 v1, v22;
	v19 =	vor.u32 v19, v24;
	[tilespmem:v16+s9+$0x0] =	vst.idx.add.s32.msk $0xffff, v2  }
0x79: {  	v13 =	vand.u32 $0x7F, v13;
	v6 =	vor.u32 v1, v6;
	v57 =	vor.u32 v55, v56;
	[tilespmem:v15+s9+$0x0] =	vst.idx.add.s32.msk $0xffff, v2  }
0x7a: {  	v9 =	vand.u32 $0x7F, v9;
	v6 =	vor.u32 v13, v6;
	[tilespmem:v7+s9+$0x0] =	vst.idx.add.s32.msk $0xffff, v2  }
0x7b: {  	v58 =	vor.u32 v9, v11;
	[tilespmem:v14+s9+$0x0] =	vst.idx.add.s32.msk $0xffff, v2  }
0x7c: {  	v3 =	vor.u32 v1, v3;
	[tilespmem:v10+s9+$0x0] =	vst.idx.add.s32.msk $0xffff, v2  }
0x7d: {  	v59 =	vor.u32 v1, v18;
	v60 =	vand.u32 $0x7F, v17;
	v3 =	vor.u32 v4, v3;
	[tilespmem:v19+s9+$0x0] =	vst.idx.add.s32.msk $0xffff, v2  }
0x7e: {  	v61 =	vand.u32 $0x7F, v5;
	v62 =	vor.u32 v1, v8;
	v63 =	vor.u32 v60, v59;
	[tilespmem:v57+s9+$0x0] =	vst.idx.add.s32.msk $0xffff, v2  }
0x7f: {  	p0 =	seq.s32 s16, $0x6;
	v4 =	vor.u32 v61, v62;
	[tilespmem:v6+s9+$0x0] =	vst.idx.add.s32.msk $0xffff, v2  }
.Ltmp2:
0x80: {  	[tilespmem:v58+s9+$0x0] =	vst.idx.add.s32.msk $0xffff, v2;
	(pc) =	sbr.rel @!p0 .LBB2_5-.Ltmp2, $4  }
0x81: {  	[tilespmem:v12+s9+$0x0] =	vst.idx.add.s32.msk $0xffff, v2  }
0x82: {  	[tilespmem:v3+s9+$0x0] =	vst.idx.add.s32.msk $0xffff, v2  }
0x83: {  	[tilespmem:v63+s9+$0x0] =	vst.idx.add.s32.msk $0xffff, v2  }
0x84: {  	[tilespmem:v4+s9+$0x0] =	vst.idx.add.s32.msk $0xffff, v2  }
0x85: {  	s16 =	simm.s32 $0x0;
	s15 =	simm.s32 $0xE800  }
0x86: {  	v3 =	vld [tilespmem:s15+$0x0];
	[tilespmem:s15+$0x0] =	vst v0;
	s17 =	sand.u32 $0x7F0, s16  }
0x87: {  	v4 =	vld [tilespmem:s17+$0xF000]  }
0x88: {  	v5 =	vld [tilespmem:s17+$0xF800]  }
0x89: {  	v6 =	vld [tilespmem:s17+$0x10000]  }
0x8a: {  	v7 =	vld [tilespmem:s17+$0x10800]  }
0x8b: {  	v8 =	vld [tilespmem:s17+$0x11000]  }
0x8c: {  	[tilespmem:s17+$0xF000] =	vst v0;
	v3 =	vadd.s32 v3, v4;
	v4 =	vld [tilespmem:s17+$0x11800]  }
0x8d: {  	[tilespmem:s17+$0xF800] =	vst v0;
	v3 =	vadd.s32 v5, v3;
	v5 =	vld [tilespmem:s17+$0x12000]  }
0x8e: {  	[tilespmem:s17+$0x10000] =	vst v0;
	v58 =	vld [tilespmem:s17+$0x12800];
	v3 =	vadd.s32 v6, v3  }
0x8f: {  	[tilespmem:s17+$0x10800] =	vst v0;
	v59 =	vld [tilespmem:s17+$0x13000];
	v3 =	vadd.s32 v7, v3  }
0x90: {  	[tilespmem:s17+$0x11000] =	vst v0;
	v60 =	vld [tilespmem:s17+$0x13800];
	v3 =	vadd.s32 v8, v3  }
0x91: {  	[tilespmem:s17+$0x12800] =	vst v0;
	v3 =	vadd.s32 v4, v3;
	v4 =	vld [tilespmem:s17+$0x14000]  }
0x92: {  	[tilespmem:s17+$0x13000] =	vst v0;
	v3 =	vadd.s32 v5, v3;
	v5 =	vld [tilespmem:s17+$0x14800]  }
0x93: {  	v61 =	vld [tilespmem:s17+$0x15000];
	[tilespmem:s17+$0x13800] =	vst v0;
	v3 =	vadd.s32 v58, v3  }
0x94: {  	v62 =	vld [tilespmem:s17+$0x15800];
	[tilespmem:s17+$0x15000] =	vst v0;
	v3 =	vadd.s32 v59, v3  }
0x95: {  	v63 =	vld [tilespmem:s17+$0x16000];
	[tilespmem:s17+$0x15800] =	vst v0;
	v3 =	vadd.s32 v60, v3  }
0x96: {  	[tilespmem:s17+$0x16000] =	vst v0;
	v3 =	vadd.s32 v4, v3  }
0x97: {  	[tilespmem:s17+$0x11800] =	vst v0;
	v3 =	vadd.s32 v5, v3  }
0x98: {  	[tilespmem:s17+$0x12000] =	vst v0;
	v3 =	vadd.s32 v61, v3  }
0x99: {  	[tilespmem:s17+$0x14000] =	vst v0;
	v3 =	vadd.s32 v62, v3  }
0x9a: {  	s14 =	simm.s32 $0xE000;
	s16 =	simm.s32 $0x10;
	[tilespmem:s17+$0x14800] =	vst v0;
	v3 =	vadd.s32 v63, v3  }
.LBB2_9:
0x9b: {  	p0 =	sne.s32 s16, $0x7F0;
	[tilespmem:s14+$0x0] =	vst v3;
	s15 =	sadd.s32 $0x10, s15;
	s14 =	sadd.s32 $0x10, s14  }
0x9c: {  	s17 =	smov.u32 s16;
	s16 =	sadd.s32 $0x10, s16;
	v3 =	vld [tilespmem:s15+$0x0]  }
0x9d: {  	s17 =	sand.u32 $0x7F0, s17;
	[tilespmem:s15+$0x0] =	vst v0  }
0x9e: {  	v4 =	vld [tilespmem:s17+$0xF000]  }
0x9f: {  	[tilespmem:s17+$0xF000] =	vst v0;
	v5 =	vld [tilespmem:s17+$0xF800]  }
0xa0: {  	[tilespmem:s17+$0xF800] =	vst v0;
	v6 =	vld [tilespmem:s17+$0x10000]  }
0xa1: {  	[tilespmem:s17+$0x10000] =	vst v0;
	v7 =	vld [tilespmem:s17+$0x10800]  }
0xa2: {  	[tilespmem:s17+$0x10800] =	vst v0;
	v8 =	vld [tilespmem:s17+$0x11000]  }
0xa3: {  	v3 =	vadd.s32 v3, v4;
	[tilespmem:s17+$0x11000] =	vst v0;
	v4 =	vld [tilespmem:s17+$0x11800]  }
0xa4: {  	v3 =	vadd.s32 v5, v3;
	[tilespmem:s17+$0x11800] =	vst v0;
	v5 =	vld [tilespmem:s17+$0x12000]  }
0xa5: {  	v3 =	vadd.s32 v6, v3;
	[tilespmem:s17+$0x12000] =	vst v0;
	v6 =	vld [tilespmem:s17+$0x12800]  }
0xa6: {  	v3 =	vadd.s32 v7, v3;
	[tilespmem:s17+$0x12800] =	vst v0;
	v7 =	vld [tilespmem:s17+$0x13000]  }
0xa7: {  	v3 =	vadd.s32 v8, v3;
	[tilespmem:s17+$0x13000] =	vst v0;
	v8 =	vld [tilespmem:s17+$0x13800]  }
0xa8: {  	v3 =	vadd.s32 v4, v3;
	[tilespmem:s17+$0x13800] =	vst v0;
	v4 =	vld [tilespmem:s17+$0x14000]  }
0xa9: {  	v3 =	vadd.s32 v5, v3;
	[tilespmem:s17+$0x14000] =	vst v0;
	v5 =	vld [tilespmem:s17+$0x14800]  }
0xaa: {  	v3 =	vadd.s32 v6, v3;
	[tilespmem:s17+$0x14800] =	vst v0;
	v6 =	vld [tilespmem:s17+$0x15000]  }
0xab: {  	v3 =	vadd.s32 v7, v3;
	[tilespmem:s17+$0x15000] =	vst v0;
	v7 =	vld [tilespmem:s17+$0x15800]  }
0xac: {  	v3 =	vadd.s32 v8, v3;
	[tilespmem:s17+$0x15800] =	vst v0;
	v8 =	vld [tilespmem:s17+$0x16000]  }
.Ltmp3:
0xad: {  	v3 =	vadd.s32 v4, v3;
	[tilespmem:s17+$0x16000] =	vst v0;
	(pc) =	sbr.rel @p0 .LBB2_9-.Ltmp3, $4  }
0xae: {  	v3 =	vadd.s32 v5, v3  }
0xaf: {  	v3 =	vadd.s32 v6, v3  }
0xb0: {  	v3 =	vadd.s32 v7, v3  }
0xb1: {  	v3 =	vadd.s32 v8, v3  }
0xb2: {  	s15 =	sshll.u32 s13, $0x8;
	s13 =	sadd.s32 $0x1, s13  }
0xb3: {  	p0 =	sne.s32 s13, $0x8  }
.Ltmp4:
0xb4: {  	[tilespmem:s14+$0x0] =	vst v3;
	s31 =	sadd.s32 s15, s7;
	(pc) =	sbr.rel @p0 .LBB2_4-.Ltmp4, $4  }
0xb5: {  	[hbm4b:s31+s3] =	stream.linear.scatter [tilespmem:s10], [sflag:$0x3], $0x800, $0x38;
	[tilespmem:$0x16800] =	vst v63  }
0xb6: {  	_ =	swait.ge [sflag:s11], $0x800  }
0xb7: {  	[sflag:s11] =	ssyncset.done $0x0  }
0xb8: {  	[sflag:s11] =	ssyncadd.s32 $0xFFFFF800  }
0xb9: {  	s12 =	sadd.s32 $0x1, s12  }
0xba: {  	p0 =	sne.s32 s12, s8  }
.Ltmp5:
0xbb: {  	_ = 	snop;
	(pc) =	sbr.rel @p0 .LBB2_1-.Ltmp5, $1  }
0xbc: {  	_ =	sdelay $0x3  }
0xbd: {  	_ =	sfence.sel $0x180000  }
0xbe: {  	[bflag:$0x0] =	sbarrier.arrive $0xFFFF  }
0xbf: {  	p0 =	sne.s32 s1, $0x0;
	_ =	strace $0x90000047  }
0xc0: {  	s0 =	sadd.s32 @!p0 $0x100000, s0;
	[bflag:$0x2] =	sbarrier.arrive $0xFFFF  }
0xc1: {  	[sflag:s0] =	ssyncadd.tile.s32 @!p0 $0x1;
	_ =	shalt  }
.Lfunc_end2:
_tile_overlayer_lowered:
.L_overlay_start_2:
0xc2: {  	(tag) =	ssettag $0x2  }
0xc3: {  	s0 =	rddreg [dreg:$0x0];
	s2 =	stileid.u32  }
0xc4: {  	s1 =	rddreg [dreg:$0x1];
	p0 =	sne.s32 s2, $0x0  }
0xc5: {  	s3 =	rddreg [dreg:$0x2];
	[bflag:$0x3] =	sbarrier.arrive $0xFFFF;
	s2 =	simm.s32 @!p0 $0x1C03  }
0xc6: {  	[timem:s3], [sflag:s2] =	dma.local @!p0 [hbm:s0], s1  }
0xc7: {  	s0 =	simm.s32 @!p0 $0x3  }
0xc8: {  	_ =	swait.ge @!p0 [sflag:s0], s1  }
0xc9: {  	s1 =	ssub.s32 @!p0 $0x0, s1;
	[sflag:s0] =	ssyncset.done @!p0 $0x0  }
0xca: {  	[sflag:s0] =	ssyncadd.s32 @!p0 s1  }
0xcb: {  	[bflag:$0x3] =	sbarrier.arrive $0xFFFF  }
0xcc: {  	_ =	shalt  }

// kernel: kernel.9.cloned.1.call-start
scs
__scs_entry_jumppad:
0x0: {  	(pc) =	sbr.rel $0x88, $3  }
0x1: {  	(tag) =	ssettag $0x0;
	lr =	simm.s32 $0x1  }
0x2: {  	[smem:$0x3FA0] =	sst lr;
	_ =	strace $0xD0000000  }
0x3: {  	_ = 	snop  }
0x4: {  	_ = 	snop  }
0x5: {  	_ = 	snop  }
0x6: {  	_ = 	snop  }
0x7: {  	_ = 	snop  }
__scs_overlays_trampoline_lowered:
0x8: {  	[smem:$0x3FAF] =	sst s0  }
0x9: {  	[smem:$0x3FB0] =	sst s1  }
0xa: {  	[smem:$0x3FB1] =	sst s2  }
0xb: {  	[smem:$0x3FB2] =	sst s3  }
0xc: {  	[smem:$0x3FB3] =	sst s4  }
0xd: {  	[smem:$0x3FB4] =	sst s5  }
0xe: {  	[smem:$0x3FB5] =	sst s6  }
0xf: {  	[smem:$0x3FB6] =	sst s7  }
0x10: {  	[smem:$0x3FB7] =	sst s8  }
0x11: {  	[smem:$0x3FB8] =	sst s9;
	s0 =	simm.s32 @!p0 $0x0  }
0x12: {  	s1 =	sld [smem:$0x3F9E];
	s0 =	simm.s32 @p0 $0x1  }
0x13: {  	[smem:$0x3FB9] =	sst s0;
	s0 =	simm.s32 @!p1 $0x0  }
0x14: {  	s2 =	sld [smem:$0x3F9D];
	s0 =	simm.s32 @p1 $0x1  }
0x15: {  	[smem:$0x3FBA] =	sst s0;
	s0 =	simm.s32 @!p2 $0x0  }
0x16: {  	s3 =	sld [smem:$0x3FDB];
	s0 =	simm.s32 @p2 $0x1  }
0x17: {  	s4 =	simm.s32 $0x1BF5;
	[smem:$0x3FBC] =	sst s0  }
0x18: {  	s0 =	sld [smem:$0x3F9F];
	_ =	swait.ge [sflag:s4], $0x0  }
0x19: {  	s7 =	sld [smem:$0x3FA0]  }
0x1a: {  	s8 =	sadd.s32 $0xFFFFE003, lr  }
0x1b: {  	s9 =	sadd.s32 $0xFFFFFEF7, lr;
	s5 =	simm.s32 $0xFFFFFFFF;
	p2 =	slt.u32 s8, $0xFFFFF086  }
0x1c: {  	p1 =	slt.u32 s9, $0xF7A;
	s5 =	simm.s32 @!p2 $0x0  }
0x1d: {  	s5 =	simm.s32 @p1 $0x1;
	p0 =	seq.s32 s7, s2  }
0x1e: {  	s7 =	smul.u32 @!p0 $0xF7A, s2;
	p2 =	seq.s32 @!p0 s5, $0x0  }
0x1f: {  	s9 =	smul.u32 $0xF7A, s1;
	s8 =	simm.s32 @!p0 $0x1BF5;
	p2 =	por !p2, p0  }
0x20: {  	[sflag:s8] =	ssyncset.s32 @!p0 $0xFFFFF086;
	s6 =	sadd.s32 @!p0 s3, s7;
	s7 =	simm.s32 @!p0 $0x108  }
0x21: {  	s3 =	sadd.s32 s3, s9;
	s6 =	sadd.s32 @!p0 $0x88, s6;
	s7 =	simm.s32 @p2 $0x1082  }
0x22: {  	[simem:s7], [sflag:s8] =	dma.local @!p0 [hbm:s6], $0xF7A  }
0x23: {  	s9 =	sor.u32 $0xD0000000, s2;
	s6 =	simm.s32 $0x108;
	_ =	swait.ge @!p0 [sflag:s8], $0x0  }
0x24: {  	s3 =	sadd.s32 $0x88, s3;
	s6 =	simm.s32 @!p1 $0x1082;
	[sflag:s4] =	ssyncset.s32 $0xFFFFF086  }
0x25: {  	[simem:s6], [sflag:s4] =	dma.local [hbm:s3], $0xF7A  }
0x26: {  	[smem:$0x3FA0] =	sst s1;
	(tag) =	ssettag s2;
	_ =	strace s9  }
0x27: {  	s1 =	sld [smem:$0x3FB0]  }
0x28: {  	s2 =	sld [smem:$0x3FB1]  }
0x29: {  	s4 =	sld [smem:$0x3FB3]  }
0x2a: {  	p0 =	seq.s32 s5, $0x0;
	s5 =	sld [smem:$0x3FB4]  }
0x2b: {  	s6 =	sld [smem:$0x3FB5]  }
0x2c: {  	s7 =	sld [smem:$0x3FB6]  }
0x2d: {  	s3 =	simm.s32 $0x108;
	s8 =	sld [smem:$0x3FB7]  }
0x2e: {  	s3 =	simm.s32 @!p0 $0x1082;
	s9 =	sld [smem:$0x3FB8]  }
0x2f: {  	lr =	sadd.s32 s0, s3;
	s0 =	sld [smem:$0x3FAF]  }
0x30: {  	s3 =	sld [smem:$0x3FB2]  }
0x31: {  	[smem:$0x3FBB] =	sst s10  }
0x32: {  	s10 =	sld [smem:$0x3FB9];
	_ =	sdelay $0x3  }
0x33: {  	p0 =	seq.s32 s10, $0x1;
	s10 =	sld [smem:$0x3FBB];
	_ =	sdelay $0x3  }
0x34: {  	[smem:$0x3FBB] =	sst s10  }
0x35: {  	s10 =	sld [smem:$0x3FBA];
	_ =	sdelay $0x3  }
0x36: {  	p1 =	seq.s32 s10, $0x1;
	s10 =	sld [smem:$0x3FBB];
	_ =	sdelay $0x3  }
0x37: {  	[smem:$0x3FBB] =	sst s10  }
0x38: {  	s10 =	sld [smem:$0x3FBC]  }
0x39: {  	_ = 	snop;
	(pc) =	sbr.ind lr, $3  }
0x3a: {  	_ = 	snop  }
0x3b: {  	_ = 	snop  }
0x3c: {  	p2 =	seq.s32 s10, $0x1;
	s10 =	sld [smem:$0x3FBB]  }
0x3d: {  	_ =	shalt  }
0x3e: {  	_ =	shalt  }
0x3f: {  	_ =	shalt  }
0x40: {  	_ =	shalt  }
0x41: {  	_ =	shalt  }
0x42: {  	_ =	shalt  }
0x43: {  	_ =	shalt  }
0x44: {  	_ =	shalt  }
0x45: {  	_ =	shalt  }
0x46: {  	_ =	shalt  }
0x47: {  	_ =	shalt  }
0x48: {  	_ =	shalt  }
0x49: {  	_ =	shalt  }
0x4a: {  	_ =	shalt  }
0x4b: {  	_ =	shalt  }
0x4c: {  	_ =	shalt  }
0x4d: {  	_ =	shalt  }
0x4e: {  	_ =	shalt  }
0x4f: {  	_ =	shalt  }
0x50: {  	_ =	shalt  }
0x51: {  	_ =	shalt  }
0x52: {  	_ =	shalt  }
0x53: {  	_ =	shalt  }
0x54: {  	_ =	shalt  }
0x55: {  	_ =	shalt  }
0x56: {  	_ =	shalt  }
0x57: {  	_ =	shalt  }
0x58: {  	_ =	shalt  }
0x59: {  	_ =	shalt  }
0x5a: {  	_ =	shalt  }
0x5b: {  	_ =	shalt  }
0x5c: {  	_ =	shalt  }
0x5d: {  	_ =	shalt  }
0x5e: {  	_ =	shalt  }
0x5f: {  	_ =	shalt  }
0x60: {  	_ =	shalt  }
0x61: {  	_ =	shalt  }
0x62: {  	_ =	shalt  }
0x63: {  	_ =	shalt  }
0x64: {  	_ =	shalt  }
0x65: {  	_ =	shalt  }
0x66: {  	_ =	shalt  }
0x67: {  	_ =	shalt  }
0x68: {  	_ =	shalt  }
0x69: {  	_ =	shalt  }
0x6a: {  	_ =	shalt  }
0x6b: {  	_ =	shalt  }
0x6c: {  	_ =	shalt  }
0x6d: {  	_ =	shalt  }
0x6e: {  	_ =	shalt  }
0x6f: {  	_ =	shalt  }
0x70: {  	_ =	shalt  }
0x71: {  	_ =	shalt  }
0x72: {  	_ =	shalt  }
0x73: {  	_ =	shalt  }
0x74: {  	_ =	shalt  }
0x75: {  	_ =	shalt  }
0x76: {  	_ =	shalt  }
0x77: {  	_ =	shalt  }
0x78: {  	_ =	shalt  }
0x79: {  	_ =	shalt  }
0x7a: {  	_ =	shalt  }
0x7b: {  	_ =	shalt  }
0x7c: {  	_ =	shalt  }
0x7d: {  	_ =	shalt  }
0x7e: {  	_ =	shalt  }
0x7f: {  	_ =	shalt  }
0x80: {  	_ =	shalt  }
0x81: {  	_ =	shalt  }
0x82: {  	_ =	shalt  }
0x83: {  	_ =	shalt  }
0x84: {  	_ =	shalt  }
0x85: {  	_ =	shalt  }
0x86: {  	_ =	shalt  }
0x87: {  	_ =	shalt  }
.Lfunc_end0:
.L_simem_size_0:
called_computation.1_lowered:
.L_overlay_start_0:
0x88: {  	s2 =	sld [smem:$0x3FD9]  }
0x89: {  	s3 =	sld [smem:$0x3FFE];
	_ =	sdelay $0x1  }
0x8a: {  	s1 =	srdreg.scid  }
0x8b: {  	s0 =	sand.u32 $0x1, s1  }
0x8c: {  	s17 =	sshll.u32 s0, $0xA;
	s2 =	sadd.s32 s3, s2  }
0x8d: {  	s2 =	sadd.s32 s2, s17  }
0x8e: {  	[smem:$0x3FC7] =	sst s2  }
0x8f: {  	_ = 	snop  }
0x90: {  	s2 =	sld [smem:$0x3FC9]  }
0x91: {  	s18 =	sld [smem:$0x3FD0];
	(tm) =	ssettm $0x1  }
0x92: {  	s4 =	sld [smem:$0x3FFB];
	_ =	sdelay $0x3  }
0x93: {  	_ =	strace s4  }
0x94: {  	s4 =	sld [smem:$0x3FFC];
	_ =	sdelay $0x3  }
0x95: {  	_ =	strace s4  }
0x96: {  	s4 =	sld [smem:$0x3FFD];
	_ =	sdelay $0x3  }
0x97: {  	_ =	strace s4  }
0x98: {  	_ =	strace $0x8FFFFFFF  }
0x99: {  	s19 =	sld [smem:$0x3FDB];
	_ =	sdelay $0x1  }
0x9a: {  	s5 =	simm.s32 $_scs_section_size  }
0x9b: {  	s6 =	simm.s32 $_size__tile_overlayer_lowered;
	s7 =	simm.s32 $_tile_overlayer_lowered  }
0x9c: {  	s22 =	simm.s32 $0x1BFF;
	s21 =	sshll.u32 s7, $0x1;
	s4 =	sadd.s32 s5, s19  }
0x9d: {  	s8 =	simm.s32 $0x0;
	s20 =	sshll.u32 s6, $0x1;
	s6 =	sadd.s32 s21, s4  }
0x9e: {  	[timem:s8], [sflag:s22] =	dma.local [hbm:s6], s20  }
0x9f: {  	_ =	swait.ge [sflag:s22], s20  }
0xa0: {  	s5 =	ssub.s32 $0x0, s20;
	[sflag:s22] =	ssyncset.done $0x0  }
0xa1: {  	[sflag:s22] =	ssyncadd.s32 s5;
	_ =	sdelay $0x1  }
0xa2: {  	s23 =	simm.s32 $0x1B8B  }
0xa3: {  	_ =	swait.ge [sflag:s23], $0x1  }
0xa4: {  	[sflag:s23] =	ssyncset.done $0x0  }
0xa5: {  	s25 =	simm.s32 $0x1B8E;
	s24 =	sld [smem:$0x3FFE];
	[sflag:s23] =	ssyncadd.s32 $0xFFFFFFFF  }
0xa6: {  	s26 =	simm.s32 $execute0_lowered;
	[smem:$0x3FD2] =	sst s25  }
0xa7: {  	s6 =	sshll.u32 s26, $0x1;
	_ =	strace $0x80000049;
	[dreg:$0x1] =	wrdreg $0xFFFFFFFF  }
0xa8: {  	s28 =	simm.s32 $_size_execute0_lowered;
	s4 =	sadd.s32 s4, s6;
	[dreg:$0x0] =	wrdreg $0x0  }
0xa9: {  	s6 =	sshll.u32 s28, $0x1;
	[dreg:$0x2] =	wrdreg s4  }
0xaa: {  	[dreg:$0x3] =	wrdreg s6  }
0xab: {  	[dreg:$0x4] =	wrdreg $0xC0  }
0xac: {  	_ =	task [dreg:s8], $0x5FFFF  }
0xad: {  	[dreg:$0x1] =	wrdreg $0xFFFFFFFF  }
0xae: {  	[dreg:$0x0] =	wrdreg $0x60  }
0xaf: {  	[dreg:$0x2] =	wrdreg s2  }
0xb0: {  	[dreg:$0x3] =	wrdreg s24  }
0xb1: {  	[dreg:$0x4] =	wrdreg s18  }
0xb2: {  	[dreg:$0x5] =	wrdreg $0x9  }
0xb3: {  	_ =	task.clear_ibuf [dreg:s8], $0x6FFFF;
	_ =	strace $0x90000049  }
0xb4: {  	s29 =	simm.s32 $0x9;
	_ =	strace $0x8000004B  }
0xb5: {  	_ =	swait.ge [sflag:s29], $0x1  }
0xb6: {  	[sflag:s29] =	ssyncadd.s32 $0xFFFFFFFF  }
0xb7: {  	_ =	strace $0x9000004B  }
0xb8: {  	_ =	sfence  }
0xb9: {  	s30 =	sld [smem:$0x0];
	_ =	sdelay $0x2  }
0xba: {  	s31 =	sshll.u32 s1, $0xD;
	s1 =	sshrl.u32 s1, $0x2  }
0xbb: {  	s3 =	sand.u32 $0x4000, s31;
	s1 =	sadd.s32 s1, s30  }
0xbc: {  	s0 =	sor.u32 s3, s0;
	s1 =	sshll.u32 s1, $0x11  }
0xbd: {  	s0 =	sor.u32 s1, s0  }
0xbe: {  	s0 =	sadd.s32 $0x8F2B, s0  }
0xbf: {  	[sflag:s0] =	ssyncadd.remote.s32 $0x1  }
0xc0: {  	_ =	sfence.sel $0xFFFF  }
0xc1: {  	[dreg:$0x0] =	wrdreg $0xFFFFFFFF;
	(pc) =	sbr.abs _section_cstart, $3  }
0xc2: {  	[dreg:$0x1] =	wrdreg $0xFFFFFFFF  }
0xc3: {  	_ =	task.clear_ibuf [dreg:s8], $0x2FFFF;
	_ =	strace $0x9FFFFFFF  }
0xc4: {  	(tm) =	ssettm $0x7FFFFFFF  }
0xc5: {  	_ =	shalt  }
tec
execute0_lowered:
.L_overlay_start_1:
0x0: {  	(tag) =	ssettag $0x1  }
0x1: {  	s1 =	rddreg [dreg:$0x0]  }
0x2: {  	s4 =	rddreg [dreg:$0x1];
	s0 =	srdreg.scid  }
0x3: {  	s8 =	rddreg [dreg:$0x2];
	s2 =	stileid.u32  }
0x4: {  	s3 =	simm.s32 $0x0;
	s12 =	simm.s32 $0xE880;
	s13 =	simm.s32 $0xE080  }
0x5: {  	s14 =	simm.s32 $0x0;
	s5 =	sand.u32 $0x1, s0;
	s0 =	rddreg [dreg:$0x3]  }
0x6: {  	[smem:$0x7FF] =	sst s3;
	s4 =	sadd.s32 $0x1200, s4;
	s6 =	sshll.u32 s5, $0x4  }
0x7: {  	s5 =	ssub.s32 $0x2, s5;
	_ =	strace $0x8000004A;
	s6 =	sor.u32 s2, s6  }
0x8: {  	s7 =	sshrl.u32 s5, $0x1;
	s9 =	smul.u32 $0x2A000, s6;
	s11 =	sshll.u32 s6, $0xB  }
0x9: {  	s10 =	ssub.s32 s5, s7;
	s5 =	smul.u32 $0x3, s6;
	s8 =	sadd.s32 s8, s11  }
0xa: {  	v1 =	vlaneseq.u32;
	s11 =	simm.s32 $0x3;
	s31 =	sshrl.u32 s9, $0x3;
	s7 =	sadd.s32 $0x540000, s9  }
0xb: {  	v0 =	vimm.s32 $0x0;
	v2 =	vimm.s32 $0x1;
	v1 =	vmul.u32 $0x800, v1;
	s9 =	smax.u32 s10, $0x1;
	s10 =	simm.s32 $0xE000;
	s6 =	sadd.s32 s1, s31  }
.LBB2_1:
0xc: {  	[tilespmem:s3], [sflag:$0x1] =	stream.linear.gather [hbm4b:s6+s3], $0x7000, $0x38;
	[tilespmem:$0x16880] =	vst v63  }
0xd: {  	s15 =	simm.s32 $0x40;
	s16 =	simm.s32 $0x0  }
.LBB2_2:
0xe: {  	p0 =	sne.s32 s15, $0x1FFC0;
	[tilespmem:s16+$0xE880] =	vst v0;
	s16 =	smov.u32 s15;
	s15 =	sadd.s32 $0x40, s15  }
.Ltmp0:
0xf: {  	(pc) =	sbr.rel @p0 .LBB2_2-.Ltmp0, $2  }
0x10: {  	_ =	sdelay $0x2  }
0x11: {  	s16 =	sshra.s32 s16, $0x2  }
0x12: {  	[tilespmem:s16+$0xE880] =	vst v0;
	s15 =	simm.s32 $0x0;
	s16 =	simm.s32 $0x0  }
.LBB2_4:
0x13: {  	s17 =	sshll.u32 s16, $0x1  }
0x14: {  	s17 =	sadd.s32 s4, s17  }
0x15: {  	[tilespmem:s10], [sflag:$0x3] =	stream.linear.gather [hbm4b:s17+s15], $0x10, $0x38;
	[tilespmem:$0x16880] =	vst v63  }
0x16: {  	_ =	swait.ge [sflag:s11], $0x10  }
0x17: {  	s17 =	smul.u32 $0x540000, s16;
	[sflag:s11] =	ssyncset.done $0x0  }
0x18: {  	[sflag:s11] =	ssyncadd.s32 $0xFFFFFFF0  }
0x19: {  	s18 =	sadd.s32 s17, s7;
	v3 =	vld [tilespmem:$0xE000]  }
0x1a: {  	s18 =	sshrl.u32 s18, $0x3  }
0x1b: {  	s19 =	simm.s32 $0x0;
	s18 =	sadd.s32 s1, s18  }
.LBB2_5:
0x1c: {  	s20 =	sand.u32 $0x1, s19  }
0x1d: {  	p0 =	seq.s32 s19, $0x5;
	s21 =	sadd.s32 $0x1, s20  }
0x1e: {  	p1 =	seq.s32 @p0 s16, $0x7;
	_ =	swait.ge [sflag:s21], $0x7000  }
0x1f: {  	p1 =	por p1, !p0;
	[sflag:s21] =	ssyncset.done $0x0  }
0x20: {  	s19 =	sadd.s32 $0x1, s19;
	[sflag:s21] =	ssyncadd.s32 $0xFFFF9000;
	s21 =	simm.s32 @!p1 $0x0  }
0x21: {  	[tilespmem:s21], [sflag:$0x1] =	stream.linear.gather @!p1 [hbm4b:s18+s21], $0x7000, $0x38;
	[tilespmem:$0x16880] =	vst v63  }
0x22: {  	s22 =	sand.u32 @!p0 $0x1, s19;
	s21 =	sshrl.u32 @!p0 s19, $0x1  }
0x23: {  	s23 =	smul.u32 @!p0 $0x7000, s22;
	s21 =	sadd.s32 @!p0 s5, s21  }
0x24: {  	s21 =	smul.u32 @!p0 $0xE000, s21  }
0x25: {  	s29 =	smul.u32 $0x1C000, s20;
	s23 =	sor.u32 @!p0 s17, s23  }
0x26: {  	s24 =	smul.u32 @!p0 $0x1C000, s22;
	s21 =	sadd.s32 @!p0 s21, s23  }
0x27: {  	s20 =	simm.s32 $0x0;
	s22 =	sadd.s32 @!p0 $0x1, s22;
	s21 =	sshrl.u32 @!p0 s21, $0x3  }
0x28: {  	s23 =	sshrl.u32 @!p0 s24, $0x2;
	s24 =	simm.s32 @!p0 $0x0;
	s21 =	sadd.s32 @!p0 s1, s21  }
0x29: {  	[tilespmem:s23], [sflag:s22] =	stream.linear.gather @!p0 [hbm4b:s21+s24], $0x7000, $0x38;
	[tilespmem:$0x16880] =	vst v63  }
0x2a: {  	s30 =	sand.u32 $0x7800, s20;
	s21 =	sshrl.u32 s29, $0x2  }
0x2b: {  	s31 =	sand.u32 $0x380, s20;
	s22 =	sadd.s32 s30, s21  }
0x2c: {  	s22 =	sadd.s32 s31, s22  }
0x2d: {  	v4 =	vld [tilespmem:s22+$0x410]  }
0x2e: {  	v6 =	vld [tilespmem:s22+$0x400]  }
0x2f: {  	v8 =	vld [tilespmem:s22+$0x50]  }
0x30: {  	v11 =	vld [tilespmem:s22+$0x20]  }
0x31: {  	v23 =	vld [tilespmem:s22+$0x420];
	_ =	sdelay $0x1  }
0x32: {  	v7 =	vld [tilespmem:s22+$0x430]  }
0x33: {  	v21 =	vld [tilespmem:s22+$0x70]  }
0x34: {  	v10 =	vld [tilespmem:s22+$0x30];
	v5 =	vshra.s32 v4, $0x1F;
	v12 =	vshra.s32 v6, $0x1F  }
0x35: {  	v9 =	vld [tilespmem:s22+$0x40];
	v13 =	vshra.s32 v8, $0x1F;
	v14 =	vshra.s32 v11, $0x1F;
	v24 =	vshra.s32 v23, $0x1F  }
0x36: {  	v5 =	vor.u32 $0x80000000, v5;
	v12 =	vor.u32 $0x80000000, v12;
	v14 =	vor.u32 $0x80000000, v14  }
0x37: {  	v24 =	vor.u32 $0x80000000, v24;
	v5 =	vxor.u32 v4, v5;
	v4 =	vor.u32 $0x80000000, v13  }
0x38: {  	v13 =	vshra.s32 v21, $0x1F;
	v23 =	vxor.u32 v23, v24;
	v18 =	vxor.u32 v8, v4  }
0x39: {  	v22 =	vor.u32 $0x80000000, v13;
	v8 =	vxor.u32 v6, v12;
	v4 =	vshra.s32 v10, $0x1F  }
0x3a: {  	v6 =	vshra.s32 v9, $0x1F;
	v13 =	vshra.s32 v7, $0x1F;
	v26 =	vshrl.u32 v23, $0xA  }
0x3b: {  	v4 =	vor.u32 $0x80000000, v4;
	v6 =	vor.u32 $0x80000000, v6;
	v20 =	vshrl.u32 v8, $0xA  }
0x3c: {  	v13 =	vor.u32 $0x80000000, v13;
	v24 =	vshrl.u32 v18, $0xA;
	v22 =	vxor.u32 v21, v22  }
0x3d: {  	v12 =	vld [tilespmem:s22+$0x0];
	v21 =	vand.u32 $0x7FF, v26;
	v4 =	vxor.u32 v10, v4;
	v9 =	vxor.u32 v9, v6  }
0x3e: {  	v6 =	vshrl.u32 v5, $0xA;
	v13 =	vxor.u32 v7, v13;
	v25 =	vand.u32 $0x7FF, v20  }
0x3f: {  	v20 =	vshrl.u32 v18, $0x15;
	v18 =	vand.u32 $0x7FF, v24;
	v24 =	vshrl.u32 v23, $0x15  }
0x40: {  	v23 =	vshrl.u32 v22, $0xA;
	v10 =	vshrl.u32 v4, $0xA;
	v4 =	vshrl.u32 v4, $0x15  }
0x41: {  	v15 =	vld [tilespmem:s22+$0x60];
	v22 =	vshrl.u32 v22, $0x15;
	v6 =	vand.u32 $0x7FF, v6;
	vm0 =	veq.s32 v4, v3  }
0x42: {  	v4 =	vshrl.u32 v9, $0x15;
	v9 =	vshrl.u32 v9, $0xA;
	v16 =	vshra.s32 v12, $0x1F  }
0x43: {  	vm1 =	veq.s32 v4, v3;
	v4 =	vand.u32 $0x7FF, v10;
	v10 =	vxor.u32 v11, v14  }
0x44: {  	v17 =	vand.u32 $0x7FF, v9;
	v11 =	vor.u32 $0x80000000, v16;
	v16 =	vshrl.u32 v10, $0xA  }
0x45: {  	v14 =	vshrl.u32 v10, $0x15;
	v11 =	vxor.u32 v12, v11;
	v12 =	vshrl.u32 v8, $0x15  }
0x46: {  	v9 =	vld [tilespmem:s22+$0x450];
	v8 =	vshra.s32 v15, $0x1F;
	v7 =	vshrl.u32 v11, $0xA;
	v11 =	vshrl.u32 v11, $0x15  }
0x47: {  	v10 =	vor.u32 $0x80000000, v8;
	v8 =	vld [tilespmem:s22+$0x440];
	v19 =	vand.u32 $0x7FF, v7;
	vm2 =	veq.s32 v11, v3  }
0x48: {  	v23 =	vand.u32 $0x7FF, v23;
	vm0 =	vmmov vm0;
	v11 =	vld [tilespmem:s22+$0x10];
	v27 =	vor.u32 v1, v19  }
0x49: {  	v4 =	vor.u32 v1, v4;
	vm1 =	vmmov vm1;
	v16 =	vand.u32 $0x7FF, v16  }
0x4a: {  	v7 =	vor.u32 v1, v17;
	v17 =	vxor.u32 v15, v10;
	v15 =	vshrl.u32 v13, $0xA  }
0x4b: {  	v10 =	vshrl.u32 v13, $0x15;
	v15 =	vand.u32 $0x7FF, v15;
	v19 =	vshrl.u32 v17, $0xA  }
0x4c: {  	v17 =	vshrl.u32 v17, $0x15;
	v13 =	vshra.s32 v9, $0x1F;
	v28 =	vshra.s32 v8, $0x1F  }
0x4d: {  	s23 =	simm.s32 $0x100;
	v19 =	vand.u32 $0x7FF, v19;
	v26 =	vshra.s32 v11, $0x1F;
	[tilespmem:v27+s12+$0x0] =	vst.idx.add.s32.msk vm2, v2;
	v27 =	vor.u32 $0x80000000, v28  }
.LBB2_6:
0x4e: {  	s22 =	smov.u32 s23  }
0x4f: {  	s24 =	sand.u32 $0x7800, s23;
	v27 =	vxor.u32 v8, v27;
	v8 =	vor.u32 $0x80000000, v13;
	v13 =	vor.u32 v1, v25;
	s20 =	sadd.s32 $0x80, s20;
	s22 =	sadd.s32 $0x100, s23  }
0x50: {  	p0 =	seq.s32 s23, $0x6F00;
	v25 =	vor.u32 $0x80000000, v26;
	vm2 =	veq.s32 v12, v3;
	s25 =	sand.u32 $0x380, s20;
	s24 =	sadd.s32 s24, s21;
	v8 =	vxor.u32 v9, v8  }
0x51: {  	v9 =	vxor.u32 v11, v25;
	s23 =	sadd.s32 s25, s24;
	v11 =	vshrl.u32 v8, $0xA;
	v12 =	vshrl.u32 v8, $0x15  }
0x52: {  	vm9 =	veq.s32 v14, v3;
	v26 =	vor.u32 v1, v15;
	v25 =	vshrl.u32 v9, $0xA;
	v8 =	vld [tilespmem:s23+$0x440]  }
0x53: {  	vm3 =	veq.s32 v24, v3;
	v16 =	vor.u32 v1, v16;
	v14 =	vand.u32 $0x7FF, v25;
	v15 =	vld [tilespmem:s23+$0x430]  }
0x54: {  	vm7 =	veq.s32 v17, v3;
	v17 =	vor.u32 v1, v19;
	v9 =	vshrl.u32 v9, $0x15;
	v24 =	vld [tilespmem:s23+$0x410]  }
0x55: {  	v5 =	vshrl.u32 v5, $0x15;
	v25 =	vshrl.u32 v27, $0xA;
	v27 =	vshrl.u32 v27, $0x15;
	v19 =	vld [tilespmem:s23+$0x40]  }
0x56: {  	v21 =	vor.u32 v1, v21;
	vm6 =	veq.s32 v5, v3;
	vm11 =	veq.s32 v9, v3;
	v28 =	vld [tilespmem:s23+$0x400]  }
0x57: {  	vm4 =	veq.s32 v10, v3;
	v10 =	vand.u32 $0x7FF, v11;
	v5 =	vand.u32 $0x7FF, v25;
	v9 =	vld [tilespmem:s23+$0x50]  }
0x58: {  	vm10 =	veq.s32 v22, v3;
	v22 =	vor.u32 v1, v23;
	v23 =	vor.u32 v1, v10;
	v29 =	vld [tilespmem:s23+$0x70]  }
0x59: {  	vm12 =	veq.s32 v20, v3;
	v20 =	vor.u32 v1, v5;
	v10 =	vld [tilespmem:s23+$0x0];
	v11 =	vshra.s32 v24, $0x1F  }
0x5a: {  	vm5 =	veq.s32 v12, v3;
	v12 =	vor.u32 v1, v18;
	v18 =	vor.u32 v1, v6;
	v25 =	vld [tilespmem:s23+$0x30]  }
0x5b: {  	vm8 =	veq.s32 v27, v3;
	v6 =	vor.u32 $0x80000000, v11;
	v30 =	vld [tilespmem:s23+$0x20];
	v5 =	vshra.s32 v28, $0x1F  }
0x5c: {  	v11 =	vshra.s32 v9, $0x1F;
	v27 =	vor.u32 $0x80000000, v5;
	v5 =	vxor.u32 v24, v6  }
0x5d: {  	v14 =	vor.u32 v1, v14;
	v24 =	vld [tilespmem:s23+$0x420];
	v6 =	vor.u32 $0x80000000, v11;
	v11 =	vshra.s32 v29, $0x1F  }
0x5e: {  	v27 =	vxor.u32 v28, v27;
	v31 =	vxor.u32 v9, v6;
	v32 =	vor.u32 $0x80000000, v11  }
0x5f: {  	v33 =	vshra.s32 v15, $0x1F;
	v28 =	vshra.s32 v19, $0x1F;
	v11 =	vld [tilespmem:s23+$0x10];
	v6 =	vshra.s32 v25, $0x1F  }
0x60: {  	v28 =	vor.u32 $0x80000000, v28;
	v9 =	vld [tilespmem:s23+$0x450];
	v34 =	vshra.s32 v30, $0x1F;
	v6 =	vor.u32 $0x80000000, v6  }
0x61: {  	v19 =	vxor.u32 v19, v28;
	v35 =	vld [tilespmem:s23+$0x60];
	v6 =	vxor.u32 v25, v6;
	v25 =	vshrl.u32 v5, $0xA  }
0x62: {  	v28 =	vshrl.u32 v6, $0xA;
	v36 =	vshrl.u32 v6, $0x15;
	v6 =	vand.u32 $0x7FF, v25;
	[tilespmem:v14+s12+$0x0] =	vst.idx.add.s32.msk vm11, v2  }
0x63: {  	v14 =	vor.u32 $0x80000000, v34;
	v25 =	vshrl.u32 v19, $0x15;
	vm11 =	veq.s32 v36, v3;
	[tilespmem:v16+s12+$0x0] =	vst.idx.add.s32.msk vm9, v2  }
0x64: {  	v16 =	vshra.s32 v10, $0x1F;
	vm9 =	veq.s32 v25, v3;
	v25 =	vand.u32 $0x7FF, v28;
	[tilespmem:v4+s12+$0x0] =	vst.idx.add.s32.msk vm0, v2  }
0x65: {  	v14 =	vxor.u32 v30, v14;
	v28 =	vshrl.u32 v27, $0xA;
	v4 =	vor.u32 v1, v25;
	[tilespmem:v7+s12+$0x0] =	vst.idx.add.s32.msk vm1, v2  }
0x66: {  	v19 =	vshrl.u32 v19, $0xA;
	v7 =	vor.u32 $0x80000000, v16;
	v16 =	vshrl.u32 v14, $0xA;
	[tilespmem:v12+s12+$0x0] =	vst.idx.add.s32.msk vm12, v2  }
0x67: {  	v7 =	vxor.u32 v10, v7;
	v12 =	vshrl.u32 v27, $0x15;
	v10 =	vand.u32 $0x7FF, v19;
	[tilespmem:v17+s12+$0x0] =	vst.idx.add.s32.msk vm7, v2  }
0x68: {  	v14 =	vshrl.u32 v14, $0x15;
	v19 =	vor.u32 $0x80000000, v33;
	v17 =	vshra.s32 v35, $0x1F;
	[tilespmem:v22+s12+$0x0] =	vst.idx.add.s32.msk vm10, v2  }
0x69: {  	v15 =	vxor.u32 v15, v19;
	v19 =	vshrl.u32 v7, $0xA;
	v17 =	vor.u32 $0x80000000, v17;
	[tilespmem:v13+s12+$0x0] =	vst.idx.add.s32.msk vm2, v2  }
0x6a: {  	v19 =	vand.u32 $0x7FF, v19;
	v13 =	vshrl.u32 v7, $0x15;
	v7 =	vor.u32 v1, v10;
	[tilespmem:v18+s12+$0x0] =	vst.idx.add.s32.msk vm6, v2  }
0x6b: {  	v17 =	vxor.u32 v35, v17;
	v27 =	vor.u32 v1, v19;
	v18 =	vshrl.u32 v15, $0xA;
	[tilespmem:v21+s12+$0x0] =	vst.idx.add.s32.msk vm3, v2  }
0x6c: {  	v16 =	vand.u32 $0x7FF, v16;
	v10 =	vshrl.u32 v15, $0x15;
	v15 =	vand.u32 $0x7FF, v18;
	[tilespmem:v26+s12+$0x0] =	vst.idx.add.s32.msk vm4, v2  }
0x6d: {  	vm1 =	veq.s32 v13, v3;
	v18 =	vshrl.u32 v17, $0xA;
	v17 =	vshrl.u32 v17, $0x15;
	[tilespmem:v20+s12+$0x0] =	vst.idx.add.s32.msk vm8, v2  }
0x6e: {  	v13 =	vshra.s32 v9, $0x1F;
	v19 =	vand.u32 $0x7FF, v18;
	v20 =	vshra.s32 v24, $0x1F;
	[tilespmem:v23+s12+$0x0] =	vst.idx.add.s32.msk vm5, v2  }
0x6f: {  	v25 =	vand.u32 $0x7FF, v28;
	v18 =	vor.u32 $0x80000000, v20;
	v23 =	vshra.s32 v8, $0x1F  }
.Ltmp1:
0x70: {  	vm0 =	vmmov vm11;
	v21 =	vxor.u32 v24, v18;
	v18 =	vshrl.u32 v31, $0xA;
	(pc) =	sbr.rel @!p0 .LBB2_6-.Ltmp1, $4  }
0x71: {  	v20 =	vshrl.u32 v31, $0x15;
	v22 =	vshrl.u32 v21, $0xA;
	v18 =	vand.u32 $0x7FF, v18  }
0x72: {  	v28 =	vxor.u32 v29, v32;
	v24 =	vshrl.u32 v21, $0x15;
	v21 =	vand.u32 $0x7FF, v22  }
0x73: {  	v29 =	vshrl.u32 v28, $0xA;
	v26 =	vshra.s32 v11, $0x1F;
	v22 =	vshrl.u32 v28, $0x15;
	[tilespmem:v27+s12+$0x0] =	vst.idx.add.s32.msk vm1, v2  }
0x74: {  	s23 =	smov.u32 s22;
	v27 =	vor.u32 $0x80000000, v23;
	v23 =	vand.u32 $0x7FF, v29;
	vm1 =	vmmov vm9  }
0x75: {  	v26 =	vor.u32 $0x80000000, v26  }
0x76: {  	v11 =	vxor.u32 v11, v26  }
0x77: {  	v26 =	vshrl.u32 v11, $0xA;
	v11 =	vshrl.u32 v11, $0x15  }
0x78: {  	v26 =	vand.u32 $0x7FF, v26;
	vm2 =	veq.s32 v11, v3  }
0x79: {  	vm3 =	veq.s32 v14, v3;
	v53 =	vor.u32 v1, v26  }
0x7a: {  	v54 =	vor.u32 v1, v16  }
0x7b: {  	v8 =	vxor.u32 v8, v27;
	v55 =	vor.u32 v1, v25  }
0x7c: {  	vm4 =	veq.s32 v20, v3;
	vm5 =	veq.s32 v17, v3;
	v56 =	vor.u32 v1, v18  }
0x7d: {  	v57 =	vor.u32 v1, v19;
	vm6 =	veq.s32 v22, v3;
	vm10 =	veq.s32 v12, v3  }
0x7e: {  	v58 =	vor.u32 v1, v23;
	vm12 =	veq.s32 v24, v3;
	[tilespmem:v53+s12+$0x0] =	vst.idx.add.s32.msk vm2, v2  }
0x7f: {  	v5 =	vshrl.u32 v5, $0x15;
	v61 =	vor.u32 v1, v21;
	vm13 =	veq.s32 v10, v3;
	[tilespmem:v54+s12+$0x0] =	vst.idx.add.s32.msk vm3, v2  }
0x80: {  	v13 =	vor.u32 $0x80000000, v13;
	v62 =	vor.u32 v1, v15;
	vm11 =	veq.s32 v5, v3;
	[tilespmem:v4+s12+$0x0] =	vst.idx.add.s32.msk vm0, v2  }
0x81: {  	v9 =	vxor.u32 v9, v13;
	v5 =	vor.u32 v1, v6;
	[tilespmem:v7+s12+$0x0] =	vst.idx.add.s32.msk vm1, v2  }
0x82: {  	v60 =	vshrl.u32 v8, $0x15;
	v59 =	vshrl.u32 v9, $0xA;
	v4 =	vshrl.u32 v8, $0xA;
	[tilespmem:v56+s12+$0x0] =	vst.idx.add.s32.msk vm4, v2  }
0x83: {  	v9 =	vshrl.u32 v9, $0x15;
	vm14 =	veq.s32 v60, v3;
	v4 =	vand.u32 $0x7FF, v4;
	[tilespmem:v57+s12+$0x0] =	vst.idx.add.s32.msk vm5, v2  }
0x84: {  	v63 =	vand.u32 $0x7FF, v59;
	vm15 =	veq.s32 v9, v3;
	v4 =	vor.u32 v1, v4;
	[tilespmem:v58+s12+$0x0] =	vst.idx.add.s32.msk vm6, v2  }
0x85: {  	p0 =	seq.s32 s19, $0x6;
	v6 =	vor.u32 v1, v63;
	[tilespmem:v55+s12+$0x0] =	vst.idx.add.s32.msk vm10, v2  }
.Ltmp2:
0x86: {  	[tilespmem:v5+s12+$0x0] =	vst.idx.add.s32.msk vm11, v2;
	(pc) =	sbr.rel @!p0 .LBB2_5-.Ltmp2, $4  }
0x87: {  	[tilespmem:v61+s12+$0x0] =	vst.idx.add.s32.msk vm12, v2  }
0x88: {  	[tilespmem:v62+s12+$0x0] =	vst.idx.add.s32.msk vm13, v2  }
0x89: {  	[tilespmem:v4+s12+$0x0] =	vst.idx.add.s32.msk vm14, v2  }
0x8a: {  	[tilespmem:v6+s12+$0x0] =	vst.idx.add.s32.msk vm15, v2  }
0x8b: {  	s19 =	simm.s32 $0x0;
	s18 =	simm.s32 $0xE880  }
0x8c: {  	v3 =	vld [tilespmem:s18+$0x0];
	[tilespmem:s18+$0x0] =	vst v0;
	s20 =	sand.u32 $0x7F0, s19  }
0x8d: {  	v4 =	vld [tilespmem:s20+$0xF080]  }
0x8e: {  	v5 =	vld [tilespmem:s20+$0xF880]  }
0x8f: {  	v6 =	vld [tilespmem:s20+$0x10080]  }
0x90: {  	v7 =	vld [tilespmem:s20+$0x10880]  }
0x91: {  	v8 =	vld [tilespmem:s20+$0x11080]  }
0x92: {  	[tilespmem:s20+$0xF080] =	vst v0;
	v3 =	vadd.s32 v3, v4;
	v4 =	vld [tilespmem:s20+$0x11880]  }
0x93: {  	[tilespmem:s20+$0xF880] =	vst v0;
	v3 =	vadd.s32 v5, v3;
	v5 =	vld [tilespmem:s20+$0x12080]  }
0x94: {  	[tilespmem:s20+$0x10080] =	vst v0;
	v58 =	vld [tilespmem:s20+$0x12880];
	v3 =	vadd.s32 v6, v3  }
0x95: {  	[tilespmem:s20+$0x10880] =	vst v0;
	v59 =	vld [tilespmem:s20+$0x13080];
	v3 =	vadd.s32 v7, v3  }
0x96: {  	[tilespmem:s20+$0x11080] =	vst v0;
	v60 =	vld [tilespmem:s20+$0x13880];
	v3 =	vadd.s32 v8, v3  }
0x97: {  	[tilespmem:s20+$0x12880] =	vst v0;
	v3 =	vadd.s32 v4, v3;
	v4 =	vld [tilespmem:s20+$0x14080]  }
0x98: {  	[tilespmem:s20+$0x13080] =	vst v0;
	v3 =	vadd.s32 v5, v3;
	v5 =	vld [tilespmem:s20+$0x14880]  }
0x99: {  	v61 =	vld [tilespmem:s20+$0x15080];
	[tilespmem:s20+$0x13880] =	vst v0;
	v3 =	vadd.s32 v58, v3  }
0x9a: {  	v62 =	vld [tilespmem:s20+$0x15880];
	[tilespmem:s20+$0x15080] =	vst v0;
	v3 =	vadd.s32 v59, v3  }
0x9b: {  	v63 =	vld [tilespmem:s20+$0x16080];
	[tilespmem:s20+$0x15880] =	vst v0;
	v3 =	vadd.s32 v60, v3  }
0x9c: {  	[tilespmem:s20+$0x16080] =	vst v0;
	v3 =	vadd.s32 v4, v3  }
0x9d: {  	[tilespmem:s20+$0x11880] =	vst v0;
	v3 =	vadd.s32 v5, v3  }
0x9e: {  	[tilespmem:s20+$0x12080] =	vst v0;
	v3 =	vadd.s32 v61, v3  }
0x9f: {  	[tilespmem:s20+$0x14080] =	vst v0;
	v3 =	vadd.s32 v62, v3  }
0xa0: {  	s17 =	simm.s32 $0xE080;
	s19 =	simm.s32 $0x10;
	[tilespmem:s20+$0x14880] =	vst v0;
	v3 =	vadd.s32 v63, v3  }
.LBB2_9:
0xa1: {  	p0 =	sne.s32 s19, $0x7F0;
	[tilespmem:s17+$0x0] =	vst v3;
	s18 =	sadd.s32 $0x10, s18;
	s17 =	sadd.s32 $0x10, s17  }
0xa2: {  	s20 =	smov.u32 s19;
	s19 =	sadd.s32 $0x10, s19;
	v3 =	vld [tilespmem:s18+$0x0]  }
0xa3: {  	s20 =	sand.u32 $0x7F0, s20;
	[tilespmem:s18+$0x0] =	vst v0  }
0xa4: {  	v4 =	vld [tilespmem:s20+$0xF080]  }
0xa5: {  	[tilespmem:s20+$0xF080] =	vst v0;
	v5 =	vld [tilespmem:s20+$0xF880]  }
0xa6: {  	[tilespmem:s20+$0xF880] =	vst v0;
	v6 =	vld [tilespmem:s20+$0x10080]  }
0xa7: {  	[tilespmem:s20+$0x10080] =	vst v0;
	v7 =	vld [tilespmem:s20+$0x10880]  }
0xa8: {  	[tilespmem:s20+$0x10880] =	vst v0;
	v8 =	vld [tilespmem:s20+$0x11080]  }
0xa9: {  	v3 =	vadd.s32 v3, v4;
	[tilespmem:s20+$0x11080] =	vst v0;
	v4 =	vld [tilespmem:s20+$0x11880]  }
0xaa: {  	v3 =	vadd.s32 v5, v3;
	[tilespmem:s20+$0x11880] =	vst v0;
	v5 =	vld [tilespmem:s20+$0x12080]  }
0xab: {  	v3 =	vadd.s32 v6, v3;
	[tilespmem:s20+$0x12080] =	vst v0;
	v6 =	vld [tilespmem:s20+$0x12880]  }
0xac: {  	v3 =	vadd.s32 v7, v3;
	[tilespmem:s20+$0x12880] =	vst v0;
	v7 =	vld [tilespmem:s20+$0x13080]  }
0xad: {  	v3 =	vadd.s32 v8, v3;
	[tilespmem:s20+$0x13080] =	vst v0;
	v8 =	vld [tilespmem:s20+$0x13880]  }
0xae: {  	v3 =	vadd.s32 v4, v3;
	[tilespmem:s20+$0x13880] =	vst v0;
	v4 =	vld [tilespmem:s20+$0x14080]  }
0xaf: {  	v3 =	vadd.s32 v5, v3;
	[tilespmem:s20+$0x14080] =	vst v0;
	v5 =	vld [tilespmem:s20+$0x14880]  }
0xb0: {  	v3 =	vadd.s32 v6, v3;
	[tilespmem:s20+$0x14880] =	vst v0;
	v6 =	vld [tilespmem:s20+$0x15080]  }
0xb1: {  	v3 =	vadd.s32 v7, v3;
	[tilespmem:s20+$0x15080] =	vst v0;
	v7 =	vld [tilespmem:s20+$0x15880]  }
0xb2: {  	v3 =	vadd.s32 v8, v3;
	[tilespmem:s20+$0x15880] =	vst v0;
	v8 =	vld [tilespmem:s20+$0x16080]  }
.Ltmp3:
0xb3: {  	v3 =	vadd.s32 v4, v3;
	[tilespmem:s20+$0x16080] =	vst v0;
	(pc) =	sbr.rel @p0 .LBB2_9-.Ltmp3, $4  }
0xb4: {  	v3 =	vadd.s32 v5, v3  }
0xb5: {  	v3 =	vadd.s32 v6, v3  }
0xb6: {  	v3 =	vadd.s32 v7, v3  }
0xb7: {  	v3 =	vadd.s32 v8, v3  }
0xb8: {  	s18 =	sshll.u32 s16, $0x8;
	s16 =	sadd.s32 $0x1, s16  }
0xb9: {  	p0 =	sne.s32 s16, $0x8  }
.Ltmp4:
0xba: {  	[tilespmem:s17+$0x0] =	vst v3;
	s31 =	sadd.s32 s18, s8;
	(pc) =	sbr.rel @p0 .LBB2_4-.Ltmp4, $4  }
0xbb: {  	[hbm4b:s31+s3] =	stream.linear.scatter [tilespmem:s13], [sflag:$0x3], $0x800, $0x38;
	[tilespmem:$0x16880] =	vst v63  }
0xbc: {  	_ =	swait.ge [sflag:s11], $0x800  }
0xbd: {  	[sflag:s11] =	ssyncset.done $0x0  }
0xbe: {  	[sflag:s11] =	ssyncadd.s32 $0xFFFFF800  }
0xbf: {  	s14 =	sadd.s32 $0x1, s14  }
0xc0: {  	p0 =	sne.s32 s14, s9  }
.Ltmp5:
0xc1: {  	_ = 	snop;
	(pc) =	sbr.rel @p0 .LBB2_1-.Ltmp5, $1  }
0xc2: {  	_ =	sdelay $0x3  }
0xc3: {  	_ =	sfence.sel $0x180000  }
0xc4: {  	[bflag:$0x0] =	sbarrier.arrive $0xFFFF  }
0xc5: {  	p0 =	sne.s32 s2, $0x0;
	_ =	strace $0x9000004A  }
0xc6: {  	s0 =	sadd.s32 @!p0 $0x100000, s0;
	[bflag:$0x2] =	sbarrier.arrive $0xFFFF  }
0xc7: {  	[sflag:s0] =	ssyncadd.tile.s32 @!p0 $0x1;
	_ =	shalt  }
.Lfunc_end2:
_tile_overlayer_lowered:
.L_overlay_start_2:
0xc8: {  	(tag) =	ssettag $0x2  }
0xc9: {  	s0 =	rddreg [dreg:$0x0];
	s2 =	stileid.u32  }
0xca: {  	s1 =	rddreg [dreg:$0x1];
	p0 =	sne.s32 s2, $0x0  }
0xcb: {  	s3 =	rddreg [dreg:$0x2];
	[bflag:$0x3] =	sbarrier.arrive $0xFFFF;
	s2 =	simm.s32 @!p0 $0x1C03  }
0xcc: {  	[timem:s3], [sflag:s2] =	dma.local @!p0 [hbm:s0], s1  }
0xcd: {  	s0 =	simm.s32 @!p0 $0x3  }
0xce: {  	_ =	swait.ge @!p0 [sflag:s0], s1  }
0xcf: {  	s1 =	ssub.s32 @!p0 $0x0, s1;
	[sflag:s0] =	ssyncset.done @!p0 $0x0  }
0xd0: {  	[sflag:s0] =	ssyncadd.s32 @!p0 s1  }
0xd1: {  	[bflag:$0x3] =	sbarrier.arrive $0xFFFF  }
0xd2: {  	_ =	shalt  }

</sc_bundles>
